<compile_context>
chip_gen: v7x
topology: tpu7x:2x2x1
jax: 0.10.2.dev20260603
libtpu: 0.0.44.dev20260713+nightly
codegen_flags: <defaults>
</compile_context>

<pallas_src>
import functools

import jax
import jax.numpy as jnp
from jax import lax
from jax.experimental import pallas as pl
from jax.experimental.pallas import tpu as pltpu
from jax.experimental.pallas import tpu_sc as plsc

_B = 16384
_F = 26
_VOCAB = 100000
_EMB = 64
_DENSE = 13
_ROWS = _F * _VOCAB

_NC, _NS = 2, 16
_NW = _NC * _NS
_ROWS_W = _B // _NW
_CHUNK = 32
_NCHUNK = _ROWS_W // _CHUNK
_IDX_PER_CHUNK = _CHUNK * _F
_IDX_ROWS = 7
_IDX_ROWS_PAD = 8
_NBLK = _B // _CHUNK
_NG128 = _IDX_PER_CHUNK // 128
_GTAIL = _IDX_PER_CHUNK - _NG128 * 128

_TLANES = 4096
_TGRID = 318
_PROWS = _TGRID * _TLANES
_BOFF = (_TGRID - 1) * _TLANES
_FSPLIT = 13


def _tc_transpose(table_t):
    def body(ina_ref, inb_ref, out_ref):
        out_ref[:, 0:_EMB] = jnp.transpose(ina_ref[...], (1, 0))
        out_ref[:, _EMB:128] = jnp.transpose(inb_ref[...], (1, 0))

    return pl.pallas_call(
        body,
        grid=(_TGRID,),
        in_specs=[
            pl.BlockSpec((_EMB, _TLANES), lambda i: (0, i)),
            pl.BlockSpec(
                (_EMB, _TLANES),
                lambda i: (0, jnp.minimum(i + _TGRID - 1,
                                          _ROWS // _TLANES))),
        ],
        out_specs=pl.BlockSpec((_TLANES, 128), lambda i: (i, 0)),
        out_shape=jax.ShapeDtypeStruct((_PROWS, 128), jnp.float32),
    )(table_t, table_t)


def _sc_embed_sum(sparse3d, offpat2d, table128):
    mesh = plsc.VectorSubcoreMesh(core_axis_name="c", subcore_axis_name="s")

    @functools.partial(
        pl.kernel,
        out_type=jax.ShapeDtypeStruct((_B, _EMB), jnp.float32),
        mesh=mesh,
        scratch_types=[
            pltpu.VMEM((_IDX_ROWS_PAD, 128), jnp.int32),
            pltpu.VMEM((_IDX_ROWS_PAD, 128), jnp.int32),
            pltpu.VMEM((_IDX_PER_CHUNK, 128), jnp.float32),
            pltpu.VMEM((_CHUNK, _EMB), jnp.float32),
            pltpu.SemaphoreType.DMA,
        ],
    )
    def body(sparse_hbm, offpat_hbm, table_hbm, out_hbm,
             feat_v, off_v, rows_v, acc_v, sem):
        wid = lax.axis_index("s") * _NC + lax.axis_index("c")
        pltpu.sync_copy(offpat_hbm, off_v)

        def chunk_body(ci, carry):
            blk = wid * _NCHUNK + ci
            row0 = wid * _ROWS_W + ci * _CHUNK
            pltpu.sync_copy(sparse_hbm.at[blk], feat_v)
            for j in range(_IDX_ROWS):
                for c in range(128 // 16):
                    s = pl.ds(c * 16, 16)
                    feat_v[j, s] = feat_v[j, s] + off_v[j, s]
            copies = [
                pltpu.async_copy(table_hbm.at[feat_v.at[j]],
                                 rows_v.at[pl.ds(j * 128, 128)], sem)
                for j in range(_NG128)
            ]
            copies.append(
                pltpu.async_copy(
                    table_hbm.at[feat_v.at[_NG128, pl.ds(0, _GTAIL)]],
                    rows_v.at[pl.ds(_NG128 * 128, _GTAIL)], sem))
            for cp in copies:
                cp.wait()

            def row_body(r, c2):
                p = r * _F
                for g in range(_EMB // 16):
                    a = None
                    for f in range(_F):
                        half = 0 if f < _FSPLIT else _EMB
                        v = rows_v[p + f, pl.ds(half + g * 16, 16)]
                        a = v if a is None else a + v
                    acc_v[r, pl.ds(g * 16, 16)] = a
                return c2

            lax.fori_loop(0, _CHUNK, row_body, 0, unroll=2)
            pltpu.sync_copy(acc_v, out_hbm.at[pl.ds(row0, _CHUNK)])
            return carry

        lax.fori_loop(0, _NCHUNK, chunk_body, 0)

    return body(sparse3d, offpat2d, table128)


def _tc_combine(embed_sum, dense_p, lin_Wp, lin_b2, lin_bias2,
                w1, b1_2, w2, b2_2, w3_2, b3_2):
    bt = 2048
    grid = (_B // bt,)

    def body(emb_ref, den_ref, lw_ref, lb_ref, lbias_ref,
             w1_ref, b1_ref, w2_ref, b2_ref, w3_ref, b3_ref, out_ref):
        ex = emb_ref[...] * (1.0 / _F)
        srow = jnp.sum(ex, axis=1)
        ssq = jnp.sum(ex * ex, axis=1)
        fm = 0.5 * (srow * srow - ssq)
        lin = (jnp.dot(den_ref[...], lw_ref[...],
                       preferred_element_type=jnp.float32)
               + lb_ref[...] + lbias_ref[...])
        cat = jnp.concatenate([ex, lin], axis=1)
        h = jnp.maximum(jnp.dot(cat, w1_ref[...],
                                preferred_element_type=jnp.float32)
                        + b1_ref[...], 0.0)
        h = jnp.maximum(jnp.dot(h, w2_ref[...],
                                preferred_element_type=jnp.float32)
                        + b2_ref[...], 0.0)
        mlp = jnp.sum(h * w3_ref[...], axis=1) + b3_ref[0, 0]
        out_ref[...] = jax.nn.sigmoid(fm + mlp)

    full = lambda a: pl.BlockSpec(a.shape, lambda i: tuple(0 for _ in a.shape))
    return pl.pallas_call(
        body,
        grid=grid,
        in_specs=[
            pl.BlockSpec((bt, _EMB), lambda i: (i, 0)),
            pl.BlockSpec((bt, _EMB), lambda i: (i, 0)),
            full(lin_Wp), full(lin_b2), full(lin_bias2),
            full(w1), full(b1_2), full(w2), full(b2_2), full(w3_2),
            pl.BlockSpec((1, 1), lambda i: (0, 0), memory_space=pltpu.SMEM),
        ],
        out_specs=pl.BlockSpec((bt,), lambda i: (i,)),
        out_shape=jax.ShapeDtypeStruct((_B,), jnp.float32),
    )(embed_sum, dense_p, lin_Wp, lin_b2, lin_bias2,
      w1, b1_2, w2, b2_2, w3_2, b3_2)


def kernel(sparse_feats, dense_feats, table, lin_W, lin_b, lin_bias,
           w1, b1, w2, b2, w3, b3):
    sparse3d = jnp.pad(
        sparse_feats.astype(jnp.int32).reshape(_NBLK, _IDX_PER_CHUNK),
        ((0, 0), (0, _IDX_ROWS_PAD * 128 - _IDX_PER_CHUNK))
    ).reshape(_NBLK, _IDX_ROWS_PAD, 128)
    field_off = jnp.array(
        [f * _VOCAB - (_BOFF if f >= _FSPLIT else 0) for f in range(_F)],
        dtype=jnp.int32)
    offpat = jnp.pad(
        jnp.tile(field_off, _CHUNK),
        (0, _IDX_ROWS_PAD * 128 - _IDX_PER_CHUNK)
    ).reshape(_IDX_ROWS_PAD, 128)
    table128 = _tc_transpose(table.T)
    embed_sum = _sc_embed_sum(sparse3d, offpat, table128)
    dense_p = jnp.pad(dense_feats, ((0, 0), (0, _EMB - _DENSE)))
    lin_Wp = jnp.pad(lin_W, ((0, _EMB - _DENSE), (0, 0)))
    return _tc_combine(
        embed_sum, dense_p, lin_Wp,
        lin_b.reshape(1, _EMB), lin_bias.reshape(1, _EMB),
        w1, b1.reshape(1, 128), w2, b2.reshape(1, _EMB),
        w3.reshape(1, _EMB), b3.reshape(1, 1))

# --- scband reference (transcript-rebuilt; emitter-appended) ---
"""Pipeline reference for scband-deep-factorization-machine-40819369181563 (READ-ONLY COPY).

The authoritative reference and input builder live on the scoring server;
editing this copy changes nothing except your own understanding.
"""

import jax, jax.numpy as jnp
import numpy as np

B = 16384
NUM_FIELDS = 26
VOCAB = 100000
EMB = 64
DENSE = 13


def setup_inputs(seed: int = 0) -> dict:
    key = jax.random.key(seed)
    ks = jax.random.split(key, 8)
    inp = {}
    inp["sparse_feats"] = jax.random.randint(ks[0], (B, NUM_FIELDS), 0, VOCAB)
    inp["dense_feats"] = jax.random.normal(ks[1], (B, DENSE), dtype=jnp.float32)
    # mixed-vocab embedding table: one big table with per-field row offsets
    inp["table"] = jax.random.normal(ks[2], (NUM_FIELDS * VOCAB, EMB), dtype=jnp.float32) * 0.01
    # FeatureLinear: nn.Linear(dense_input_dim, embed_dim) plus extra bias param
    inp["lin_W"] = jax.random.normal(ks[3], (DENSE, EMB), dtype=jnp.float32) * (1.0 / np.sqrt(DENSE))
    inp["lin_b"] = jnp.zeros((EMB,), dtype=jnp.float32)
    inp["lin_bias"] = jnp.zeros((EMB,), dtype=jnp.float32)
    # MLP: [2*EMB] -> 128 -> 64 -> 1
    inp["w1"] = jax.random.normal(ks[4], (2 * EMB, 128), dtype=jnp.float32) * (1.0 / np.sqrt(2 * EMB))
    inp["b1"] = jnp.zeros((128,), dtype=jnp.float32)
    inp["w2"] = jax.random.normal(ks[5], (128, 64), dtype=jnp.float32) * (1.0 / np.sqrt(128))
    inp["b2"] = jnp.zeros((64,), dtype=jnp.float32)
    inp["w3"] = jax.random.normal(ks[6], (64, 1), dtype=jnp.float32) * (1.0 / np.sqrt(64))
    inp["b3"] = jnp.zeros((1,), dtype=jnp.float32)
    return inp


def reference(sparse_feats, dense_feats, table, lin_W, lin_b, lin_bias, w1, b1, w2, b2, w3, b3):
    # FeatureEmbedding: mixed-vocab embedding bag, mode='mean' over fields -> [B, EMB]
    offsets = (jnp.arange(NUM_FIELDS) * VOCAB).astype(sparse_feats.dtype)
    idx = sparse_feats + offsets[None, :]
    emb = jnp.take(table, idx.reshape(-1), axis=0).reshape(B, NUM_FIELDS, EMB)
    embed_x = jnp.mean(emb, axis=1)
    # FeatureLinear on dense features -> [B, EMB]
    linear_x = dense_feats @ lin_W + lin_b + lin_bias
    combined_x = jnp.concatenate([embed_x, linear_x], axis=1)
    # FactorizationMachine (reduce over feature dim) -> [B]
    square_of_sum = jnp.sum(embed_x, axis=1) ** 2
    sum_of_square = jnp.sum(embed_x ** 2, axis=1)
    fm = 0.5 * (square_of_sum - sum_of_square)
    # MLP (dropout is identity in eval mode)
    h = jax.nn.relu(combined_x @ w1 + b1)
    h = jax.nn.relu(h @ w2 + b2)
    mlp_out = (h @ w3 + b3)[:, 0]
    return jax.nn.sigmoid(fm + mlp_out)

if __name__ == "__main__":
    import jax
    _d = setup_inputs()
    print(jax.jit(kernel)(*tuple(_d.values())))

</pallas_src>

<mosaic_0001>
#map = affine_map<(d0, d1) -> (0, 0, 0)>
#map1 = affine_map<(d0, d1) -> (0, 0)>
module attributes {stable_mosaic.version = 14 : i64} {
  func.func @body(%arg0: i32, %arg1: i32, %arg2: memref<512x8x128xi32, #tpu.memory_space<hbm>>, %arg3: memref<8x128xi32, #tpu.memory_space<hbm>>, %arg4: memref<1302528x128xf32, #tpu.memory_space<hbm>>, %arg5: memref<16384x64xf32, #tpu.memory_space<hbm>>, %arg6: memref<8x128xi32, #tpu.memory_space<vmem>>, %arg7: memref<8x128xi32, #tpu.memory_space<vmem>>, %arg8: memref<832x128xf32, #tpu.memory_space<vmem>>, %arg9: memref<32x64xf32, #tpu.memory_space<vmem>>, %arg10: memref<!tpu.dma_semaphore, #tpu.memory_space<semaphore_mem>>) attributes {dimension_semantics = [#tpu.dimension_semantics<core_parallel>, #tpu.dimension_semantics<subcore_parallel>], iteration_bounds = array<i64: 2, 16>, scalar_prefetch = 0 : i64, scratch_operands = 5 : i64, tpu.core_type = #tpu.core_type<sc_vector_subcore>, window_params = [{transform_indices = #map}, {transform_indices = #map1}, {transform_indices = #map1}, {transform_indices = #map1}]} {
    %mul3A = arith.constant 2 : i32
    %mul3A_0 = arith.muli %arg1, %mul3A : i32
    %add3A = arith.addi %mul3A_0, %arg0 : i32
    "tpu.region"() ({
      %run_scoped3A = tpu.sem_alloc : memref<!tpu.dma_semaphore, #tpu.memory_space<semaphore_mem>>
      tpu.enqueue_dma source(%arg3 : memref<8x128xi32, #tpu.memory_space<hbm>>) target(%arg7 : memref<8x128xi32, #tpu.memory_space<vmem>>) target_semaphore(%run_scoped3A : memref<!tpu.dma_semaphore, #tpu.memory_space<semaphore_mem>>)
      tpu.wait_dma2 semaphore(%run_scoped3A : memref<!tpu.dma_semaphore, #tpu.memory_space<semaphore_mem>>) src(%arg3 : memref<8x128xi32, #tpu.memory_space<hbm>>) dst(%arg7 : memref<8x128xi32, #tpu.memory_space<vmem>>)
      tpu.yield
    }) : () -> ()
    %scan3A = arith.constant 0 : i32
    %scan3A_1 = arith.constant 0 : i32
    %scan3A_2 = arith.constant 16 : i32
    %scan3A_3 = arith.addi %scan3A_1, %scan3A_2 : i32
    %scan3A_4 = arith.constant 1 : i32
    scf.for %scan3A_6 = %scan3A_1 to %scan3A_3 step %scan3A_4  : i32 {
      %mul3A_7 = arith.constant 16 : i32
      %mul3A_8 = arith.muli %add3A, %mul3A_7 : i32
      %add3A_9 = arith.addi %mul3A_8, %scan3A_6 : i32
      %mul3A_10 = arith.constant 512 : i32
      %mul3A_11 = arith.muli %add3A, %mul3A_10 : i32
      %mul3A_12 = arith.constant 32 : i32
      %mul3A_13 = arith.muli %scan3A_6, %mul3A_12 : i32
      %add3A_14 = arith.addi %mul3A_11, %mul3A_13 : i32
      "tpu.region"() ({
        %run_scoped3A = tpu.sem_alloc : memref<!tpu.dma_semaphore, #tpu.memory_space<semaphore_mem>>
        %dma_start3A_1109 = arith.constant 0 : i32
        %dma_start3A_1110 = arith.constant 0 : i32
        %dma_start3A_1111 = tpu.memref_slice %arg2[%add3A_9, %dma_start3A_1109, %dma_start3A_1110] : memref<512x8x128xi32, #tpu.memory_space<hbm>> -> memref<1x8x128xi32, #tpu.memory_space<hbm>>
        %dma_start3A_1112 = tpu.memref_squeeze %dma_start3A_1111 : memref<1x8x128xi32, #tpu.memory_space<hbm>> -> memref<8x128xi32, #tpu.memory_space<hbm>>
        %dma_start3A_1113 = arith.constant 0 : i32
        %dma_start3A_1114 = arith.constant 0 : i32
        %dma_start3A_1115 = tpu.memref_slice %arg2[%add3A_9, %dma_start3A_1113, %dma_start3A_1114] : memref<512x8x128xi32, #tpu.memory_space<hbm>> -> memref<1x8x128xi32, #tpu.memory_space<hbm>>
        %dma_start3A_1116 = tpu.memref_squeeze %dma_start3A_1115 : memref<1x8x128xi32, #tpu.memory_space<hbm>> -> memref<8x128xi32, #tpu.memory_space<hbm>>
        tpu.enqueue_dma source(%dma_start3A_1116 : memref<8x128xi32, #tpu.memory_space<hbm>>) target(%arg6 : memref<8x128xi32, #tpu.memory_space<vmem>>) target_semaphore(%run_scoped3A : memref<!tpu.dma_semaphore, #tpu.memory_space<semaphore_mem>>)
        %dma_wait3A_1117 = arith.constant 0 : i32
        %dma_wait3A_1118 = arith.constant 0 : i32
        %dma_wait3A_1119 = tpu.memref_slice %arg2[%add3A_9, %dma_wait3A_1117, %dma_wait3A_1118] : memref<512x8x128xi32, #tpu.memory_space<hbm>> -> memref<1x8x128xi32, #tpu.memory_space<hbm>>
        %dma_wait3A_1120 = tpu.memref_squeeze %dma_wait3A_1119 : memref<1x8x128xi32, #tpu.memory_space<hbm>> -> memref<8x128xi32, #tpu.memory_space<hbm>>
        %dma_wait3A_1121 = arith.constant 0 : i32
        %dma_wait3A_1122 = arith.constant 0 : i32
        %dma_wait3A_1123 = tpu.memref_slice %arg2[%add3A_9, %dma_wait3A_1121, %dma_wait3A_1122] : memref<512x8x128xi32, #tpu.memory_space<hbm>> -> memref<1x8x128xi32, #tpu.memory_space<hbm>>
        %dma_wait3A_1124 = tpu.memref_squeeze %dma_wait3A_1123 : memref<1x8x128xi32, #tpu.memory_space<hbm>> -> memref<8x128xi32, #tpu.memory_space<hbm>>
        tpu.wait_dma2 semaphore(%run_scoped3A : memref<!tpu.dma_semaphore, #tpu.memory_space<semaphore_mem>>) src(%dma_wait3A_1124 : memref<8x128xi32, #tpu.memory_space<hbm>>) dst(%arg6 : memref<8x128xi32, #tpu.memory_space<vmem>>)
        tpu.yield
      }) : () -> ()
      %get3A = arith.constant 0 : i32
      %get3A_15 = arith.index_cast %get3A : i32 to index
      %get3A_16 = arith.constant 0 : index
      %get3A_17 = tpu.vector_load %arg6[%get3A_15, %get3A_16] {strides = array<i32>} : memref<8x128xi32, #tpu.memory_space<vmem>>, vector<1x16xi32>,
      %get3A_18 = vector.shape_cast %get3A_17 : vector<1x16xi32> to vector<16xi32>
      %get3A_19 = arith.constant 0 : i32
      %get3A_20 = arith.index_cast %get3A_19 : i32 to index
      %get3A_21 = arith.constant 0 : index
      %get3A_22 = tpu.vector_load %arg7[%get3A_20, %get3A_21] {strides = array<i32>} : memref<8x128xi32, #tpu.memory_space<vmem>>, vector<1x16xi32>,
      %get3A_23 = vector.shape_cast %get3A_22 : vector<1x16xi32> to vector<16xi32>
      %add3A_24 = arith.addi %get3A_18, %get3A_23 : vector<16xi32>
      %swap3A = arith.constant 0 : i32
      %swap3A_25 = arith.index_cast %swap3A : i32 to index
      %swap3A_26 = arith.constant 0 : index
      %swap3A_27 = tpu.vector_load %arg6[%swap3A_25, %swap3A_26] {strides = array<i32>} : memref<8x128xi32, #tpu.memory_space<vmem>>, vector<1x16xi32>,
      %swap3A_28 = vector.shape_cast %swap3A_27 : vector<1x16xi32> to vector<16xi32>
      %swap3A_29 = vector.shape_cast %add3A_24 : vector<16xi32> to vector<1x16xi32>
      tpu.vector_store %arg6[%swap3A_25, %swap3A_26], %swap3A_29 {strides = array<i32>} : memref<8x128xi32, #tpu.memory_space<vmem>>, vector<1x16xi32>,
      %get3A_30 = arith.constant 0 : i32
      %get3A_31 = arith.index_cast %get3A_30 : i32 to index
      %get3A_32 = arith.constant 16 : index
      %get3A_33 = tpu.vector_load %arg6[%get3A_31, %get3A_32] {strides = array<i32>} : memref<8x128xi32, #tpu.memory_space<vmem>>, vector<1x16xi32>,
      %get3A_34 = vector.shape_cast %get3A_33 : vector<1x16xi32> to vector<16xi32>
      %get3A_35 = arith.constant 0 : i32
      %get3A_36 = arith.index_cast %get3A_35 : i32 to index
      %get3A_37 = arith.constant 16 : index
      %get3A_38 = tpu.vector_load %arg7[%get3A_36, %get3A_37] {strides = array<i32>} : memref<8x128xi32, #tpu.memory_space<vmem>>, vector<1x16xi32>,
      %get3A_39 = vector.shape_cast %get3A_38 : vector<1x16xi32> to vector<16xi32>
      %add3A_40 = arith.addi %get3A_34, %get3A_39 : vector<16xi32>
      %swap3A_41 = arith.constant 0 : i32
      %swap3A_42 = arith.index_cast %swap3A_41 : i32 to index
      %swap3A_43 = arith.constant 16 : index
      %swap3A_44 = tpu.vector_load %arg6[%swap3A_42, %swap3A_43] {strides = array<i32>} : memref<8x128xi32, #tpu.memory_space<vmem>>, vector<1x16xi32>,
      %swap3A_45 = vector.shape_cast %swap3A_44 : vector<1x16xi32> to vector<16xi32>
      %swap3A_46 = vector.shape_cast %add3A_40 : vector<16xi32> to vector<1x16xi32>
      tpu.vector_store %arg6[%swap3A_42, %swap3A_43], %swap3A_46 {strides = array<i32>} : memref<8x128xi32, #tpu.memory_space<vmem>>, vector<1x16xi32>,
      %get3A_47 = arith.constant 0 : i32
      %get3A_48 = arith.index_cast %get3A_47 : i32 to index
      %get3A_49 = arith.constant 32 : index
      %get3A_50 = tpu.vector_load %arg6[%get3A_48, %get3A_49] {strides = array<i32>} : memref<8x128xi32, #tpu.memory_space<vmem>>, vector<1x16xi32>,
      %get3A_51 = vector.shape_cast %get3A_50 : vector<1x16xi32> to vector<16xi32>
      %get3A_52 = arith.constant 0 : i32
      %get3A_53 = arith.index_cast %get3A_52 : i32 to index
      %get3A_54 = arith.constant 32 : index
      %get3A_55 = tpu.vector_load %arg7[%get3A_53, %get3A_54] {strides = array<i32>} : memref<8x128xi32, #tpu.memory_space<vmem>>, vector<1x16xi32>,
      %get3A_56 = vector.shape_cast %get3A_55 : vector<1x16xi32> to vector<16xi32>
      %add3A_57 = arith.addi %get3A_51, %get3A_56 : vector<16xi32>
      %swap3A_58 = arith.constant 0 : i32
      %swap3A_59 = arith.index_cast %swap3A_58 : i32 to index
      %swap3A_60 = arith.constant 32 : index
      %swap3A_61 = tpu.vector_load %arg6[%swap3A_59, %swap3A_60] {strides = array<i32>} : memref<8x128xi32, #tpu.memory_space<vmem>>, vector<1x16xi32>,
      %swap3A_62 = vector.shape_cast %swap3A_61 : vector<1x16xi32> to vector<16xi32>
      %swap3A_63 = vector.shape_cast %add3A_57 : vector<16xi32> to vector<1x16xi32>
      tpu.vector_store %arg6[%swap3A_59, %swap3A_60], %swap3A_63 {strides = array<i32>} : memref<8x128xi32, #tpu.memory_space<vmem>>, vector<1x16xi32>,
      %get3A_64 = arith.constant 0 : i32
      %get3A_65 = arith.index_cast %get3A_64 : i32 to index
      %get3A_66 = arith.constant 48 : index
      %get3A_67 = tpu.vector_load %arg6[%get3A_65, %get3A_66] {strides = array<i32>} : memref<8x128xi32, #tpu.memory_space<vmem>>, vector<1x16xi32>,
      %get3A_68 = vector.shape_cast %get3A_67 : vector<1x16xi32> to vector<16xi32>
      %get3A_69 = arith.constant 0 : i32
      %get3A_70 = arith.index_cast %get3A_69 : i32 to index
      %get3A_71 = arith.constant 48 : index
      %get3A_72 = tpu.vector_load %arg7[%get3A_70, %get3A_71] {strides = array<i32>} : memref<8x128xi32, #tpu.memory_space<vmem>>, vector<1x16xi32>,
      %get3A_73 = vector.shape_cast %get3A_72 : vector<1x16xi32> to vector<16xi32>
      %add3A_74 = arith.addi %get3A_68, %get3A_73 : vector<16xi32>
      %swap3A_75 = arith.constant 0 : i32
      %swap3A_76 = arith.index_cast %swap3A_75 : i32 to index
      %swap3A_77 = arith.constant 48 : index
      %swap3A_78 = tpu.vector_load %arg6[%swap3A_76, %swap3A_77] {strides = array<i32>} : memref<8x128xi32, #tpu.memory_space<vmem>>, vector<1x16xi32>,
      %swap3A_79 = vector.shape_cast %swap3A_78 : vector<1x16xi32> to vector<16xi32>
      %swap3A_80 = vector.shape_cast %add3A_74 : vector<16xi32> to vector<1x16xi32>
      tpu.vector_store %arg6[%swap3A_76, %swap3A_77], %swap3A_80 {strides = array<i32>} : memref<8x128xi32, #tpu.memory_space<vmem>>, vector<1x16xi32>,
      %get3A_81 = arith.constant 0 : i32
      %get3A_82 = arith.index_cast %get3A_81 : i32 to index
      %get3A_83 = arith.constant 64 : index
      %get3A_84 = tpu.vector_load %arg6[%get3A_82, %get3A_83] {strides = array<i32>} : memref<8x128xi32, #tpu.memory_space<vmem>>, vector<1x16xi32>,
      %get3A_85 = vector.shape_cast %get3A_84 : vector<1x16xi32> to vector<16xi32>
      %get3A_86 = arith.constant 0 : i32
      %get3A_87 = arith.index_cast %get3A_86 : i32 to index
      %get3A_88 = arith.constant 64 : index
      %get3A_89 = tpu.vector_load %arg7[%get3A_87, %get3A_88] {strides = array<i32>} : memref<8x128xi32, #tpu.memory_space<vmem>>, vector<1x16xi32>,
      %get3A_90 = vector.shape_cast %get3A_89 : vector<1x16xi32> to vector<16xi32>
      %add3A_91 = arith.addi %get3A_85, %get3A_90 : vector<16xi32>
      %swap3A_92 = arith.constant 0 : i32
      %swap3A_93 = arith.index_cast %swap3A_92 : i32 to index
      %swap3A_94 = arith.constant 64 : index
      %swap3A_95 = tpu.vector_load %arg6[%swap3A_93, %swap3A_94] {strides = array<i32>} : memref<8x128xi32, #tpu.memory_space<vmem>>, vector<1x16xi32>,
      %swap3A_96 = vector.shape_cast %swap3A_95 : vector<1x16xi32> to vector<16xi32>
      %swap3A_97 = vector.shape_cast %add3A_91 : vector<16xi32> to vector<1x16xi32>
      tpu.vector_store %arg6[%swap3A_93, %swap3A_94], %swap3A_97 {strides = array<i32>} : memref<8x128xi32, #tpu.memory_space<vmem>>, vector<1x16xi32>,
      %get3A_98 = arith.constant 0 : i32
      %get3A_99 = arith.index_cast %get3A_98 : i32 to index
      %get3A_100 = arith.constant 80 : index
      %get3A_101 = tpu.vector_load %arg6[%get3A_99, %get3A_100] {strides = array<i32>} : memref<8x128xi32, #tpu.memory_space<vmem>>, vector<1x16xi32>,
      %get3A_102 = vector.shape_cast %get3A_101 : vector<1x16xi32> to vector<16xi32>
      %get3A_103 = arith.constant 0 : i32
      %get3A_104 = arith.index_cast %get3A_103 : i32 to index
      %get3A_105 = arith.constant 80 : index
      %get3A_106 = tpu.vector_load %arg7[%get3A_104, %get3A_105] {strides = array<i32>} : memref<8x128xi32, #tpu.memory_space<vmem>>, vector<1x16xi32>,
      %get3A_107 = vector.shape_cast %get3A_106 : vector<1x16xi32> to vector<16xi32>
      %add3A_108 = arith.addi %get3A_102, %get3A_107 : vector<16xi32>
      %swap3A_109 = arith.constant 0 : i32
      %swap3A_110 = arith.index_cast %swap3A_109 : i32 to index
      %swap3A_111 = arith.constant 80 : index
      %swap3A_112 = tpu.vector_load %arg6[%swap3A_110, %swap3A_111] {strides = array<i32>} : memref<8x128xi32, #tpu.memory_space<vmem>>, vector<1x16xi32>,
      %swap3A_113 = vector.shape_cast %swap3A_112 : vector<1x16xi32> to vector<16xi32>
      %swap3A_114 = vector.shape_cast %add3A_108 : vector<16xi32> to vector<1x16xi32>
      tpu.vector_store %arg6[%swap3A_110, %swap3A_111], %swap3A_114 {strides = array<i32>} : memref<8x128xi32, #tpu.memory_space<vmem>>, vector<1x16xi32>,
      %get3A_115 = arith.constant 0 : i32
      %get3A_116 = arith.index_cast %get3A_115 : i32 to index
      %get3A_117 = arith.constant 96 : index
      %get3A_118 = tpu.vector_load %arg6[%get3A_116, %get3A_117] {strides = array<i32>} : memref<8x128xi32, #tpu.memory_space<vmem>>, vector<1x16xi32>,
      %get3A_119 = vector.shape_cast %get3A_118 : vector<1x16xi32> to vector<16xi32>
      %get3A_120 = arith.constant 0 : i32
      %get3A_121 = arith.index_cast %get3A_120 : i32 to index
      %get3A_122 = arith.constant 96 : index
      %get3A_123 = tpu.vector_load %arg7[%get3A_121, %get3A_122] {strides = array<i32>} : memref<8x128xi32, #tpu.memory_space<vmem>>, vector<1x16xi32>,
      %get3A_124 = vector.shape_cast %get3A_123 : vector<1x16xi32> to vector<16xi32>
      %add3A_125 = arith.addi %get3A_119, %get3A_124 : vector<16xi32>
      %swap3A_126 = arith.constant 0 : i32
      %swap3A_127 = arith.index_cast %swap3A_126 : i32 to index
      %swap3A_128 = arith.constant 96 : index
      %swap3A_129 = tpu.vector_load %arg6[%swap3A_127, %swap3A_128] {strides = array<i32>} : memref<8x128xi32, #tpu.memory_space<vmem>>, vector<1x16xi32>,
      %swap3A_130 = vector.shape_cast %swap3A_129 : vector<1x16xi32> to vector<16xi32>
      %swap3A_131 = vector.shape_cast %add3A_125 : vector<16xi32> to vector<1x16xi32>
      tpu.vector_store %arg6[%swap3A_127, %swap3A_128], %swap3A_131 {strides = array<i32>} : memref<8x128xi32, #tpu.memory_space<vmem>>, vector<1x16xi32>,
      %get3A_132 = arith.constant 0 : i32
      %get3A_133 = arith.index_cast %get3A_132 : i32 to index
      %get3A_134 = arith.constant 112 : index
      %get3A_135 = tpu.vector_load %arg6[%get3A_133, %get3A_134] {strides = array<i32>} : memref<8x128xi32, #tpu.memory_space<vmem>>, vector<1x16xi32>,
      %get3A_136 = vector.shape_cast %get3A_135 : vector<1x16xi32> to vector<16xi32>
      %get3A_137 = arith.constant 0 : i32
      %get3A_138 = arith.index_cast %get3A_137 : i32 to index
      %get3A_139 = arith.constant 112 : index
      %get3A_140 = tpu.vector_load %arg7[%get3A_138, %get3A_139] {strides = array<i32>} : memref<8x128xi32, #tpu.memory_space<vmem>>, vector<1x16xi32>,
      %get3A_141 = vector.shape_cast %get3A_140 : vector<1x16xi32> to vector<16xi32>
      %add3A_142 = arith.addi %get3A_136, %get3A_141 : vector<16xi32>
      %swap3A_143 = arith.constant 0 : i32
      %swap3A_144 = arith.index_cast %swap3A_143 : i32 to index
      %swap3A_145 = arith.constant 112 : index
      %swap3A_146 = tpu.vector_load %arg6[%swap3A_144, %swap3A_145] {strides = array<i32>} : memref<8x128xi32, #tpu.memory_space<vmem>>, vector<1x16xi32>,
      %swap3A_147 = vector.shape_cast %swap3A_146 : vector<1x16xi32> to vector<16xi32>
      %swap3A_148 = vector.shape_cast %add3A_142 : vector<16xi32> to vector<1x16xi32>
      tpu.vector_store %arg6[%swap3A_144, %swap3A_145], %swap3A_148 {strides = array<i32>} : memref<8x128xi32, #tpu.memory_space<vmem>>, vector<1x16xi32>,
      %get3A_149 = arith.constant 1 : i32
      %get3A_150 = arith.index_cast %get3A_149 : i32 to index
      %get3A_151 = arith.constant 0 : index
      %get3A_152 = tpu.vector_load %arg6[%get3A_150, %get3A_151] {strides = array<i32>} : memref<8x128xi32, #tpu.memory_space<vmem>>, vector<1x16xi32>,
      %get3A_153 = vector.shape_cast %get3A_152 : vector<1x16xi32> to vector<16xi32>
      %get3A_154 = arith.constant 1 : i32
      %get3A_155 = arith.index_cast %get3A_154 : i32 to index
      %get3A_156 = arith.constant 0 : index
      %get3A_157 = tpu.vector_load %arg7[%get3A_155, %get3A_156] {strides = array<i32>} : memref<8x128xi32, #tpu.memory_space<vmem>>, vector<1x16xi32>,
      %get3A_158 = vector.shape_cast %get3A_157 : vector<1x16xi32> to vector<16xi32>
      %add3A_159 = arith.addi %get3A_153, %get3A_158 : vector<16xi32>
      %swap3A_160 = arith.constant 1 : i32
      %swap3A_161 = arith.index_cast %swap3A_160 : i32 to index
      %swap3A_162 = arith.constant 0 : index
      %swap3A_163 = tpu.vector_load %arg6[%swap3A_161, %swap3A_162] {strides = array<i32>} : memref<8x128xi32, #tpu.memory_space<vmem>>, vector<1x16xi32>,
      %swap3A_164 = vector.shape_cast %swap3A_163 : vector<1x16xi32> to vector<16xi32>
      %swap3A_165 = vector.shape_cast %add3A_159 : vector<16xi32> to vector<1x16xi32>
      tpu.vector_store %arg6[%swap3A_161, %swap3A_162], %swap3A_165 {strides = array<i32>} : memref<8x128xi32, #tpu.memory_space<vmem>>, vector<1x16xi32>,
      %get3A_166 = arith.constant 1 : i32
      %get3A_167 = arith.index_cast %get3A_166 : i32 to index
      %get3A_168 = arith.constant 16 : index
      %get3A_169 = tpu.vector_load %arg6[%get3A_167, %get3A_168] {strides = array<i32>} : memref<8x128xi32, #tpu.memory_space<vmem>>, vector<1x16xi32>,
      %get3A_170 = vector.shape_cast %get3A_169 : vector<1x16xi32> to vector<16xi32>
      %get3A_171 = arith.constant 1 : i32
      %get3A_172 = arith.index_cast %get3A_171 : i32 to index
      %get3A_173 = arith.constant 16 : index
      %get3A_174 = tpu.vector_load %arg7[%get3A_172, %get3A_173] {strides = array<i32>} : memref<8x128xi32, #tpu.memory_space<vmem>>, vector<1x16xi32>,
      %get3A_175 = vector.shape_cast %get3A_174 : vector<1x16xi32> to vector<16xi32>
      %add3A_176 = arith.addi %get3A_170, %get3A_175 : vector<16xi32>
      %swap3A_177 = arith.constant 1 : i32
      %swap3A_178 = arith.index_cast %swap3A_177 : i32 to index
      %swap3A_179 = arith.constant 16 : index
      %swap3A_180 = tpu.vector_load %arg6[%swap3A_178, %swap3A_179] {strides = array<i32>} : memref<8x128xi32, #tpu.memory_space<vmem>>, vector<1x16xi32>,
      %swap3A_181 = vector.shape_cast %swap3A_180 : vector<1x16xi32> to vector<16xi32>
      %swap3A_182 = vector.shape_cast %add3A_176 : vector<16xi32> to vector<1x16xi32>
      tpu.vector_store %arg6[%swap3A_178, %swap3A_179], %swap3A_182 {strides = array<i32>} : memref<8x128xi32, #tpu.memory_space<vmem>>, vector<1x16xi32>,
      %get3A_183 = arith.constant 1 : i32
      %get3A_184 = arith.index_cast %get3A_183 : i32 to index
      %get3A_185 = arith.constant 32 : index
      %get3A_186 = tpu.vector_load %arg6[%get3A_184, %get3A_185] {strides = array<i32>} : memref<8x128xi32, #tpu.memory_space<vmem>>, vector<1x16xi32>,
      %get3A_187 = vector.shape_cast %get3A_186 : vector<1x16xi32> to vector<16xi32>
      %get3A_188 = arith.constant 1 : i32
      %get3A_189 = arith.index_cast %get3A_188 : i32 to index
      %get3A_190 = arith.constant 32 : index
      %get3A_191 = tpu.vector_load %arg7[%get3A_189, %get3A_190] {strides = array<i32>} : memref<8x128xi32, #tpu.memory_space<vmem>>, vector<1x16xi32>,
      %get3A_192 = vector.shape_cast %get3A_191 : vector<1x16xi32> to vector<16xi32>
      %add3A_193 = arith.addi %get3A_187, %get3A_192 : vector<16xi32>
      %swap3A_194 = arith.constant 1 : i32
      %swap3A_195 = arith.index_cast %swap3A_194 : i32 to index
      %swap3A_196 = arith.constant 32 : index
      %swap3A_197 = tpu.vector_load %arg6[%swap3A_195, %swap3A_196] {strides = array<i32>} : memref<8x128xi32, #tpu.memory_space<vmem>>, vector<1x16xi32>,
      %swap3A_198 = vector.shape_cast %swap3A_197 : vector<1x16xi32> to vector<16xi32>
      %swap3A_199 = vector.shape_cast %add3A_193 : vector<16xi32> to vector<1x16xi32>
      tpu.vector_store %arg6[%swap3A_195, %swap3A_196], %swap3A_199 {strides = array<i32>} : memref<8x128xi32, #tpu.memory_space<vmem>>, vector<1x16xi32>,
      %get3A_200 = arith.constant 1 : i32
      %get3A_201 = arith.index_cast %get3A_200 : i32 to index
      %get3A_202 = arith.constant 48 : index
      %get3A_203 = tpu.vector_load %arg6[%get3A_201, %get3A_202] {strides = array<i32>} : memref<8x128xi32, #tpu.memory_space<vmem>>, vector<1x16xi32>,
      %get3A_204 = vector.shape_cast %get3A_203 : vector<1x16xi32> to vector<16xi32>
      %get3A_205 = arith.constant 1 : i32
      %get3A_206 = arith.index_cast %get3A_205 : i32 to index
      %get3A_207 = arith.constant 48 : index
      %get3A_208 = tpu.vector_load %arg7[%get3A_206, %get3A_207] {strides = array<i32>} : memref<8x128xi32, #tpu.memory_space<vmem>>, vector<1x16xi32>,
      %get3A_209 = vector.shape_cast %get3A_208 : vector<1x16xi32> to vector<16xi32>
      %add3A_210 = arith.addi %get3A_204, %get3A_209 : vector<16xi32>
      %swap3A_211 = arith.constant 1 : i32
      %swap3A_212 = arith.index_cast %swap3A_211 : i32 to index
      %swap3A_213 = arith.constant 48 : index
      %swap3A_214 = tpu.vector_load %arg6[%swap3A_212, %swap3A_213] {strides = array<i32>} : memref<8x128xi32, #tpu.memory_space<vmem>>, vector<1x16xi32>,
      %swap3A_215 = vector.shape_cast %swap3A_214 : vector<1x16xi32> to vector<16xi32>
      %swap3A_216 = vector.shape_cast %add3A_210 : vector<16xi32> to vector<1x16xi32>
      tpu.vector_store %arg6[%swap3A_212, %swap3A_213], %swap3A_216 {strides = array<i32>} : memref<8x128xi32, #tpu.memory_space<vmem>>, vector<1x16xi32>,
      %get3A_217 = arith.constant 1 : i32
      %get3A_218 = arith.index_cast %get3A_217 : i32 to index
      %get3A_219 = arith.constant 64 : index
      %get3A_220 = tpu.vector_load %arg6[%get3A_218, %get3A_219] {strides = array<i32>} : memref<8x128xi32, #tpu.memory_space<vmem>>, vector<1x16xi32>,
      %get3A_221 = vector.shape_cast %get3A_220 : vector<1x16xi32> to vector<16xi32>
      %get3A_222 = arith.constant 1 : i32
      %get3A_223 = arith.index_cast %get3A_222 : i32 to index
      %get3A_224 = arith.constant 64 : index
      %get3A_225 = tpu.vector_load %arg7[%get3A_223, %get3A_224] {strides = array<i32>} : memref<8x128xi32, #tpu.memory_space<vmem>>, vector<1x16xi32>,
      %get3A_226 = vector.shape_cast %get3A_225 : vector<1x16xi32> to vector<16xi32>
      %add3A_227 = arith.addi %get3A_221, %get3A_226 : vector<16xi32>
      %swap3A_228 = arith.constant 1 : i32
      %swap3A_229 = arith.index_cast %swap3A_228 : i32 to index
      %swap3A_230 = arith.constant 64 : index
      %swap3A_231 = tpu.vector_load %arg6[%swap3A_229, %swap3A_230] {strides = array<i32>} : memref<8x128xi32, #tpu.memory_space<vmem>>, vector<1x16xi32>,
      %swap3A_232 = vector.shape_cast %swap3A_231 : vector<1x16xi32> to vector<16xi32>
      %swap3A_233 = vector.shape_cast %add3A_227 : vector<16xi32> to vector<1x16xi32>
      tpu.vector_store %arg6[%swap3A_229, %swap3A_230], %swap3A_233 {strides = array<i32>} : memref<8x128xi32, #tpu.memory_space<vmem>>, vector<1x16xi32>,
      %get3A_234 = arith.constant 1 : i32
      %get3A_235 = arith.index_cast %get3A_234 : i32 to index
      %get3A_236 = arith.constant 80 : index
      %get3A_237 = tpu.vector_load %arg6[%get3A_235, %get3A_236] {strides = array<i32>} : memref<8x128xi32, #tpu.memory_space<vmem>>, vector<1x16xi32>,
      %get3A_238 = vector.shape_cast %get3A_237 : vector<1x16xi32> to vector<16xi32>
      %get3A_239 = arith.constant 1 : i32
      %get3A_240 = arith.index_cast %get3A_239 : i32 to index
      %get3A_241 = arith.constant 80 : index
      %get3A_242 = tpu.vector_load %arg7[%get3A_240, %get3A_241] {strides = array<i32>} : memref<8x128xi32, #tpu.memory_space<vmem>>, vector<1x16xi32>,
      %get3A_243 = vector.shape_cast %get3A_242 : vector<1x16xi32> to vector<16xi32>
      %add3A_244 = arith.addi %get3A_238, %get3A_243 : vector<16xi32>
      %swap3A_245 = arith.constant 1 : i32
      %swap3A_246 = arith.index_cast %swap3A_245 : i32 to index
      %swap3A_247 = arith.constant 80 : index
      %swap3A_248 = tpu.vector_load %arg6[%swap3A_246, %swap3A_247] {strides = array<i32>} : memref<8x128xi32, #tpu.memory_space<vmem>>, vector<1x16xi32>,
      %swap3A_249 = vector.shape_cast %swap3A_248 : vector<1x16xi32> to vector<16xi32>
      %swap3A_250 = vector.shape_cast %add3A_244 : vector<16xi32> to vector<1x16xi32>
      tpu.vector_store %arg6[%swap3A_246, %swap3A_247], %swap3A_250 {strides = array<i32>} : memref<8x128xi32, #tpu.memory_space<vmem>>, vector<1x16xi32>,
      %get3A_251 = arith.constant 1 : i32
      %get3A_252 = arith.index_cast %get3A_251 : i32 to index
      %get3A_253 = arith.constant 96 : index
      %get3A_254 = tpu.vector_load %arg6[%get3A_252, %get3A_253] {strides = array<i32>} : memref<8x128xi32, #tpu.memory_space<vmem>>, vector<1x16xi32>,
      %get3A_255 = vector.shape_cast %get3A_254 : vector<1x16xi32> to vector<16xi32>
      %get3A_256 = arith.constant 1 : i32
      %get3A_257 = arith.index_cast %get3A_256 : i32 to index
      %get3A_258 = arith.constant 96 : index
      %get3A_259 = tpu.vector_load %arg7[%get3A_257, %get3A_258] {strides = array<i32>} : memref<8x128xi32, #tpu.memory_space<vmem>>, vector<1x16xi32>,
      %get3A_260 = vector.shape_cast %get3A_259 : vector<1x16xi32> to vector<16xi32>
      %add3A_261 = arith.addi %get3A_255, %get3A_260 : vector<16xi32>
      %swap3A_262 = arith.constant 1 : i32
      %swap3A_263 = arith.index_cast %swap3A_262 : i32 to index
      %swap3A_264 = arith.constant 96 : index
      %swap3A_265 = tpu.vector_load %arg6[%swap3A_263, %swap3A_264] {strides = array<i32>} : memref<8x128xi32, #tpu.memory_space<vmem>>, vector<1x16xi32>,
      %swap3A_266 = vector.shape_cast %swap3A_265 : vector<1x16xi32> to vector<16xi32>
      %swap3A_267 = vector.shape_cast %add3A_261 : vector<16xi32> to vector<1x16xi32>
      tpu.vector_store %arg6[%swap3A_263, %swap3A_264], %swap3A_267 {strides = array<i32>} : memref<8x128xi32, #tpu.memory_space<vmem>>, vector<1x16xi32>,
      %get3A_268 = arith.constant 1 : i32
      %get3A_269 = arith.index_cast %get3A_268 : i32 to index
      %get3A_270 = arith.constant 112 : index
      %get3A_271 = tpu.vector_load %arg6[%get3A_269, %get3A_270] {strides = array<i32>} : memref<8x128xi32, #tpu.memory_space<vmem>>, vector<1x16xi32>,
      %get3A_272 = vector.shape_cast %get3A_271 : vector<1x16xi32> to vector<16xi32>
      %get3A_273 = arith.constant 1 : i32
      %get3A_274 = arith.index_cast %get3A_273 : i32 to index
      %get3A_275 = arith.constant 112 : index
      %get3A_276 = tpu.vector_load %arg7[%get3A_274, %get3A_275] {strides = array<i32>} : memref<8x128xi32, #tpu.memory_space<vmem>>, vector<1x16xi32>,
      %get3A_277 = vector.shape_cast %get3A_276 : vector<1x16xi32> to vector<16xi32>
      %add3A_278 = arith.addi %get3A_272, %get3A_277 : vector<16xi32>
      %swap3A_279 = arith.constant 1 : i32
      %swap3A_280 = arith.index_cast %swap3A_279 : i32 to index
      %swap3A_281 = arith.constant 112 : index
      %swap3A_282 = tpu.vector_load %arg6[%swap3A_280, %swap3A_281] {strides = array<i32>} : memref<8x128xi32, #tpu.memory_space<vmem>>, vector<1x16xi32>,
      %swap3A_283 = vector.shape_cast %swap3A_282 : vector<1x16xi32> to vector<16xi32>
      %swap3A_284 = vector.shape_cast %add3A_278 : vector<16xi32> to vector<1x16xi32>
      tpu.vector_store %arg6[%swap3A_280, %swap3A_281], %swap3A_284 {strides = array<i32>} : memref<8x128xi32, #tpu.memory_space<vmem>>, vector<1x16xi32>,
      %get3A_285 = arith.constant 2 : i32
      %get3A_286 = arith.index_cast %get3A_285 : i32 to index
      %get3A_287 = arith.constant 0 : index
      %get3A_288 = tpu.vector_load %arg6[%get3A_286, %get3A_287] {strides = array<i32>} : memref<8x128xi32, #tpu.memory_space<vmem>>, vector<1x16xi32>,
      %get3A_289 = vector.shape_cast %get3A_288 : vector<1x16xi32> to vector<16xi32>
      %get3A_290 = arith.constant 2 : i32
      %get3A_291 = arith.index_cast %get3A_290 : i32 to index
      %get3A_292 = arith.constant 0 : index
      %get3A_293 = tpu.vector_load %arg7[%get3A_291, %get3A_292] {strides = array<i32>} : memref<8x128xi32, #tpu.memory_space<vmem>>, vector<1x16xi32>,
      %get3A_294 = vector.shape_cast %get3A_293 : vector<1x16xi32> to vector<16xi32>
      %add3A_295 = arith.addi %get3A_289, %get3A_294 : vector<16xi32>
      %swap3A_296 = arith.constant 2 : i32
      %swap3A_297 = arith.index_cast %swap3A_296 : i32 to index
      %swap3A_298 = arith.constant 0 : index
      %swap3A_299 = tpu.vector_load %arg6[%swap3A_297, %swap3A_298] {strides = array<i32>} : memref<8x128xi32, #tpu.memory_space<vmem>>, vector<1x16xi32>,
      %swap3A_300 = vector.shape_cast %swap3A_299 : vector<1x16xi32> to vector<16xi32>
      %swap3A_301 = vector.shape_cast %add3A_295 : vector<16xi32> to vector<1x16xi32>
      tpu.vector_store %arg6[%swap3A_297, %swap3A_298], %swap3A_301 {strides = array<i32>} : memref<8x128xi32, #tpu.memory_space<vmem>>, vector<1x16xi32>,
      %get3A_302 = arith.constant 2 : i32
      %get3A_303 = arith.index_cast %get3A_302 : i32 to index
      %get3A_304 = arith.constant 16 : index
      %get3A_305 = tpu.vector_load %arg6[%get3A_303, %get3A_304] {strides = array<i32>} : memref<8x128xi32, #tpu.memory_space<vmem>>, vector<1x16xi32>,
      %get3A_306 = vector.shape_cast %get3A_305 : vector<1x16xi32> to vector<16xi32>
      %get3A_307 = arith.constant 2 : i32
      %get3A_308 = arith.index_cast %get3A_307 : i32 to index
      %get3A_309 = arith.constant 16 : index
      %get3A_310 = tpu.vector_load %arg7[%get3A_308, %get3A_309] {strides = array<i32>} : memref<8x128xi32, #tpu.memory_space<vmem>>, vector<1x16xi32>,
      %get3A_311 = vector.shape_cast %get3A_310 : vector<1x16xi32> to vector<16xi32>
      %add3A_312 = arith.addi %get3A_306, %get3A_311 : vector<16xi32>
      %swap3A_313 = arith.constant 2 : i32
      %swap3A_314 = arith.index_cast %swap3A_313 : i32 to index
      %swap3A_315 = arith.constant 16 : index
      %swap3A_316 = tpu.vector_load %arg6[%swap3A_314, %swap3A_315] {strides = array<i32>} : memref<8x128xi32, #tpu.memory_space<vmem>>, vector<1x16xi32>,
      %swap3A_317 = vector.shape_cast %swap3A_316 : vector<1x16xi32> to vector<16xi32>
      %swap3A_318 = vector.shape_cast %add3A_312 : vector<16xi32> to vector<1x16xi32>
      tpu.vector_store %arg6[%swap3A_314, %swap3A_315], %swap3A_318 {strides = array<i32>} : memref<8x128xi32, #tpu.memory_space<vmem>>, vector<1x16xi32>,
      %get3A_319 = arith.constant 2 : i32
      %get3A_320 = arith.index_cast %get3A_319 : i32 to index
      %get3A_321 = arith.constant 32 : index
      %get3A_322 = tpu.vector_load %arg6[%get3A_320, %get3A_321] {strides = array<i32>} : memref<8x128xi32, #tpu.memory_space<vmem>>, vector<1x16xi32>,
      %get3A_323 = vector.shape_cast %get3A_322 : vector<1x16xi32> to vector<16xi32>
      %get3A_324 = arith.constant 2 : i32
      %get3A_325 = arith.index_cast %get3A_324 : i32 to index
      %get3A_326 = arith.constant 32 : index
      %get3A_327 = tpu.vector_load %arg7[%get3A_325, %get3A_326] {strides = array<i32>} : memref<8x128xi32, #tpu.memory_space<vmem>>, vector<1x16xi32>,
      %get3A_328 = vector.shape_cast %get3A_327 : vector<1x16xi32> to vector<16xi32>
      %add3A_329 = arith.addi %get3A_323, %get3A_328 : vector<16xi32>
      %swap3A_330 = arith.constant 2 : i32
      %swap3A_331 = arith.index_cast %swap3A_330 : i32 to index
      %swap3A_332 = arith.constant 32 : index
      %swap3A_333 = tpu.vector_load %arg6[%swap3A_331, %swap3A_332] {strides = array<i32>} : memref<8x128xi32, #tpu.memory_space<vmem>>, vector<1x16xi32>,
      %swap3A_334 = vector.shape_cast %swap3A_333 : vector<1x16xi32> to vector<16xi32>
      %swap3A_335 = vector.shape_cast %add3A_329 : vector<16xi32> to vector<1x16xi32>
      tpu.vector_store %arg6[%swap3A_331, %swap3A_332], %swap3A_335 {strides = array<i32>} : memref<8x128xi32, #tpu.memory_space<vmem>>, vector<1x16xi32>,
      %get3A_336 = arith.constant 2 : i32
      %get3A_337 = arith.index_cast %get3A_336 : i32 to index
      %get3A_338 = arith.constant 48 : index
      %get3A_339 = tpu.vector_load %arg6[%get3A_337, %get3A_338] {strides = array<i32>} : memref<8x128xi32, #tpu.memory_space<vmem>>, vector<1x16xi32>,
      %get3A_340 = vector.shape_cast %get3A_339 : vector<1x16xi32> to vector<16xi32>
      %get3A_341 = arith.constant 2 : i32
      %get3A_342 = arith.index_cast %get3A_341 : i32 to index
      %get3A_343 = arith.constant 48 : index
      %get3A_344 = tpu.vector_load %arg7[%get3A_342, %get3A_343] {strides = array<i32>} : memref<8x128xi32, #tpu.memory_space<vmem>>, vector<1x16xi32>,
      %get3A_345 = vector.shape_cast %get3A_344 : vector<1x16xi32> to vector<16xi32>
      %add3A_346 = arith.addi %get3A_340, %get3A_345 : vector<16xi32>
      %swap3A_347 = arith.constant 2 : i32
      %swap3A_348 = arith.index_cast %swap3A_347 : i32 to index
      %swap3A_349 = arith.constant 48 : index
      %swap3A_350 = tpu.vector_load %arg6[%swap3A_348, %swap3A_349] {strides = array<i32>} : memref<8x128xi32, #tpu.memory_space<vmem>>, vector<1x16xi32>,
      %swap3A_351 = vector.shape_cast %swap3A_350 : vector<1x16xi32> to vector<16xi32>
      %swap3A_352 = vector.shape_cast %add3A_346 : vector<16xi32> to vector<1x16xi32>
      tpu.vector_store %arg6[%swap3A_348, %swap3A_349], %swap3A_352 {strides = array<i32>} : memref<8x128xi32, #tpu.memory_space<vmem>>, vector<1x16xi32>,
      %get3A_353 = arith.constant 2 : i32
      %get3A_354 = arith.index_cast %get3A_353 : i32 to index
      %get3A_355 = arith.constant 64 : index
      %get3A_356 = tpu.vector_load %arg6[%get3A_354, %get3A_355] {strides = array<i32>} : memref<8x128xi32, #tpu.memory_space<vmem>>, vector<1x16xi32>,
      %get3A_357 = vector.shape_cast %get3A_356 : vector<1x16xi32> to vector<16xi32>
      %get3A_358 = arith.constant 2 : i32
      %get3A_359 = arith.index_cast %get3A_358 : i32 to index
      %get3A_360 = arith.constant 64 : index
      %get3A_361 = tpu.vector_load %arg7[%get3A_359, %get3A_360] {strides = array<i32>} : memref<8x128xi32, #tpu.memory_space<vmem>>, vector<1x16xi32>,
      %get3A_362 = vector.shape_cast %get3A_361 : vector<1x16xi32> to vector<16xi32>
      %add3A_363 = arith.addi %get3A_357, %get3A_362 : vector<16xi32>
      %swap3A_364 = arith.constant 2 : i32
      %swap3A_365 = arith.index_cast %swap3A_364 : i32 to index
      %swap3A_366 = arith.constant 64 : index
      %swap3A_367 = tpu.vector_load %arg6[%swap3A_365, %swap3A_366] {strides = array<i32>} : memref<8x128xi32, #tpu.memory_space<vmem>>, vector<1x16xi32>,
      %swap3A_368 = vector.shape_cast %swap3A_367 : vector<1x16xi32> to vector<16xi32>
      %swap3A_369 = vector.shape_cast %add3A_363 : vector<16xi32> to vector<1x16xi32>
      tpu.vector_store %arg6[%swap3A_365, %swap3A_366], %swap3A_369 {strides = array<i32>} : memref<8x128xi32, #tpu.memory_space<vmem>>, vector<1x16xi32>,
      %get3A_370 = arith.constant 2 : i32
      %get3A_371 = arith.index_cast %get3A_370 : i32 to index
      %get3A_372 = arith.constant 80 : index
      %get3A_373 = tpu.vector_load %arg6[%get3A_371, %get3A_372] {strides = array<i32>} : memref<8x128xi32, #tpu.memory_space<vmem>>, vector<1x16xi32>,
      %get3A_374 = vector.shape_cast %get3A_373 : vector<1x16xi32> to vector<16xi32>
      %get3A_375 = arith.constant 2 : i32
      %get3A_376 = arith.index_cast %get3A_375 : i32 to index
      %get3A_377 = arith.constant 80 : index
      %get3A_378 = tpu.vector_load %arg7[%get3A_376, %get3A_377] {strides = array<i32>} : memref<8x128xi32, #tpu.memory_space<vmem>>, vector<1x16xi32>,
      %get3A_379 = vector.shape_cast %get3A_378 : vector<1x16xi32> to vector<16xi32>
      %add3A_380 = arith.addi %get3A_374, %get3A_379 : vector<16xi32>
      %swap3A_381 = arith.constant 2 : i32
      %swap3A_382 = arith.index_cast %swap3A_381 : i32 to index
      %swap3A_383 = arith.constant 80 : index
      %swap3A_384 = tpu.vector_load %arg6[%swap3A_382, %swap3A_383] {strides = array<i32>} : memref<8x128xi32, #tpu.memory_space<vmem>>, vector<1x16xi32>,
      %swap3A_385 = vector.shape_cast %swap3A_384 : vector<1x16xi32> to vector<16xi32>
      %swap3A_386 = vector.shape_cast %add3A_380 : vector<16xi32> to vector<1x16xi32>
      tpu.vector_store %arg6[%swap3A_382, %swap3A_383], %swap3A_386 {strides = array<i32>} : memref<8x128xi32, #tpu.memory_space<vmem>>, vector<1x16xi32>,
      %get3A_387 = arith.constant 2 : i32
      %get3A_388 = arith.index_cast %get3A_387 : i32 to index
      %get3A_389 = arith.constant 96 : index
      %get3A_390 = tpu.vector_load %arg6[%get3A_388, %get3A_389] {strides = array<i32>} : memref<8x128xi32, #tpu.memory_space<vmem>>, vector<1x16xi32>,
      %get3A_391 = vector.shape_cast %get3A_390 : vector<1x16xi32> to vector<16xi32>
      %get3A_392 = arith.constant 2 : i32
      %get3A_393 = arith.index_cast %get3A_392 : i32 to index
      %get3A_394 = arith.constant 96 : index
      %get3A_395 = tpu.vector_load %arg7[%get3A_393, %get3A_394] {strides = array<i32>} : memref<8x128xi32, #tpu.memory_space<vmem>>, vector<1x16xi32>,
      %get3A_396 = vector.shape_cast %get3A_395 : vector<1x16xi32> to vector<16xi32>
      %add3A_397 = arith.addi %get3A_391, %get3A_396 : vector<16xi32>
      %swap3A_398 = arith.constant 2 : i32
      %swap3A_399 = arith.index_cast %swap3A_398 : i32 to index
      %swap3A_400 = arith.constant 96 : index
      %swap3A_401 = tpu.vector_load %arg6[%swap3A_399, %swap3A_400] {strides = array<i32>} : memref<8x128xi32, #tpu.memory_space<vmem>>, vector<1x16xi32>,
      %swap3A_402 = vector.shape_cast %swap3A_401 : vector<1x16xi32> to vector<16xi32>
      %swap3A_403 = vector.shape_cast %add3A_397 : vector<16xi32> to vector<1x16xi32>
      tpu.vector_store %arg6[%swap3A_399, %swap3A_400], %swap3A_403 {strides = array<i32>} : memref<8x128xi32, #tpu.memory_space<vmem>>, vector<1x16xi32>,
      %get3A_404 = arith.constant 2 : i32
      %get3A_405 = arith.index_cast %get3A_404 : i32 to index
      %get3A_406 = arith.constant 112 : index
      %get3A_407 = tpu.vector_load %arg6[%get3A_405, %get3A_406] {strides = array<i32>} : memref<8x128xi32, #tpu.memory_space<vmem>>, vector<1x16xi32>,
      %get3A_408 = vector.shape_cast %get3A_407 : vector<1x16xi32> to vector<16xi32>
      %get3A_409 = arith.constant 2 : i32
      %get3A_410 = arith.index_cast %get3A_409 : i32 to index
      %get3A_411 = arith.constant 112 : index
      %get3A_412 = tpu.vector_load %arg7[%get3A_410, %get3A_411] {strides = array<i32>} : memref<8x128xi32, #tpu.memory_space<vmem>>, vector<1x16xi32>,
      %get3A_413 = vector.shape_cast %get3A_412 : vector<1x16xi32> to vector<16xi32>
      %add3A_414 = arith.addi %get3A_408, %get3A_413 : vector<16xi32>
      %swap3A_415 = arith.constant 2 : i32
      %swap3A_416 = arith.index_cast %swap3A_415 : i32 to index
      %swap3A_417 = arith.constant 112 : index
      %swap3A_418 = tpu.vector_load %arg6[%swap3A_416, %swap3A_417] {strides = array<i32>} : memref<8x128xi32, #tpu.memory_space<vmem>>, vector<1x16xi32>,
      %swap3A_419 = vector.shape_cast %swap3A_418 : vector<1x16xi32> to vector<16xi32>
      %swap3A_420 = vector.shape_cast %add3A_414 : vector<16xi32> to vector<1x16xi32>
      tpu.vector_store %arg6[%swap3A_416, %swap3A_417], %swap3A_420 {strides = array<i32>} : memref<8x128xi32, #tpu.memory_space<vmem>>, vector<1x16xi32>,
      %get3A_421 = arith.constant 3 : i32
      %get3A_422 = arith.index_cast %get3A_421 : i32 to index
      %get3A_423 = arith.constant 0 : index
      %get3A_424 = tpu.vector_load %arg6[%get3A_422, %get3A_423] {strides = array<i32>} : memref<8x128xi32, #tpu.memory_space<vmem>>, vector<1x16xi32>,
      %get3A_425 = vector.shape_cast %get3A_424 : vector<1x16xi32> to vector<16xi32>
      %get3A_426 = arith.constant 3 : i32
      %get3A_427 = arith.index_cast %get3A_426 : i32 to index
      %get3A_428 = arith.constant 0 : index
      %get3A_429 = tpu.vector_load %arg7[%get3A_427, %get3A_428] {strides = array<i32>} : memref<8x128xi32, #tpu.memory_space<vmem>>, vector<1x16xi32>,
      %get3A_430 = vector.shape_cast %get3A_429 : vector<1x16xi32> to vector<16xi32>
      %add3A_431 = arith.addi %get3A_425, %get3A_430 : vector<16xi32>
      %swap3A_432 = arith.constant 3 : i32
      %swap3A_433 = arith.index_cast %swap3A_432 : i32 to index
      %swap3A_434 = arith.constant 0 : index
      %swap3A_435 = tpu.vector_load %arg6[%swap3A_433, %swap3A_434] {strides = array<i32>} : memref<8x128xi32, #tpu.memory_space<vmem>>, vector<1x16xi32>,
      %swap3A_436 = vector.shape_cast %swap3A_435 : vector<1x16xi32> to vector<16xi32>
      %swap3A_437 = vector.shape_cast %add3A_431 : vector<16xi32> to vector<1x16xi32>
      tpu.vector_store %arg6[%swap3A_433, %swap3A_434], %swap3A_437 {strides = array<i32>} : memref<8x128xi32, #tpu.memory_space<vmem>>, vector<1x16xi32>,
      %get3A_438 = arith.constant 3 : i32
      %get3A_439 = arith.index_cast %get3A_438 : i32 to index
      %get3A_440 = arith.constant 16 : index
      %get3A_441 = tpu.vector_load %arg6[%get3A_439, %get3A_440] {strides = array<i32>} : memref<8x128xi32, #tpu.memory_space<vmem>>, vector<1x16xi32>,
      %get3A_442 = vector.shape_cast %get3A_441 : vector<1x16xi32> to vector<16xi32>
      %get3A_443 = arith.constant 3 : i32
      %get3A_444 = arith.index_cast %get3A_443 : i32 to index
      %get3A_445 = arith.constant 16 : index
      %get3A_446 = tpu.vector_load %arg7[%get3A_444, %get3A_445] {strides = array<i32>} : memref<8x128xi32, #tpu.memory_space<vmem>>, vector<1x16xi32>,
      %get3A_447 = vector.shape_cast %get3A_446 : vector<1x16xi32> to vector<16xi32>
      %add3A_448 = arith.addi %get3A_442, %get3A_447 : vector<16xi32>
      %swap3A_449 = arith.constant 3 : i32
      %swap3A_450 = arith.index_cast %swap3A_449 : i32 to index
      %swap3A_451 = arith.constant 16 : index
      %swap3A_452 = tpu.vector_load %arg6[%swap3A_450, %swap3A_451] {strides = array<i32>} : memref<8x128xi32, #tpu.memory_space<vmem>>, vector<1x16xi32>,
      %swap3A_453 = vector.shape_cast %swap3A_452 : vector<1x16xi32> to vector<16xi32>
      %swap3A_454 = vector.shape_cast %add3A_448 : vector<16xi32> to vector<1x16xi32>
      tpu.vector_store %arg6[%swap3A_450, %swap3A_451], %swap3A_454 {strides = array<i32>} : memref<8x128xi32, #tpu.memory_space<vmem>>, vector<1x16xi32>,
      %get3A_455 = arith.constant 3 : i32
      %get3A_456 = arith.index_cast %get3A_455 : i32 to index
      %get3A_457 = arith.constant 32 : index
      %get3A_458 = tpu.vector_load %arg6[%get3A_456, %get3A_457] {strides = array<i32>} : memref<8x128xi32, #tpu.memory_space<vmem>>, vector<1x16xi32>,
      %get3A_459 = vector.shape_cast %get3A_458 : vector<1x16xi32> to vector<16xi32>
      %get3A_460 = arith.constant 3 : i32
      %get3A_461 = arith.index_cast %get3A_460 : i32 to index
      %get3A_462 = arith.constant 32 : index
      %get3A_463 = tpu.vector_load %arg7[%get3A_461, %get3A_462] {strides = array<i32>} : memref<8x128xi32, #tpu.memory_space<vmem>>, vector<1x16xi32>,
      %get3A_464 = vector.shape_cast %get3A_463 : vector<1x16xi32> to vector<16xi32>
      %add3A_465 = arith.addi %get3A_459, %get3A_464 : vector<16xi32>
      %swap3A_466 = arith.constant 3 : i32
      %swap3A_467 = arith.index_cast %swap3A_466 : i32 to index
      %swap3A_468 = arith.constant 32 : index
      %swap3A_469 = tpu.vector_load %arg6[%swap3A_467, %swap3A_468] {strides = array<i32>} : memref<8x128xi32, #tpu.memory_space<vmem>>, vector<1x16xi32>,
      %swap3A_470 = vector.shape_cast %swap3A_469 : vector<1x16xi32> to vector<16xi32>
      %swap3A_471 = vector.shape_cast %add3A_465 : vector<16xi32> to vector<1x16xi32>
      tpu.vector_store %arg6[%swap3A_467, %swap3A_468], %swap3A_471 {strides = array<i32>} : memref<8x128xi32, #tpu.memory_space<vmem>>, vector<1x16xi32>,
      %get3A_472 = arith.constant 3 : i32
      %get3A_473 = arith.index_cast %get3A_472 : i32 to index
      %get3A_474 = arith.constant 48 : index
      %get3A_475 = tpu.vector_load %arg6[%get3A_473, %get3A_474] {strides = array<i32>} : memref<8x128xi32, #tpu.memory_space<vmem>>, vector<1x16xi32>,
      %get3A_476 = vector.shape_cast %get3A_475 : vector<1x16xi32> to vector<16xi32>
      %get3A_477 = arith.constant 3 : i32
      %get3A_478 = arith.index_cast %get3A_477 : i32 to index
      %get3A_479 = arith.constant 48 : index
      %get3A_480 = tpu.vector_load %arg7[%get3A_478, %get3A_479] {strides = array<i32>} : memref<8x128xi32, #tpu.memory_space<vmem>>, vector<1x16xi32>,
      %get3A_481 = vector.shape_cast %get3A_480 : vector<1x16xi32> to vector<16xi32>
      %add3A_482 = arith.addi %get3A_476, %get3A_481 : vector<16xi32>
      %swap3A_483 = arith.constant 3 : i32
      %swap3A_484 = arith.index_cast %swap3A_483 : i32 to index
      %swap3A_485 = arith.constant 48 : index
      %swap3A_486 = tpu.vector_load %arg6[%swap3A_484, %swap3A_485] {strides = array<i32>} : memref<8x128xi32, #tpu.memory_space<vmem>>, vector<1x16xi32>,
      %swap3A_487 = vector.shape_cast %swap3A_486 : vector<1x16xi32> to vector<16xi32>
      %swap3A_488 = vector.shape_cast %add3A_482 : vector<16xi32> to vector<1x16xi32>
      tpu.vector_store %arg6[%swap3A_484, %swap3A_485], %swap3A_488 {strides = array<i32>} : memref<8x128xi32, #tpu.memory_space<vmem>>, vector<1x16xi32>,
      %get3A_489 = arith.constant 3 : i32
      %get3A_490 = arith.index_cast %get3A_489 : i32 to index
      %get3A_491 = arith.constant 64 : index
      %get3A_492 = tpu.vector_load %arg6[%get3A_490, %get3A_491] {strides = array<i32>} : memref<8x128xi32, #tpu.memory_space<vmem>>, vector<1x16xi32>,
      %get3A_493 = vector.shape_cast %get3A_492 : vector<1x16xi32> to vector<16xi32>
      %get3A_494 = arith.constant 3 : i32
      %get3A_495 = arith.index_cast %get3A_494 : i32 to index
      %get3A_496 = arith.constant 64 : index
      %get3A_497 = tpu.vector_load %arg7[%get3A_495, %get3A_496] {strides = array<i32>} : memref<8x128xi32, #tpu.memory_space<vmem>>, vector<1x16xi32>,
      %get3A_498 = vector.shape_cast %get3A_497 : vector<1x16xi32> to vector<16xi32>
      %add3A_499 = arith.addi %get3A_493, %get3A_498 : vector<16xi32>
      %swap3A_500 = arith.constant 3 : i32
      %swap3A_501 = arith.index_cast %swap3A_500 : i32 to index
      %swap3A_502 = arith.constant 64 : index
      %swap3A_503 = tpu.vector_load %arg6[%swap3A_501, %swap3A_502] {strides = array<i32>} : memref<8x128xi32, #tpu.memory_space<vmem>>, vector<1x16xi32>,
      %swap3A_504 = vector.shape_cast %swap3A_503 : vector<1x16xi32> to vector<16xi32>
      %swap3A_505 = vector.shape_cast %add3A_499 : vector<16xi32> to vector<1x16xi32>
      tpu.vector_store %arg6[%swap3A_501, %swap3A_502], %swap3A_505 {strides = array<i32>} : memref<8x128xi32, #tpu.memory_space<vmem>>, vector<1x16xi32>,
      %get3A_506 = arith.constant 3 : i32
      %get3A_507 = arith.index_cast %get3A_506 : i32 to index
      %get3A_508 = arith.constant 80 : index
      %get3A_509 = tpu.vector_load %arg6[%get3A_507, %get3A_508] {strides = array<i32>} : memref<8x128xi32, #tpu.memory_space<vmem>>, vector<1x16xi32>,
      %get3A_510 = vector.shape_cast %get3A_509 : vector<1x16xi32> to vector<16xi32>
      %get3A_511 = arith.constant 3 : i32
      %get3A_512 = arith.index_cast %get3A_511 : i32 to index
      %get3A_513 = arith.constant 80 : index
      %get3A_514 = tpu.vector_load %arg7[%get3A_512, %get3A_513] {strides = array<i32>} : memref<8x128xi32, #tpu.memory_space<vmem>>, vector<1x16xi32>,
      %get3A_515 = vector.shape_cast %get3A_514 : vector<1x16xi32> to vector<16xi32>
      %add3A_516 = arith.addi %get3A_510, %get3A_515 : vector<16xi32>
      %swap3A_517 = arith.constant 3 : i32
      %swap3A_518 = arith.index_cast %swap3A_517 : i32 to index
      %swap3A_519 = arith.constant 80 : index
      %swap3A_520 = tpu.vector_load %arg6[%swap3A_518, %swap3A_519] {strides = array<i32>} : memref<8x128xi32, #tpu.memory_space<vmem>>, vector<1x16xi32>,
      %swap3A_521 = vector.shape_cast %swap3A_520 : vector<1x16xi32> to vector<16xi32>
      %swap3A_522 = vector.shape_cast %add3A_516 : vector<16xi32> to vector<1x16xi32>
      tpu.vector_store %arg6[%swap3A_518, %swap3A_519], %swap3A_522 {strides = array<i32>} : memref<8x128xi32, #tpu.memory_space<vmem>>, vector<1x16xi32>,
      %get3A_523 = arith.constant 3 : i32
      %get3A_524 = arith.index_cast %get3A_523 : i32 to index
      %get3A_525 = arith.constant 96 : index
      %get3A_526 = tpu.vector_load %arg6[%get3A_524, %get3A_525] {strides = array<i32>} : memref<8x128xi32, #tpu.memory_space<vmem>>, vector<1x16xi32>,
      %get3A_527 = vector.shape_cast %get3A_526 : vector<1x16xi32> to vector<16xi32>
      %get3A_528 = arith.constant 3 : i32
      %get3A_529 = arith.index_cast %get3A_528 : i32 to index
      %get3A_530 = arith.constant 96 : index
      %get3A_531 = tpu.vector_load %arg7[%get3A_529, %get3A_530] {strides = array<i32>} : memref<8x128xi32, #tpu.memory_space<vmem>>, vector<1x16xi32>,
      %get3A_532 = vector.shape_cast %get3A_531 : vector<1x16xi32> to vector<16xi32>
      %add3A_533 = arith.addi %get3A_527, %get3A_532 : vector<16xi32>
      %swap3A_534 = arith.constant 3 : i32
      %swap3A_535 = arith.index_cast %swap3A_534 : i32 to index
      %swap3A_536 = arith.constant 96 : index
      %swap3A_537 = tpu.vector_load %arg6[%swap3A_535, %swap3A_536] {strides = array<i32>} : memref<8x128xi32, #tpu.memory_space<vmem>>, vector<1x16xi32>,
      %swap3A_538 = vector.shape_cast %swap3A_537 : vector<1x16xi32> to vector<16xi32>
      %swap3A_539 = vector.shape_cast %add3A_533 : vector<16xi32> to vector<1x16xi32>
      tpu.vector_store %arg6[%swap3A_535, %swap3A_536], %swap3A_539 {strides = array<i32>} : memref<8x128xi32, #tpu.memory_space<vmem>>, vector<1x16xi32>,
      %get3A_540 = arith.constant 3 : i32
      %get3A_541 = arith.index_cast %get3A_540 : i32 to index
      %get3A_542 = arith.constant 112 : index
      %get3A_543 = tpu.vector_load %arg6[%get3A_541, %get3A_542] {strides = array<i32>} : memref<8x128xi32, #tpu.memory_space<vmem>>, vector<1x16xi32>,
      %get3A_544 = vector.shape_cast %get3A_543 : vector<1x16xi32> to vector<16xi32>
      %get3A_545 = arith.constant 3 : i32
      %get3A_546 = arith.index_cast %get3A_545 : i32 to index
      %get3A_547 = arith.constant 112 : index
      %get3A_548 = tpu.vector_load %arg7[%get3A_546, %get3A_547] {strides = array<i32>} : memref<8x128xi32, #tpu.memory_space<vmem>>, vector<1x16xi32>,
      %get3A_549 = vector.shape_cast %get3A_548 : vector<1x16xi32> to vector<16xi32>
      %add3A_550 = arith.addi %get3A_544, %get3A_549 : vector<16xi32>
      %swap3A_551 = arith.constant 3 : i32
      %swap3A_552 = arith.index_cast %swap3A_551 : i32 to index
      %swap3A_553 = arith.constant 112 : index
      %swap3A_554 = tpu.vector_load %arg6[%swap3A_552, %swap3A_553] {strides = array<i32>} : memref<8x128xi32, #tpu.memory_space<vmem>>, vector<1x16xi32>,
      %swap3A_555 = vector.shape_cast %swap3A_554 : vector<1x16xi32> to vector<16xi32>
      %swap3A_556 = vector.shape_cast %add3A_550 : vector<16xi32> to vector<1x16xi32>
      tpu.vector_store %arg6[%swap3A_552, %swap3A_553], %swap3A_556 {strides = array<i32>} : memref<8x128xi32, #tpu.memory_space<vmem>>, vector<1x16xi32>,
      %get3A_557 = arith.constant 4 : i32
      %get3A_558 = arith.index_cast %get3A_557 : i32 to index
      %get3A_559 = arith.constant 0 : index
      %get3A_560 = tpu.vector_load %arg6[%get3A_558, %get3A_559] {strides = array<i32>} : memref<8x128xi32, #tpu.memory_space<vmem>>, vector<1x16xi32>,
      %get3A_561 = vector.shape_cast %get3A_560 : vector<1x16xi32> to vector<16xi32>
      %get3A_562 = arith.constant 4 : i32
      %get3A_563 = arith.index_cast %get3A_562 : i32 to index
      %get3A_564 = arith.constant 0 : index
      %get3A_565 = tpu.vector_load %arg7[%get3A_563, %get3A_564] {strides = array<i32>} : memref<8x128xi32, #tpu.memory_space<vmem>>, vector<1x16xi32>,
      %get3A_566 = vector.shape_cast %get3A_565 : vector<1x16xi32> to vector<16xi32>
      %add3A_567 = arith.addi %get3A_561, %get3A_566 : vector<16xi32>
      %swap3A_568 = arith.constant 4 : i32
      %swap3A_569 = arith.index_cast %swap3A_568 : i32 to index
      %swap3A_570 = arith.constant 0 : index
      %swap3A_571 = tpu.vector_load %arg6[%swap3A_569, %swap3A_570] {strides = array<i32>} : memref<8x128xi32, #tpu.memory_space<vmem>>, vector<1x16xi32>,
      %swap3A_572 = vector.shape_cast %swap3A_571 : vector<1x16xi32> to vector<16xi32>
      %swap3A_573 = vector.shape_cast %add3A_567 : vector<16xi32> to vector<1x16xi32>
      tpu.vector_store %arg6[%swap3A_569, %swap3A_570], %swap3A_573 {strides = array<i32>} : memref<8x128xi32, #tpu.memory_space<vmem>>, vector<1x16xi32>,
      %get3A_574 = arith.constant 4 : i32
      %get3A_575 = arith.index_cast %get3A_574 : i32 to index
      %get3A_576 = arith.constant 16 : index
      %get3A_577 = tpu.vector_load %arg6[%get3A_575, %get3A_576] {strides = array<i32>} : memref<8x128xi32, #tpu.memory_space<vmem>>, vector<1x16xi32>,
      %get3A_578 = vector.shape_cast %get3A_577 : vector<1x16xi32> to vector<16xi32>
      %get3A_579 = arith.constant 4 : i32
      %get3A_580 = arith.index_cast %get3A_579 : i32 to index
      %get3A_581 = arith.constant 16 : index
      %get3A_582 = tpu.vector_load %arg7[%get3A_580, %get3A_581] {strides = array<i32>} : memref<8x128xi32, #tpu.memory_space<vmem>>, vector<1x16xi32>,
      %get3A_583 = vector.shape_cast %get3A_582 : vector<1x16xi32> to vector<16xi32>
      %add3A_584 = arith.addi %get3A_578, %get3A_583 : vector<16xi32>
      %swap3A_585 = arith.constant 4 : i32
      %swap3A_586 = arith.index_cast %swap3A_585 : i32 to index
      %swap3A_587 = arith.constant 16 : index
      %swap3A_588 = tpu.vector_load %arg6[%swap3A_586, %swap3A_587] {strides = array<i32>} : memref<8x128xi32, #tpu.memory_space<vmem>>, vector<1x16xi32>,
      %swap3A_589 = vector.shape_cast %swap3A_588 : vector<1x16xi32> to vector<16xi32>
      %swap3A_590 = vector.shape_cast %add3A_584 : vector<16xi32> to vector<1x16xi32>
      tpu.vector_store %arg6[%swap3A_586, %swap3A_587], %swap3A_590 {strides = array<i32>} : memref<8x128xi32, #tpu.memory_space<vmem>>, vector<1x16xi32>,
      %get3A_591 = arith.constant 4 : i32
      %get3A_592 = arith.index_cast %get3A_591 : i32 to index
      %get3A_593 = arith.constant 32 : index
      %get3A_594 = tpu.vector_load %arg6[%get3A_592, %get3A_593] {strides = array<i32>} : memref<8x128xi32, #tpu.memory_space<vmem>>, vector<1x16xi32>,
      %get3A_595 = vector.shape_cast %get3A_594 : vector<1x16xi32> to vector<16xi32>
      %get3A_596 = arith.constant 4 : i32
      %get3A_597 = arith.index_cast %get3A_596 : i32 to index
      %get3A_598 = arith.constant 32 : index
      %get3A_599 = tpu.vector_load %arg7[%get3A_597, %get3A_598] {strides = array<i32>} : memref<8x128xi32, #tpu.memory_space<vmem>>, vector<1x16xi32>,
      %get3A_600 = vector.shape_cast %get3A_599 : vector<1x16xi32> to vector<16xi32>
      %add3A_601 = arith.addi %get3A_595, %get3A_600 : vector<16xi32>
      %swap3A_602 = arith.constant 4 : i32
      %swap3A_603 = arith.index_cast %swap3A_602 : i32 to index
      %swap3A_604 = arith.constant 32 : index
      %swap3A_605 = tpu.vector_load %arg6[%swap3A_603, %swap3A_604] {strides = array<i32>} : memref<8x128xi32, #tpu.memory_space<vmem>>, vector<1x16xi32>,
      %swap3A_606 = vector.shape_cast %swap3A_605 : vector<1x16xi32> to vector<16xi32>
      %swap3A_607 = vector.shape_cast %add3A_601 : vector<16xi32> to vector<1x16xi32>
      tpu.vector_store %arg6[%swap3A_603, %swap3A_604], %swap3A_607 {strides = array<i32>} : memref<8x128xi32, #tpu.memory_space<vmem>>, vector<1x16xi32>,
      %get3A_608 = arith.constant 4 : i32
      %get3A_609 = arith.index_cast %get3A_608 : i32 to index
      %get3A_610 = arith.constant 48 : index
      %get3A_611 = tpu.vector_load %arg6[%get3A_609, %get3A_610] {strides = array<i32>} : memref<8x128xi32, #tpu.memory_space<vmem>>, vector<1x16xi32>,
      %get3A_612 = vector.shape_cast %get3A_611 : vector<1x16xi32> to vector<16xi32>
      %get3A_613 = arith.constant 4 : i32
      %get3A_614 = arith.index_cast %get3A_613 : i32 to index
      %get3A_615 = arith.constant 48 : index
      %get3A_616 = tpu.vector_load %arg7[%get3A_614, %get3A_615] {strides = array<i32>} : memref<8x128xi32, #tpu.memory_space<vmem>>, vector<1x16xi32>,
      %get3A_617 = vector.shape_cast %get3A_616 : vector<1x16xi32> to vector<16xi32>
      %add3A_618 = arith.addi %get3A_612, %get3A_617 : vector<16xi32>
      %swap3A_619 = arith.constant 4 : i32
      %swap3A_620 = arith.index_cast %swap3A_619 : i32 to index
      %swap3A_621 = arith.constant 48 : index
      %swap3A_622 = tpu.vector_load %arg6[%swap3A_620, %swap3A_621] {strides = array<i32>} : memref<8x128xi32, #tpu.memory_space<vmem>>, vector<1x16xi32>,
      %swap3A_623 = vector.shape_cast %swap3A_622 : vector<1x16xi32> to vector<16xi32>
      %swap3A_624 = vector.shape_cast %add3A_618 : vector<16xi32> to vector<1x16xi32>
      tpu.vector_store %arg6[%swap3A_620, %swap3A_621], %swap3A_624 {strides = array<i32>} : memref<8x128xi32, #tpu.memory_space<vmem>>, vector<1x16xi32>,
      %get3A_625 = arith.constant 4 : i32
      %get3A_626 = arith.index_cast %get3A_625 : i32 to index
      %get3A_627 = arith.constant 64 : index
      %get3A_628 = tpu.vector_load %arg6[%get3A_626, %get3A_627] {strides = array<i32>} : memref<8x128xi32, #tpu.memory_space<vmem>>, vector<1x16xi32>,
      %get3A_629 = vector.shape_cast %get3A_628 : vector<1x16xi32> to vector<16xi32>
      %get3A_630 = arith.constant 4 : i32
      %get3A_631 = arith.index_cast %get3A_630 : i32 to index
      %get3A_632 = arith.constant 64 : index
      %get3A_633 = tpu.vector_load %arg7[%get3A_631, %get3A_632] {strides = array<i32>} : memref<8x128xi32, #tpu.memory_space<vmem>>, vector<1x16xi32>,
      %get3A_634 = vector.shape_cast %get3A_633 : vector<1x16xi32> to vector<16xi32>
      %add3A_635 = arith.addi %get3A_629, %get3A_634 : vector<16xi32>
      %swap3A_636 = arith.constant 4 : i32
      %swap3A_637 = arith.index_cast %swap3A_636 : i32 to index
      %swap3A_638 = arith.constant 64 : index
      %swap3A_639 = tpu.vector_load %arg6[%swap3A_637, %swap3A_638] {strides = array<i32>} : memref<8x128xi32, #tpu.memory_space<vmem>>, vector<1x16xi32>,
      %swap3A_640 = vector.shape_cast %swap3A_639 : vector<1x16xi32> to vector<16xi32>
      %swap3A_641 = vector.shape_cast %add3A_635 : vector<16xi32> to vector<1x16xi32>
      tpu.vector_store %arg6[%swap3A_637, %swap3A_638], %swap3A_641 {strides = array<i32>} : memref<8x128xi32, #tpu.memory_space<vmem>>, vector<1x16xi32>,
      %get3A_642 = arith.constant 4 : i32
      %get3A_643 = arith.index_cast %get3A_642 : i32 to index
      %get3A_644 = arith.constant 80 : index
      %get3A_645 = tpu.vector_load %arg6[%get3A_643, %get3A_644] {strides = array<i32>} : memref<8x128xi32, #tpu.memory_space<vmem>>, vector<1x16xi32>,
      %get3A_646 = vector.shape_cast %get3A_645 : vector<1x16xi32> to vector<16xi32>
      %get3A_647 = arith.constant 4 : i32
      %get3A_648 = arith.index_cast %get3A_647 : i32 to index
      %get3A_649 = arith.constant 80 : index
      %get3A_650 = tpu.vector_load %arg7[%get3A_648, %get3A_649] {strides = array<i32>} : memref<8x128xi32, #tpu.memory_space<vmem>>, vector<1x16xi32>,
      %get3A_651 = vector.shape_cast %get3A_650 : vector<1x16xi32> to vector<16xi32>
      %add3A_652 = arith.addi %get3A_646, %get3A_651 : vector<16xi32>
      %swap3A_653 = arith.constant 4 : i32
      %swap3A_654 = arith.index_cast %swap3A_653 : i32 to index
      %swap3A_655 = arith.constant 80 : index
      %swap3A_656 = tpu.vector_load %arg6[%swap3A_654, %swap3A_655] {strides = array<i32>} : memref<8x128xi32, #tpu.memory_space<vmem>>, vector<1x16xi32>,
      %swap3A_657 = vector.shape_cast %swap3A_656 : vector<1x16xi32> to vector<16xi32>
      %swap3A_658 = vector.shape_cast %add3A_652 : vector<16xi32> to vector<1x16xi32>
      tpu.vector_store %arg6[%swap3A_654, %swap3A_655], %swap3A_658 {strides = array<i32>} : memref<8x128xi32, #tpu.memory_space<vmem>>, vector<1x16xi32>,
      %get3A_659 = arith.constant 4 : i32
      %get3A_660 = arith.index_cast %get3A_659 : i32 to index
      %get3A_661 = arith.constant 96 : index
      %get3A_662 = tpu.vector_load %arg6[%get3A_660, %get3A_661] {strides = array<i32>} : memref<8x128xi32, #tpu.memory_space<vmem>>, vector<1x16xi32>,
      %get3A_663 = vector.shape_cast %get3A_662 : vector<1x16xi32> to vector<16xi32>
      %get3A_664 = arith.constant 4 : i32
      %get3A_665 = arith.index_cast %get3A_664 : i32 to index
      %get3A_666 = arith.constant 96 : index
      %get3A_667 = tpu.vector_load %arg7[%get3A_665, %get3A_666] {strides = array<i32>} : memref<8x128xi32, #tpu.memory_space<vmem>>, vector<1x16xi32>,
      %get3A_668 = vector.shape_cast %get3A_667 : vector<1x16xi32> to vector<16xi32>
      %add3A_669 = arith.addi %get3A_663, %get3A_668 : vector<16xi32>
      %swap3A_670 = arith.constant 4 : i32
      %swap3A_671 = arith.index_cast %swap3A_670 : i32 to index
      %swap3A_672 = arith.constant 96 : index
      %swap3A_673 = tpu.vector_load %arg6[%swap3A_671, %swap3A_672] {strides = array<i32>} : memref<8x128xi32, #tpu.memory_space<vmem>>, vector<1x16xi32>,
      %swap3A_674 = vector.shape_cast %swap3A_673 : vector<1x16xi32> to vector<16xi32>
      %swap3A_675 = vector.shape_cast %add3A_669 : vector<16xi32> to vector<1x16xi32>
      tpu.vector_store %arg6[%swap3A_671, %swap3A_672], %swap3A_675 {strides = array<i32>} : memref<8x128xi32, #tpu.memory_space<vmem>>, vector<1x16xi32>,
      %get3A_676 = arith.constant 4 : i32
      %get3A_677 = arith.index_cast %get3A_676 : i32 to index
      %get3A_678 = arith.constant 112 : index
      %get3A_679 = tpu.vector_load %arg6[%get3A_677, %get3A_678] {strides = array<i32>} : memref<8x128xi32, #tpu.memory_space<vmem>>, vector<1x16xi32>,
      %get3A_680 = vector.shape_cast %get3A_679 : vector<1x16xi32> to vector<16xi32>
      %get3A_681 = arith.constant 4 : i32
      %get3A_682 = arith.index_cast %get3A_681 : i32 to index
      %get3A_683 = arith.constant 112 : index
      %get3A_684 = tpu.vector_load %arg7[%get3A_682, %get3A_683] {strides = array<i32>} : memref<8x128xi32, #tpu.memory_space<vmem>>, vector<1x16xi32>,
      %get3A_685 = vector.shape_cast %get3A_684 : vector<1x16xi32> to vector<16xi32>
      %add3A_686 = arith.addi %get3A_680, %get3A_685 : vector<16xi32>
      %swap3A_687 = arith.constant 4 : i32
      %swap3A_688 = arith.index_cast %swap3A_687 : i32 to index
      %swap3A_689 = arith.constant 112 : index
      %swap3A_690 = tpu.vector_load %arg6[%swap3A_688, %swap3A_689] {strides = array<i32>} : memref<8x128xi32, #tpu.memory_space<vmem>>, vector<1x16xi32>,
      %swap3A_691 = vector.shape_cast %swap3A_690 : vector<1x16xi32> to vector<16xi32>
      %swap3A_692 = vector.shape_cast %add3A_686 : vector<16xi32> to vector<1x16xi32>
      tpu.vector_store %arg6[%swap3A_688, %swap3A_689], %swap3A_692 {strides = array<i32>} : memref<8x128xi32, #tpu.memory_space<vmem>>, vector<1x16xi32>,
      %get3A_693 = arith.constant 5 : i32
      %get3A_694 = arith.index_cast %get3A_693 : i32 to index
      %get3A_695 = arith.constant 0 : index
      %get3A_696 = tpu.vector_load %arg6[%get3A_694, %get3A_695] {strides = array<i32>} : memref<8x128xi32, #tpu.memory_space<vmem>>, vector<1x16xi32>,
      %get3A_697 = vector.shape_cast %get3A_696 : vector<1x16xi32> to vector<16xi32>
      %get3A_698 = arith.constant 5 : i32
      %get3A_699 = arith.index_cast %get3A_698 : i32 to index
      %get3A_700 = arith.constant 0 : index
      %get3A_701 = tpu.vector_load %arg7[%get3A_699, %get3A_700] {strides = array<i32>} : memref<8x128xi32, #tpu.memory_space<vmem>>, vector<1x16xi32>,
      %get3A_702 = vector.shape_cast %get3A_701 : vector<1x16xi32> to vector<16xi32>
      %add3A_703 = arith.addi %get3A_697, %get3A_702 : vector<16xi32>
      %swap3A_704 = arith.constant 5 : i32
      %swap3A_705 = arith.index_cast %swap3A_704 : i32 to index
      %swap3A_706 = arith.constant 0 : index
      %swap3A_707 = tpu.vector_load %arg6[%swap3A_705, %swap3A_706] {strides = array<i32>} : memref<8x128xi32, #tpu.memory_space<vmem>>, vector<1x16xi32>,
      %swap3A_708 = vector.shape_cast %swap3A_707 : vector<1x16xi32> to vector<16xi32>
      %swap3A_709 = vector.shape_cast %add3A_703 : vector<16xi32> to vector<1x16xi32>
      tpu.vector_store %arg6[%swap3A_705, %swap3A_706], %swap3A_709 {strides = array<i32>} : memref<8x128xi32, #tpu.memory_space<vmem>>, vector<1x16xi32>,
      %get3A_710 = arith.constant 5 : i32
      %get3A_711 = arith.index_cast %get3A_710 : i32 to index
      %get3A_712 = arith.constant 16 : index
      %get3A_713 = tpu.vector_load %arg6[%get3A_711, %get3A_712] {strides = array<i32>} : memref<8x128xi32, #tpu.memory_space<vmem>>, vector<1x16xi32>,
      %get3A_714 = vector.shape_cast %get3A_713 : vector<1x16xi32> to vector<16xi32>
      %get3A_715 = arith.constant 5 : i32
      %get3A_716 = arith.index_cast %get3A_715 : i32 to index
      %get3A_717 = arith.constant 16 : index
      %get3A_718 = tpu.vector_load %arg7[%get3A_716, %get3A_717] {strides = array<i32>} : memref<8x128xi32, #tpu.memory_space<vmem>>, vector<1x16xi32>,
      %get3A_719 = vector.shape_cast %get3A_718 : vector<1x16xi32> to vector<16xi32>
      %add3A_720 = arith.addi %get3A_714, %get3A_719 : vector<16xi32>
      %swap3A_721 = arith.constant 5 : i32
      %swap3A_722 = arith.index_cast %swap3A_721 : i32 to index
      %swap3A_723 = arith.constant 16 : index
      %swap3A_724 = tpu.vector_load %arg6[%swap3A_722, %swap3A_723] {strides = array<i32>} : memref<8x128xi32, #tpu.memory_space<vmem>>, vector<1x16xi32>,
      %swap3A_725 = vector.shape_cast %swap3A_724 : vector<1x16xi32> to vector<16xi32>
      %swap3A_726 = vector.shape_cast %add3A_720 : vector<16xi32> to vector<1x16xi32>
      tpu.vector_store %arg6[%swap3A_722, %swap3A_723], %swap3A_726 {strides = array<i32>} : memref<8x128xi32, #tpu.memory_space<vmem>>, vector<1x16xi32>,
      %get3A_727 = arith.constant 5 : i32
      %get3A_728 = arith.index_cast %get3A_727 : i32 to index
      %get3A_729 = arith.constant 32 : index
      %get3A_730 = tpu.vector_load %arg6[%get3A_728, %get3A_729] {strides = array<i32>} : memref<8x128xi32, #tpu.memory_space<vmem>>, vector<1x16xi32>,
      %get3A_731 = vector.shape_cast %get3A_730 : vector<1x16xi32> to vector<16xi32>
      %get3A_732 = arith.constant 5 : i32
      %get3A_733 = arith.index_cast %get3A_732 : i32 to index
      %get3A_734 = arith.constant 32 : index
      %get3A_735 = tpu.vector_load %arg7[%get3A_733, %get3A_734] {strides = array<i32>} : memref<8x128xi32, #tpu.memory_space<vmem>>, vector<1x16xi32>,
      %get3A_736 = vector.shape_cast %get3A_735 : vector<1x16xi32> to vector<16xi32>
      %add3A_737 = arith.addi %get3A_731, %get3A_736 : vector<16xi32>
      %swap3A_738 = arith.constant 5 : i32
      %swap3A_739 = arith.index_cast %swap3A_738 : i32 to index
      %swap3A_740 = arith.constant 32 : index
      %swap3A_741 = tpu.vector_load %arg6[%swap3A_739, %swap3A_740] {strides = array<i32>} : memref<8x128xi32, #tpu.memory_space<vmem>>, vector<1x16xi32>,
      %swap3A_742 = vector.shape_cast %swap3A_741 : vector<1x16xi32> to vector<16xi32>
      %swap3A_743 = vector.shape_cast %add3A_737 : vector<16xi32> to vector<1x16xi32>
      tpu.vector_store %arg6[%swap3A_739, %swap3A_740], %swap3A_743 {strides = array<i32>} : memref<8x128xi32, #tpu.memory_space<vmem>>, vector<1x16xi32>,
      %get3A_744 = arith.constant 5 : i32
      %get3A_745 = arith.index_cast %get3A_744 : i32 to index
      %get3A_746 = arith.constant 48 : index
      %get3A_747 = tpu.vector_load %arg6[%get3A_745, %get3A_746] {strides = array<i32>} : memref<8x128xi32, #tpu.memory_space<vmem>>, vector<1x16xi32>,
      %get3A_748 = vector.shape_cast %get3A_747 : vector<1x16xi32> to vector<16xi32>
      %get3A_749 = arith.constant 5 : i32
      %get3A_750 = arith.index_cast %get3A_749 : i32 to index
      %get3A_751 = arith.constant 48 : index
      %get3A_752 = tpu.vector_load %arg7[%get3A_750, %get3A_751] {strides = array<i32>} : memref<8x128xi32, #tpu.memory_space<vmem>>, vector<1x16xi32>,
      %get3A_753 = vector.shape_cast %get3A_752 : vector<1x16xi32> to vector<16xi32>
      %add3A_754 = arith.addi %get3A_748, %get3A_753 : vector<16xi32>
      %swap3A_755 = arith.constant 5 : i32
      %swap3A_756 = arith.index_cast %swap3A_755 : i32 to index
      %swap3A_757 = arith.constant 48 : index
      %swap3A_758 = tpu.vector_load %arg6[%swap3A_756, %swap3A_757] {strides = array<i32>} : memref<8x128xi32, #tpu.memory_space<vmem>>, vector<1x16xi32>,
      %swap3A_759 = vector.shape_cast %swap3A_758 : vector<1x16xi32> to vector<16xi32>
      %swap3A_760 = vector.shape_cast %add3A_754 : vector<16xi32> to vector<1x16xi32>
      tpu.vector_store %arg6[%swap3A_756, %swap3A_757], %swap3A_760 {strides = array<i32>} : memref<8x128xi32, #tpu.memory_space<vmem>>, vector<1x16xi32>,
      %get3A_761 = arith.constant 5 : i32
      %get3A_762 = arith.index_cast %get3A_761 : i32 to index
      %get3A_763 = arith.constant 64 : index
      %get3A_764 = tpu.vector_load %arg6[%get3A_762, %get3A_763] {strides = array<i32>} : memref<8x128xi32, #tpu.memory_space<vmem>>, vector<1x16xi32>,
      %get3A_765 = vector.shape_cast %get3A_764 : vector<1x16xi32> to vector<16xi32>
      %get3A_766 = arith.constant 5 : i32
      %get3A_767 = arith.index_cast %get3A_766 : i32 to index
      %get3A_768 = arith.constant 64 : index
      %get3A_769 = tpu.vector_load %arg7[%get3A_767, %get3A_768] {strides = array<i32>} : memref<8x128xi32, #tpu.memory_space<vmem>>, vector<1x16xi32>,
      %get3A_770 = vector.shape_cast %get3A_769 : vector<1x16xi32> to vector<16xi32>
      %add3A_771 = arith.addi %get3A_765, %get3A_770 : vector<16xi32>
      %swap3A_772 = arith.constant 5 : i32
      %swap3A_773 = arith.index_cast %swap3A_772 : i32 to index
      %swap3A_774 = arith.constant 64 : index
      %swap3A_775 = tpu.vector_load %arg6[%swap3A_773, %swap3A_774] {strides = array<i32>} : memref<8x128xi32, #tpu.memory_space<vmem>>, vector<1x16xi32>,
      %swap3A_776 = vector.shape_cast %swap3A_775 : vector<1x16xi32> to vector<16xi32>
      %swap3A_777 = vector.shape_cast %add3A_771 : vector<16xi32> to vector<1x16xi32>
      tpu.vector_store %arg6[%swap3A_773, %swap3A_774], %swap3A_777 {strides = array<i32>} : memref<8x128xi32, #tpu.memory_space<vmem>>, vector<1x16xi32>,
      %get3A_778 = arith.constant 5 : i32
      %get3A_779 = arith.index_cast %get3A_778 : i32 to index
      %get3A_780 = arith.constant 80 : index
      %get3A_781 = tpu.vector_load %arg6[%get3A_779, %get3A_780] {strides = array<i32>} : memref<8x128xi32, #tpu.memory_space<vmem>>, vector<1x16xi32>,
      %get3A_782 = vector.shape_cast %get3A_781 : vector<1x16xi32> to vector<16xi32>
      %get3A_783 = arith.constant 5 : i32
      %get3A_784 = arith.index_cast %get3A_783 : i32 to index
      %get3A_785 = arith.constant 80 : index
      %get3A_786 = tpu.vector_load %arg7[%get3A_784, %get3A_785] {strides = array<i32>} : memref<8x128xi32, #tpu.memory_space<vmem>>, vector<1x16xi32>,
      %get3A_787 = vector.shape_cast %get3A_786 : vector<1x16xi32> to vector<16xi32>
      %add3A_788 = arith.addi %get3A_782, %get3A_787 : vector<16xi32>
      %swap3A_789 = arith.constant 5 : i32
      %swap3A_790 = arith.index_cast %swap3A_789 : i32 to index
      %swap3A_791 = arith.constant 80 : index
      %swap3A_792 = tpu.vector_load %arg6[%swap3A_790, %swap3A_791] {strides = array<i32>} : memref<8x128xi32, #tpu.memory_space<vmem>>, vector<1x16xi32>,
      %swap3A_793 = vector.shape_cast %swap3A_792 : vector<1x16xi32> to vector<16xi32>
      %swap3A_794 = vector.shape_cast %add3A_788 : vector<16xi32> to vector<1x16xi32>
      tpu.vector_store %arg6[%swap3A_790, %swap3A_791], %swap3A_794 {strides = array<i32>} : memref<8x128xi32, #tpu.memory_space<vmem>>, vector<1x16xi32>,
      %get3A_795 = arith.constant 5 : i32
      %get3A_796 = arith.index_cast %get3A_795 : i32 to index
      %get3A_797 = arith.constant 96 : index
      %get3A_798 = tpu.vector_load %arg6[%get3A_796, %get3A_797] {strides = array<i32>} : memref<8x128xi32, #tpu.memory_space<vmem>>, vector<1x16xi32>,
      %get3A_799 = vector.shape_cast %get3A_798 : vector<1x16xi32> to vector<16xi32>
      %get3A_800 = arith.constant 5 : i32
      %get3A_801 = arith.index_cast %get3A_800 : i32 to index
      %get3A_802 = arith.constant 96 : index
      %get3A_803 = tpu.vector_load %arg7[%get3A_801, %get3A_802] {strides = array<i32>} : memref<8x128xi32, #tpu.memory_space<vmem>>, vector<1x16xi32>,
      %get3A_804 = vector.shape_cast %get3A_803 : vector<1x16xi32> to vector<16xi32>
      %add3A_805 = arith.addi %get3A_799, %get3A_804 : vector<16xi32>
      %swap3A_806 = arith.constant 5 : i32
      %swap3A_807 = arith.index_cast %swap3A_806 : i32 to index
      %swap3A_808 = arith.constant 96 : index
      %swap3A_809 = tpu.vector_load %arg6[%swap3A_807, %swap3A_808] {strides = array<i32>} : memref<8x128xi32, #tpu.memory_space<vmem>>, vector<1x16xi32>,
      %swap3A_810 = vector.shape_cast %swap3A_809 : vector<1x16xi32> to vector<16xi32>
      %swap3A_811 = vector.shape_cast %add3A_805 : vector<16xi32> to vector<1x16xi32>
      tpu.vector_store %arg6[%swap3A_807, %swap3A_808], %swap3A_811 {strides = array<i32>} : memref<8x128xi32, #tpu.memory_space<vmem>>, vector<1x16xi32>,
      %get3A_812 = arith.constant 5 : i32
      %get3A_813 = arith.index_cast %get3A_812 : i32 to index
      %get3A_814 = arith.constant 112 : index
      %get3A_815 = tpu.vector_load %arg6[%get3A_813, %get3A_814] {strides = array<i32>} : memref<8x128xi32, #tpu.memory_space<vmem>>, vector<1x16xi32>,
      %get3A_816 = vector.shape_cast %get3A_815 : vector<1x16xi32> to vector<16xi32>
      %get3A_817 = arith.constant 5 : i32
      %get3A_818 = arith.index_cast %get3A_817 : i32 to index
      %get3A_819 = arith.constant 112 : index
      %get3A_820 = tpu.vector_load %arg7[%get3A_818, %get3A_819] {strides = array<i32>} : memref<8x128xi32, #tpu.memory_space<vmem>>, vector<1x16xi32>,
      %get3A_821 = vector.shape_cast %get3A_820 : vector<1x16xi32> to vector<16xi32>
      %add3A_822 = arith.addi %get3A_816, %get3A_821 : vector<16xi32>
      %swap3A_823 = arith.constant 5 : i32
      %swap3A_824 = arith.index_cast %swap3A_823 : i32 to index
      %swap3A_825 = arith.constant 112 : index
      %swap3A_826 = tpu.vector_load %arg6[%swap3A_824, %swap3A_825] {strides = array<i32>} : memref<8x128xi32, #tpu.memory_space<vmem>>, vector<1x16xi32>,
      %swap3A_827 = vector.shape_cast %swap3A_826 : vector<1x16xi32> to vector<16xi32>
      %swap3A_828 = vector.shape_cast %add3A_822 : vector<16xi32> to vector<1x16xi32>
      tpu.vector_store %arg6[%swap3A_824, %swap3A_825], %swap3A_828 {strides = array<i32>} : memref<8x128xi32, #tpu.memory_space<vmem>>, vector<1x16xi32>,
      %get3A_829 = arith.constant 6 : i32
      %get3A_830 = arith.index_cast %get3A_829 : i32 to index
      %get3A_831 = arith.constant 0 : index
      %get3A_832 = tpu.vector_load %arg6[%get3A_830, %get3A_831] {strides = array<i32>} : memref<8x128xi32, #tpu.memory_space<vmem>>, vector<1x16xi32>,
      %get3A_833 = vector.shape_cast %get3A_832 : vector<1x16xi32> to vector<16xi32>
      %get3A_834 = arith.constant 6 : i32
      %get3A_835 = arith.index_cast %get3A_834 : i32 to index
      %get3A_836 = arith.constant 0 : index
      %get3A_837 = tpu.vector_load %arg7[%get3A_835, %get3A_836] {strides = array<i32>} : memref<8x128xi32, #tpu.memory_space<vmem>>, vector<1x16xi32>,
      %get3A_838 = vector.shape_cast %get3A_837 : vector<1x16xi32> to vector<16xi32>
      %add3A_839 = arith.addi %get3A_833, %get3A_838 : vector<16xi32>
      %swap3A_840 = arith.constant 6 : i32
      %swap3A_841 = arith.index_cast %swap3A_840 : i32 to index
      %swap3A_842 = arith.constant 0 : index
      %swap3A_843 = tpu.vector_load %arg6[%swap3A_841, %swap3A_842] {strides = array<i32>} : memref<8x128xi32, #tpu.memory_space<vmem>>, vector<1x16xi32>,
      %swap3A_844 = vector.shape_cast %swap3A_843 : vector<1x16xi32> to vector<16xi32>
      %swap3A_845 = vector.shape_cast %add3A_839 : vector<16xi32> to vector<1x16xi32>
      tpu.vector_store %arg6[%swap3A_841, %swap3A_842], %swap3A_845 {strides = array<i32>} : memref<8x128xi32, #tpu.memory_space<vmem>>, vector<1x16xi32>,
      %get3A_846 = arith.constant 6 : i32
      %get3A_847 = arith.index_cast %get3A_846 : i32 to index
      %get3A_848 = arith.constant 16 : index
      %get3A_849 = tpu.vector_load %arg6[%get3A_847, %get3A_848] {strides = array<i32>} : memref<8x128xi32, #tpu.memory_space<vmem>>, vector<1x16xi32>,
      %get3A_850 = vector.shape_cast %get3A_849 : vector<1x16xi32> to vector<16xi32>
      %get3A_851 = arith.constant 6 : i32
      %get3A_852 = arith.index_cast %get3A_851 : i32 to index
      %get3A_853 = arith.constant 16 : index
      %get3A_854 = tpu.vector_load %arg7[%get3A_852, %get3A_853] {strides = array<i32>} : memref<8x128xi32, #tpu.memory_space<vmem>>, vector<1x16xi32>,
      %get3A_855 = vector.shape_cast %get3A_854 : vector<1x16xi32> to vector<16xi32>
      %add3A_856 = arith.addi %get3A_850, %get3A_855 : vector<16xi32>
      %swap3A_857 = arith.constant 6 : i32
      %swap3A_858 = arith.index_cast %swap3A_857 : i32 to index
      %swap3A_859 = arith.constant 16 : index
      %swap3A_860 = tpu.vector_load %arg6[%swap3A_858, %swap3A_859] {strides = array<i32>} : memref<8x128xi32, #tpu.memory_space<vmem>>, vector<1x16xi32>,
      %swap3A_861 = vector.shape_cast %swap3A_860 : vector<1x16xi32> to vector<16xi32>
      %swap3A_862 = vector.shape_cast %add3A_856 : vector<16xi32> to vector<1x16xi32>
      tpu.vector_store %arg6[%swap3A_858, %swap3A_859], %swap3A_862 {strides = array<i32>} : memref<8x128xi32, #tpu.memory_space<vmem>>, vector<1x16xi32>,
      %get3A_863 = arith.constant 6 : i32
      %get3A_864 = arith.index_cast %get3A_863 : i32 to index
      %get3A_865 = arith.constant 32 : index
      %get3A_866 = tpu.vector_load %arg6[%get3A_864, %get3A_865] {strides = array<i32>} : memref<8x128xi32, #tpu.memory_space<vmem>>, vector<1x16xi32>,
      %get3A_867 = vector.shape_cast %get3A_866 : vector<1x16xi32> to vector<16xi32>
      %get3A_868 = arith.constant 6 : i32
      %get3A_869 = arith.index_cast %get3A_868 : i32 to index
      %get3A_870 = arith.constant 32 : index
      %get3A_871 = tpu.vector_load %arg7[%get3A_869, %get3A_870] {strides = array<i32>} : memref<8x128xi32, #tpu.memory_space<vmem>>, vector<1x16xi32>,
      %get3A_872 = vector.shape_cast %get3A_871 : vector<1x16xi32> to vector<16xi32>
      %add3A_873 = arith.addi %get3A_867, %get3A_872 : vector<16xi32>
      %swap3A_874 = arith.constant 6 : i32
      %swap3A_875 = arith.index_cast %swap3A_874 : i32 to index
      %swap3A_876 = arith.constant 32 : index
      %swap3A_877 = tpu.vector_load %arg6[%swap3A_875, %swap3A_876] {strides = array<i32>} : memref<8x128xi32, #tpu.memory_space<vmem>>, vector<1x16xi32>,
      %swap3A_878 = vector.shape_cast %swap3A_877 : vector<1x16xi32> to vector<16xi32>
      %swap3A_879 = vector.shape_cast %add3A_873 : vector<16xi32> to vector<1x16xi32>
      tpu.vector_store %arg6[%swap3A_875, %swap3A_876], %swap3A_879 {strides = array<i32>} : memref<8x128xi32, #tpu.memory_space<vmem>>, vector<1x16xi32>,
      %get3A_880 = arith.constant 6 : i32
      %get3A_881 = arith.index_cast %get3A_880 : i32 to index
      %get3A_882 = arith.constant 48 : index
      %get3A_883 = tpu.vector_load %arg6[%get3A_881, %get3A_882] {strides = array<i32>} : memref<8x128xi32, #tpu.memory_space<vmem>>, vector<1x16xi32>,
      %get3A_884 = vector.shape_cast %get3A_883 : vector<1x16xi32> to vector<16xi32>
      %get3A_885 = arith.constant 6 : i32
      %get3A_886 = arith.index_cast %get3A_885 : i32 to index
      %get3A_887 = arith.constant 48 : index
      %get3A_888 = tpu.vector_load %arg7[%get3A_886, %get3A_887] {strides = array<i32>} : memref<8x128xi32, #tpu.memory_space<vmem>>, vector<1x16xi32>,
      %get3A_889 = vector.shape_cast %get3A_888 : vector<1x16xi32> to vector<16xi32>
      %add3A_890 = arith.addi %get3A_884, %get3A_889 : vector<16xi32>
      %swap3A_891 = arith.constant 6 : i32
      %swap3A_892 = arith.index_cast %swap3A_891 : i32 to index
      %swap3A_893 = arith.constant 48 : index
      %swap3A_894 = tpu.vector_load %arg6[%swap3A_892, %swap3A_893] {strides = array<i32>} : memref<8x128xi32, #tpu.memory_space<vmem>>, vector<1x16xi32>,
      %swap3A_895 = vector.shape_cast %swap3A_894 : vector<1x16xi32> to vector<16xi32>
      %swap3A_896 = vector.shape_cast %add3A_890 : vector<16xi32> to vector<1x16xi32>
      tpu.vector_store %arg6[%swap3A_892, %swap3A_893], %swap3A_896 {strides = array<i32>} : memref<8x128xi32, #tpu.memory_space<vmem>>, vector<1x16xi32>,
      %get3A_897 = arith.constant 6 : i32
      %get3A_898 = arith.index_cast %get3A_897 : i32 to index
      %get3A_899 = arith.constant 64 : index
      %get3A_900 = tpu.vector_load %arg6[%get3A_898, %get3A_899] {strides = array<i32>} : memref<8x128xi32, #tpu.memory_space<vmem>>, vector<1x16xi32>,
      %get3A_901 = vector.shape_cast %get3A_900 : vector<1x16xi32> to vector<16xi32>
      %get3A_902 = arith.constant 6 : i32
      %get3A_903 = arith.index_cast %get3A_902 : i32 to index
      %get3A_904 = arith.constant 64 : index
      %get3A_905 = tpu.vector_load %arg7[%get3A_903, %get3A_904] {strides = array<i32>} : memref<8x128xi32, #tpu.memory_space<vmem>>, vector<1x16xi32>,
      %get3A_906 = vector.shape_cast %get3A_905 : vector<1x16xi32> to vector<16xi32>
      %add3A_907 = arith.addi %get3A_901, %get3A_906 : vector<16xi32>
      %swap3A_908 = arith.constant 6 : i32
      %swap3A_909 = arith.index_cast %swap3A_908 : i32 to index
      %swap3A_910 = arith.constant 64 : index
      %swap3A_911 = tpu.vector_load %arg6[%swap3A_909, %swap3A_910] {strides = array<i32>} : memref<8x128xi32, #tpu.memory_space<vmem>>, vector<1x16xi32>,
      %swap3A_912 = vector.shape_cast %swap3A_911 : vector<1x16xi32> to vector<16xi32>
      %swap3A_913 = vector.shape_cast %add3A_907 : vector<16xi32> to vector<1x16xi32>
      tpu.vector_store %arg6[%swap3A_909, %swap3A_910], %swap3A_913 {strides = array<i32>} : memref<8x128xi32, #tpu.memory_space<vmem>>, vector<1x16xi32>,
      %get3A_914 = arith.constant 6 : i32
      %get3A_915 = arith.index_cast %get3A_914 : i32 to index
      %get3A_916 = arith.constant 80 : index
      %get3A_917 = tpu.vector_load %arg6[%get3A_915, %get3A_916] {strides = array<i32>} : memref<8x128xi32, #tpu.memory_space<vmem>>, vector<1x16xi32>,
      %get3A_918 = vector.shape_cast %get3A_917 : vector<1x16xi32> to vector<16xi32>
      %get3A_919 = arith.constant 6 : i32
      %get3A_920 = arith.index_cast %get3A_919 : i32 to index
      %get3A_921 = arith.constant 80 : index
      %get3A_922 = tpu.vector_load %arg7[%get3A_920, %get3A_921] {strides = array<i32>} : memref<8x128xi32, #tpu.memory_space<vmem>>, vector<1x16xi32>,
      %get3A_923 = vector.shape_cast %get3A_922 : vector<1x16xi32> to vector<16xi32>
      %add3A_924 = arith.addi %get3A_918, %get3A_923 : vector<16xi32>
      %swap3A_925 = arith.constant 6 : i32
      %swap3A_926 = arith.index_cast %swap3A_925 : i32 to index
      %swap3A_927 = arith.constant 80 : index
      %swap3A_928 = tpu.vector_load %arg6[%swap3A_926, %swap3A_927] {strides = array<i32>} : memref<8x128xi32, #tpu.memory_space<vmem>>, vector<1x16xi32>,
      %swap3A_929 = vector.shape_cast %swap3A_928 : vector<1x16xi32> to vector<16xi32>
      %swap3A_930 = vector.shape_cast %add3A_924 : vector<16xi32> to vector<1x16xi32>
      tpu.vector_store %arg6[%swap3A_926, %swap3A_927], %swap3A_930 {strides = array<i32>} : memref<8x128xi32, #tpu.memory_space<vmem>>, vector<1x16xi32>,
      %get3A_931 = arith.constant 6 : i32
      %get3A_932 = arith.index_cast %get3A_931 : i32 to index
      %get3A_933 = arith.constant 96 : index
      %get3A_934 = tpu.vector_load %arg6[%get3A_932, %get3A_933] {strides = array<i32>} : memref<8x128xi32, #tpu.memory_space<vmem>>, vector<1x16xi32>,
      %get3A_935 = vector.shape_cast %get3A_934 : vector<1x16xi32> to vector<16xi32>
      %get3A_936 = arith.constant 6 : i32
      %get3A_937 = arith.index_cast %get3A_936 : i32 to index
      %get3A_938 = arith.constant 96 : index
      %get3A_939 = tpu.vector_load %arg7[%get3A_937, %get3A_938] {strides = array<i32>} : memref<8x128xi32, #tpu.memory_space<vmem>>, vector<1x16xi32>,
      %get3A_940 = vector.shape_cast %get3A_939 : vector<1x16xi32> to vector<16xi32>
      %add3A_941 = arith.addi %get3A_935, %get3A_940 : vector<16xi32>
      %swap3A_942 = arith.constant 6 : i32
      %swap3A_943 = arith.index_cast %swap3A_942 : i32 to index
      %swap3A_944 = arith.constant 96 : index
      %swap3A_945 = tpu.vector_load %arg6[%swap3A_943, %swap3A_944] {strides = array<i32>} : memref<8x128xi32, #tpu.memory_space<vmem>>, vector<1x16xi32>,
      %swap3A_946 = vector.shape_cast %swap3A_945 : vector<1x16xi32> to vector<16xi32>
      %swap3A_947 = vector.shape_cast %add3A_941 : vector<16xi32> to vector<1x16xi32>
      tpu.vector_store %arg6[%swap3A_943, %swap3A_944], %swap3A_947 {strides = array<i32>} : memref<8x128xi32, #tpu.memory_space<vmem>>, vector<1x16xi32>,
      %get3A_948 = arith.constant 6 : i32
      %get3A_949 = arith.index_cast %get3A_948 : i32 to index
      %get3A_950 = arith.constant 112 : index
      %get3A_951 = tpu.vector_load %arg6[%get3A_949, %get3A_950] {strides = array<i32>} : memref<8x128xi32, #tpu.memory_space<vmem>>, vector<1x16xi32>,
      %get3A_952 = vector.shape_cast %get3A_951 : vector<1x16xi32> to vector<16xi32>
      %get3A_953 = arith.constant 6 : i32
      %get3A_954 = arith.index_cast %get3A_953 : i32 to index
      %get3A_955 = arith.constant 112 : index
      %get3A_956 = tpu.vector_load %arg7[%get3A_954, %get3A_955] {strides = array<i32>} : memref<8x128xi32, #tpu.memory_space<vmem>>, vector<1x16xi32>,
      %get3A_957 = vector.shape_cast %get3A_956 : vector<1x16xi32> to vector<16xi32>
      %add3A_958 = arith.addi %get3A_952, %get3A_957 : vector<16xi32>
      %swap3A_959 = arith.constant 6 : i32
      %swap3A_960 = arith.index_cast %swap3A_959 : i32 to index
      %swap3A_961 = arith.constant 112 : index
      %swap3A_962 = tpu.vector_load %arg6[%swap3A_960, %swap3A_961] {strides = array<i32>} : memref<8x128xi32, #tpu.memory_space<vmem>>, vector<1x16xi32>,
      %swap3A_963 = vector.shape_cast %swap3A_962 : vector<1x16xi32> to vector<16xi32>
      %swap3A_964 = vector.shape_cast %add3A_958 : vector<16xi32> to vector<1x16xi32>
      tpu.vector_store %arg6[%swap3A_960, %swap3A_961], %swap3A_964 {strides = array<i32>} : memref<8x128xi32, #tpu.memory_space<vmem>>, vector<1x16xi32>,
      %dma_start3A = arith.constant 0 : i32
      %dma_start3A_965 = arith.constant 0 : i32
      %dma_start3A_966 = arith.constant 0 : i32
      %dma_start3A_967 = tpu.memref_slice %arg8[%dma_start3A_965, %dma_start3A_966] : memref<832x128xf32, #tpu.memory_space<vmem>> -> memref<128x128xf32, #tpu.memory_space<vmem>>
      %dma_start3A_968 = arith.constant 0 : i32
      %dma_start3A_969 = tpu.memref_slice %arg6[%dma_start3A, %dma_start3A_968] : memref<8x128xi32, #tpu.memory_space<vmem>> -> memref<1x128xi32, #tpu.memory_space<vmem>>
      %dma_start3A_970 = tpu.memref_squeeze %dma_start3A_969 : memref<1x128xi32, #tpu.memory_space<vmem>> -> memref<128xi32, #tpu.memory_space<vmem>>
      %dma_start3A_971 = arith.constant 0 : i32
      %dma_start3A_972 = arith.constant 0 : i32
      %dma_start3A_973 = tpu.memref_slice %arg4[%dma_start3A_971, %dma_start3A_972] : memref<1302528x128xf32, #tpu.memory_space<hbm>> -> memref<1302528x128xf32, #tpu.memory_space<hbm>>
      tpu.enqueue_indirect_dma source(%dma_start3A_973 : memref<1302528x128xf32, #tpu.memory_space<hbm>>) target(%dma_start3A_967 : memref<128x128xf32, #tpu.memory_space<vmem>>) offsets(%dma_start3A_970 : memref<128xi32, #tpu.memory_space<vmem>>) semaphore(%arg10 : memref<!tpu.dma_semaphore, #tpu.memory_space<semaphore_mem>>)
      %dma_start3A_974 = arith.constant 1 : i32
      %dma_start3A_975 = arith.constant 128 : i32
      %dma_start3A_976 = arith.constant 0 : i32
      %dma_start3A_977 = tpu.memref_slice %arg8[%dma_start3A_975, %dma_start3A_976] : memref<832x128xf32, #tpu.memory_space<vmem>> -> memref<128x128xf32, #tpu.memory_space<vmem>>
      %dma_start3A_978 = arith.constant 0 : i32
      %dma_start3A_979 = tpu.memref_slice %arg6[%dma_start3A_974, %dma_start3A_978] : memref<8x128xi32, #tpu.memory_space<vmem>> -> memref<1x128xi32, #tpu.memory_space<vmem>>
      %dma_start3A_980 = tpu.memref_squeeze %dma_start3A_979 : memref<1x128xi32, #tpu.memory_space<vmem>> -> memref<128xi32, #tpu.memory_space<vmem>>
      %dma_start3A_981 = arith.constant 0 : i32
      %dma_start3A_982 = arith.constant 0 : i32
      %dma_start3A_983 = tpu.memref_slice %arg4[%dma_start3A_981, %dma_start3A_982] : memref<1302528x128xf32, #tpu.memory_space<hbm>> -> memref<1302528x128xf32, #tpu.memory_space<hbm>>
      tpu.enqueue_indirect_dma source(%dma_start3A_983 : memref<1302528x128xf32, #tpu.memory_space<hbm>>) target(%dma_start3A_977 : memref<128x128xf32, #tpu.memory_space<vmem>>) offsets(%dma_start3A_980 : memref<128xi32, #tpu.memory_space<vmem>>) semaphore(%arg10 : memref<!tpu.dma_semaphore, #tpu.memory_space<semaphore_mem>>)
      %dma_start3A_984 = arith.constant 2 : i32
      %dma_start3A_985 = arith.constant 256 : i32
      %dma_start3A_986 = arith.constant 0 : i32
      %dma_start3A_987 = tpu.memref_slice %arg8[%dma_start3A_985, %dma_start3A_986] : memref<832x128xf32, #tpu.memory_space<vmem>> -> memref<128x128xf32, #tpu.memory_space<vmem>>
      %dma_start3A_988 = arith.constant 0 : i32
      %dma_start3A_989 = tpu.memref_slice %arg6[%dma_start3A_984, %dma_start3A_988] : memref<8x128xi32, #tpu.memory_space<vmem>> -> memref<1x128xi32, #tpu.memory_space<vmem>>
      %dma_start3A_990 = tpu.memref_squeeze %dma_start3A_989 : memref<1x128xi32, #tpu.memory_space<vmem>> -> memref<128xi32, #tpu.memory_space<vmem>>
      %dma_start3A_991 = arith.constant 0 : i32
      %dma_start3A_992 = arith.constant 0 : i32
      %dma_start3A_993 = tpu.memref_slice %arg4[%dma_start3A_991, %dma_start3A_992] : memref<1302528x128xf32, #tpu.memory_space<hbm>> -> memref<1302528x128xf32, #tpu.memory_space<hbm>>
      tpu.enqueue_indirect_dma source(%dma_start3A_993 : memref<1302528x128xf32, #tpu.memory_space<hbm>>) target(%dma_start3A_987 : memref<128x128xf32, #tpu.memory_space<vmem>>) offsets(%dma_start3A_990 : memref<128xi32, #tpu.memory_space<vmem>>) semaphore(%arg10 : memref<!tpu.dma_semaphore, #tpu.memory_space<semaphore_mem>>)
      %dma_start3A_994 = arith.constant 3 : i32
      %dma_start3A_995 = arith.constant 384 : i32
      %dma_start3A_996 = arith.constant 0 : i32
      %dma_start3A_997 = tpu.memref_slice %arg8[%dma_start3A_995, %dma_start3A_996] : memref<832x128xf32, #tpu.memory_space<vmem>> -> memref<128x128xf32, #tpu.memory_space<vmem>>
      %dma_start3A_998 = arith.constant 0 : i32
      %dma_start3A_999 = tpu.memref_slice %arg6[%dma_start3A_994, %dma_start3A_998] : memref<8x128xi32, #tpu.memory_space<vmem>> -> memref<1x128xi32, #tpu.memory_space<vmem>>
      %dma_start3A_1000 = tpu.memref_squeeze %dma_start3A_999 : memref<1x128xi32, #tpu.memory_space<vmem>> -> memref<128xi32, #tpu.memory_space<vmem>>
      %dma_start3A_1001 = arith.constant 0 : i32
      %dma_start3A_1002 = arith.constant 0 : i32
      %dma_start3A_1003 = tpu.memref_slice %arg4[%dma_start3A_1001, %dma_start3A_1002] : memref<1302528x128xf32, #tpu.memory_space<hbm>> -> memref<1302528x128xf32, #tpu.memory_space<hbm>>
      tpu.enqueue_indirect_dma source(%dma_start3A_1003 : memref<1302528x128xf32, #tpu.memory_space<hbm>>) target(%dma_start3A_997 : memref<128x128xf32, #tpu.memory_space<vmem>>) offsets(%dma_start3A_1000 : memref<128xi32, #tpu.memory_space<vmem>>) semaphore(%arg10 : memref<!tpu.dma_semaphore, #tpu.memory_space<semaphore_mem>>)
      %dma_start3A_1004 = arith.constant 4 : i32
      %dma_start3A_1005 = arith.constant 512 : i32
      %dma_start3A_1006 = arith.constant 0 : i32
      %dma_start3A_1007 = tpu.memref_slice %arg8[%dma_start3A_1005, %dma_start3A_1006] : memref<832x128xf32, #tpu.memory_space<vmem>> -> memref<128x128xf32, #tpu.memory_space<vmem>>
      %dma_start3A_1008 = arith.constant 0 : i32
      %dma_start3A_1009 = tpu.memref_slice %arg6[%dma_start3A_1004, %dma_start3A_1008] : memref<8x128xi32, #tpu.memory_space<vmem>> -> memref<1x128xi32, #tpu.memory_space<vmem>>
      %dma_start3A_1010 = tpu.memref_squeeze %dma_start3A_1009 : memref<1x128xi32, #tpu.memory_space<vmem>> -> memref<128xi32, #tpu.memory_space<vmem>>
      %dma_start3A_1011 = arith.constant 0 : i32
      %dma_start3A_1012 = arith.constant 0 : i32
      %dma_start3A_1013 = tpu.memref_slice %arg4[%dma_start3A_1011, %dma_start3A_1012] : memref<1302528x128xf32, #tpu.memory_space<hbm>> -> memref<1302528x128xf32, #tpu.memory_space<hbm>>
      tpu.enqueue_indirect_dma source(%dma_start3A_1013 : memref<1302528x128xf32, #tpu.memory_space<hbm>>) target(%dma_start3A_1007 : memref<128x128xf32, #tpu.memory_space<vmem>>) offsets(%dma_start3A_1010 : memref<128xi32, #tpu.memory_space<vmem>>) semaphore(%arg10 : memref<!tpu.dma_semaphore, #tpu.memory_space<semaphore_mem>>)
      %dma_start3A_1014 = arith.constant 5 : i32
      %dma_start3A_1015 = arith.constant 640 : i32
      %dma_start3A_1016 = arith.constant 0 : i32
      %dma_start3A_1017 = tpu.memref_slice %arg8[%dma_start3A_1015, %dma_start3A_1016] : memref<832x128xf32, #tpu.memory_space<vmem>> -> memref<128x128xf32, #tpu.memory_space<vmem>>
      %dma_start3A_1018 = arith.constant 0 : i32
      %dma_start3A_1019 = tpu.memref_slice %arg6[%dma_start3A_1014, %dma_start3A_1018] : memref<8x128xi32, #tpu.memory_space<vmem>> -> memref<1x128xi32, #tpu.memory_space<vmem>>
      %dma_start3A_1020 = tpu.memref_squeeze %dma_start3A_1019 : memref<1x128xi32, #tpu.memory_space<vmem>> -> memref<128xi32, #tpu.memory_space<vmem>>
      %dma_start3A_1021 = arith.constant 0 : i32
      %dma_start3A_1022 = arith.constant 0 : i32
      %dma_start3A_1023 = tpu.memref_slice %arg4[%dma_start3A_1021, %dma_start3A_1022] : memref<1302528x128xf32, #tpu.memory_space<hbm>> -> memref<1302528x128xf32, #tpu.memory_space<hbm>>
      tpu.enqueue_indirect_dma source(%dma_start3A_1023 : memref<1302528x128xf32, #tpu.memory_space<hbm>>) target(%dma_start3A_1017 : memref<128x128xf32, #tpu.memory_space<vmem>>) offsets(%dma_start3A_1020 : memref<128xi32, #tpu.memory_space<vmem>>) semaphore(%arg10 : memref<!tpu.dma_semaphore, #tpu.memory_space<semaphore_mem>>)
      %dma_start3A_1024 = arith.constant 6 : i32
      %dma_start3A_1025 = arith.constant 768 : i32
      %dma_start3A_1026 = arith.constant 0 : i32
      %dma_start3A_1027 = tpu.memref_slice %arg8[%dma_start3A_1025, %dma_start3A_1026] : memref<832x128xf32, #tpu.memory_space<vmem>> -> memref<64x128xf32, #tpu.memory_space<vmem>>
      %dma_start3A_1028 = arith.constant 0 : i32
      %dma_start3A_1029 = tpu.memref_slice %arg6[%dma_start3A_1024, %dma_start3A_1028] : memref<8x128xi32, #tpu.memory_space<vmem>> -> memref<1x64xi32, #tpu.memory_space<vmem>>
      %dma_start3A_1030 = tpu.memref_squeeze %dma_start3A_1029 : memref<1x64xi32, #tpu.memory_space<vmem>> -> memref<64xi32, #tpu.memory_space<vmem>>
      %dma_start3A_1031 = arith.constant 0 : i32
      %dma_start3A_1032 = arith.constant 0 : i32
      %dma_start3A_1033 = tpu.memref_slice %arg4[%dma_start3A_1031, %dma_start3A_1032] : memref<1302528x128xf32, #tpu.memory_space<hbm>> -> memref<1302528x128xf32, #tpu.memory_space<hbm>>
      tpu.enqueue_indirect_dma source(%dma_start3A_1033 : memref<1302528x128xf32, #tpu.memory_space<hbm>>) target(%dma_start3A_1027 : memref<64x128xf32, #tpu.memory_space<vmem>>) offsets(%dma_start3A_1030 : memref<64xi32, #tpu.memory_space<vmem>>) semaphore(%arg10 : memref<!tpu.dma_semaphore, #tpu.memory_space<semaphore_mem>>)
      %dma_wait3A = arith.constant 0 : i32
      %dma_wait3A_1034 = arith.constant 0 : i32
      %dma_wait3A_1035 = arith.constant 0 : i32
      %dma_wait3A_1036 = tpu.memref_slice %arg8[%dma_wait3A_1034, %dma_wait3A_1035] : memref<832x128xf32, #tpu.memory_space<vmem>> -> memref<128x128xf32, #tpu.memory_space<vmem>>
      %dma_wait3A_1037 = arith.constant 0 : i32
      %dma_wait3A_1038 = tpu.memref_slice %arg6[%dma_wait3A, %dma_wait3A_1037] : memref<8x128xi32, #tpu.memory_space<vmem>> -> memref<1x128xi32, #tpu.memory_space<vmem>>
      %dma_wait3A_1039 = tpu.memref_squeeze %dma_wait3A_1038 : memref<1x128xi32, #tpu.memory_space<vmem>> -> memref<128xi32, #tpu.memory_space<vmem>>
      %dma_wait3A_1040 = arith.constant 0 : i32
      %dma_wait3A_1041 = arith.constant 0 : i32
      %dma_wait3A_1042 = tpu.memref_slice %arg4[%dma_wait3A_1040, %dma_wait3A_1041] : memref<1302528x128xf32, #tpu.memory_space<hbm>> -> memref<1302528x128xf32, #tpu.memory_space<hbm>>
      tpu.wait_indirect_dma semaphore(%arg10 : memref<!tpu.dma_semaphore, #tpu.memory_space<semaphore_mem>>) src(%dma_wait3A_1042 : memref<1302528x128xf32, #tpu.memory_space<hbm>>) dst(%dma_wait3A_1036 : memref<128x128xf32, #tpu.memory_space<vmem>>)
      %dma_wait3A_1043 = arith.constant 1 : i32
      %dma_wait3A_1044 = arith.constant 128 : i32
      %dma_wait3A_1045 = arith.constant 0 : i32
      %dma_wait3A_1046 = tpu.memref_slice %arg8[%dma_wait3A_1044, %dma_wait3A_1045] : memref<832x128xf32, #tpu.memory_space<vmem>> -> memref<128x128xf32, #tpu.memory_space<vmem>>
      %dma_wait3A_1047 = arith.constant 0 : i32
      %dma_wait3A_1048 = tpu.memref_slice %arg6[%dma_wait3A_1043, %dma_wait3A_1047] : memref<8x128xi32, #tpu.memory_space<vmem>> -> memref<1x128xi32, #tpu.memory_space<vmem>>
      %dma_wait3A_1049 = tpu.memref_squeeze %dma_wait3A_1048 : memref<1x128xi32, #tpu.memory_space<vmem>> -> memref<128xi32, #tpu.memory_space<vmem>>
      %dma_wait3A_1050 = arith.constant 0 : i32
      %dma_wait3A_1051 = arith.constant 0 : i32
      %dma_wait3A_1052 = tpu.memref_slice %arg4[%dma_wait3A_1050, %dma_wait3A_1051] : memref<1302528x128xf32, #tpu.memory_space<hbm>> -> memref<1302528x128xf32, #tpu.memory_space<hbm>>
      tpu.wait_indirect_dma semaphore(%arg10 : memref<!tpu.dma_semaphore, #tpu.memory_space<semaphore_mem>>) src(%dma_wait3A_1052 : memref<1302528x128xf32, #tpu.memory_space<hbm>>) dst(%dma_wait3A_1046 : memref<128x128xf32, #tpu.memory_space<vmem>>)
      %dma_wait3A_1053 = arith.constant 2 : i32
      %dma_wait3A_1054 = arith.constant 256 : i32
      %dma_wait3A_1055 = arith.constant 0 : i32
      %dma_wait3A_1056 = tpu.memref_slice %arg8[%dma_wait3A_1054, %dma_wait3A_1055] : memref<832x128xf32, #tpu.memory_space<vmem>> -> memref<128x128xf32, #tpu.memory_space<vmem>>
      %dma_wait3A_1057 = arith.constant 0 : i32
      %dma_wait3A_1058 = tpu.memref_slice %arg6[%dma_wait3A_1053, %dma_wait3A_1057] : memref<8x128xi32, #tpu.memory_space<vmem>> -> memref<1x128xi32, #tpu.memory_space<vmem>>
      %dma_wait3A_1059 = tpu.memref_squeeze %dma_wait3A_1058 : memref<1x128xi32, #tpu.memory_space<vmem>> -> memref<128xi32, #tpu.memory_space<vmem>>
      %dma_wait3A_1060 = arith.constant 0 : i32
      %dma_wait3A_1061 = arith.constant 0 : i32
      %dma_wait3A_1062 = tpu.memref_slice %arg4[%dma_wait3A_1060, %dma_wait3A_1061] : memref<1302528x128xf32, #tpu.memory_space<hbm>> -> memref<1302528x128xf32, #tpu.memory_space<hbm>>
      tpu.wait_indirect_dma semaphore(%arg10 : memref<!tpu.dma_semaphore, #tpu.memory_space<semaphore_mem>>) src(%dma_wait3A_1062 : memref<1302528x128xf32, #tpu.memory_space<hbm>>) dst(%dma_wait3A_1056 : memref<128x128xf32, #tpu.memory_space<vmem>>)
      %dma_wait3A_1063 = arith.constant 3 : i32
      %dma_wait3A_1064 = arith.constant 384 : i32
      %dma_wait3A_1065 = arith.constant 0 : i32
      %dma_wait3A_1066 = tpu.memref_slice %arg8[%dma_wait3A_1064, %dma_wait3A_1065] : memref<832x128xf32, #tpu.memory_space<vmem>> -> memref<128x128xf32, #tpu.memory_space<vmem>>
      %dma_wait3A_1067 = arith.constant 0 : i32
      %dma_wait3A_1068 = tpu.memref_slice %arg6[%dma_wait3A_1063, %dma_wait3A_1067] : memref<8x128xi32, #tpu.memory_space<vmem>> -> memref<1x128xi32, #tpu.memory_space<vmem>>
      %dma_wait3A_1069 = tpu.memref_squeeze %dma_wait3A_1068 : memref<1x128xi32, #tpu.memory_space<vmem>> -> memref<128xi32, #tpu.memory_space<vmem>>
      %dma_wait3A_1070 = arith.constant 0 : i32
      %dma_wait3A_1071 = arith.constant 0 : i32
      %dma_wait3A_1072 = tpu.memref_slice %arg4[%dma_wait3A_1070, %dma_wait3A_1071] : memref<1302528x128xf32, #tpu.memory_space<hbm>> -> memref<1302528x128xf32, #tpu.memory_space<hbm>>
      tpu.wait_indirect_dma semaphore(%arg10 : memref<!tpu.dma_semaphore, #tpu.memory_space<semaphore_mem>>) src(%dma_wait3A_1072 : memref<1302528x128xf32, #tpu.memory_space<hbm>>) dst(%dma_wait3A_1066 : memref<128x128xf32, #tpu.memory_space<vmem>>)
      %dma_wait3A_1073 = arith.constant 4 : i32
      %dma_wait3A_1074 = arith.constant 512 : i32
      %dma_wait3A_1075 = arith.constant 0 : i32
      %dma_wait3A_1076 = tpu.memref_slice %arg8[%dma_wait3A_1074, %dma_wait3A_1075] : memref<832x128xf32, #tpu.memory_space<vmem>> -> memref<128x128xf32, #tpu.memory_space<vmem>>
      %dma_wait3A_1077 = arith.constant 0 : i32
      %dma_wait3A_1078 = tpu.memref_slice %arg6[%dma_wait3A_1073, %dma_wait3A_1077] : memref<8x128xi32, #tpu.memory_space<vmem>> -> memref<1x128xi32, #tpu.memory_space<vmem>>
      %dma_wait3A_1079 = tpu.memref_squeeze %dma_wait3A_1078 : memref<1x128xi32, #tpu.memory_space<vmem>> -> memref<128xi32, #tpu.memory_space<vmem>>
      %dma_wait3A_1080 = arith.constant 0 : i32
      %dma_wait3A_1081 = arith.constant 0 : i32
      %dma_wait3A_1082 = tpu.memref_slice %arg4[%dma_wait3A_1080, %dma_wait3A_1081] : memref<1302528x128xf32, #tpu.memory_space<hbm>> -> memref<1302528x128xf32, #tpu.memory_space<hbm>>
      tpu.wait_indirect_dma semaphore(%arg10 : memref<!tpu.dma_semaphore, #tpu.memory_space<semaphore_mem>>) src(%dma_wait3A_1082 : memref<1302528x128xf32, #tpu.memory_space<hbm>>) dst(%dma_wait3A_1076 : memref<128x128xf32, #tpu.memory_space<vmem>>)
      %dma_wait3A_1083 = arith.constant 5 : i32
      %dma_wait3A_1084 = arith.constant 640 : i32
      %dma_wait3A_1085 = arith.constant 0 : i32
      %dma_wait3A_1086 = tpu.memref_slice %arg8[%dma_wait3A_1084, %dma_wait3A_1085] : memref<832x128xf32, #tpu.memory_space<vmem>> -> memref<128x128xf32, #tpu.memory_space<vmem>>
      %dma_wait3A_1087 = arith.constant 0 : i32
      %dma_wait3A_1088 = tpu.memref_slice %arg6[%dma_wait3A_1083, %dma_wait3A_1087] : memref<8x128xi32, #tpu.memory_space<vmem>> -> memref<1x128xi32, #tpu.memory_space<vmem>>
      %dma_wait3A_1089 = tpu.memref_squeeze %dma_wait3A_1088 : memref<1x128xi32, #tpu.memory_space<vmem>> -> memref<128xi32, #tpu.memory_space<vmem>>
      %dma_wait3A_1090 = arith.constant 0 : i32
      %dma_wait3A_1091 = arith.constant 0 : i32
      %dma_wait3A_1092 = tpu.memref_slice %arg4[%dma_wait3A_1090, %dma_wait3A_1091] : memref<1302528x128xf32, #tpu.memory_space<hbm>> -> memref<1302528x128xf32, #tpu.memory_space<hbm>>
      tpu.wait_indirect_dma semaphore(%arg10 : memref<!tpu.dma_semaphore, #tpu.memory_space<semaphore_mem>>) src(%dma_wait3A_1092 : memref<1302528x128xf32, #tpu.memory_space<hbm>>) dst(%dma_wait3A_1086 : memref<128x128xf32, #tpu.memory_space<vmem>>)
      %dma_wait3A_1093 = arith.constant 6 : i32
      %dma_wait3A_1094 = arith.constant 768 : i32
      %dma_wait3A_1095 = arith.constant 0 : i32
      %dma_wait3A_1096 = tpu.memref_slice %arg8[%dma_wait3A_1094, %dma_wait3A_1095] : memref<832x128xf32, #tpu.memory_space<vmem>> -> memref<64x128xf32, #tpu.memory_space<vmem>>
      %dma_wait3A_1097 = arith.constant 0 : i32
      %dma_wait3A_1098 = tpu.memref_slice %arg6[%dma_wait3A_1093, %dma_wait3A_1097] : memref<8x128xi32, #tpu.memory_space<vmem>> -> memref<1x64xi32, #tpu.memory_space<vmem>>
      %dma_wait3A_1099 = tpu.memref_squeeze %dma_wait3A_1098 : memref<1x64xi32, #tpu.memory_space<vmem>> -> memref<64xi32, #tpu.memory_space<vmem>>
      %dma_wait3A_1100 = arith.constant 0 : i32
      %dma_wait3A_1101 = arith.constant 0 : i32
      %dma_wait3A_1102 = tpu.memref_slice %arg4[%dma_wait3A_1100, %dma_wait3A_1101] : memref<1302528x128xf32, #tpu.memory_space<hbm>> -> memref<1302528x128xf32, #tpu.memory_space<hbm>>
      tpu.wait_indirect_dma semaphore(%arg10 : memref<!tpu.dma_semaphore, #tpu.memory_space<semaphore_mem>>) src(%dma_wait3A_1102 : memref<1302528x128xf32, #tpu.memory_space<hbm>>) dst(%dma_wait3A_1096 : memref<64x128xf32, #tpu.memory_space<vmem>>)
      %scan3A_1103 = arith.constant 0 : i32
      %scan3A_1104 = arith.constant 0 : i32
      %scan3A_1105 = arith.constant 32 : i32
      %scan3A_1106 = arith.addi %scan3A_1104, %scan3A_1105 : i32
      %scan3A_1107 = arith.constant 2 : i32
      scf.for %scan3A_1109 = %scan3A_1104 to %scan3A_1106 step %scan3A_1107  : i32 {
        %mul3A_1110 = arith.constant 26 : i32
        %mul3A_1111 = arith.muli %scan3A_1109, %mul3A_1110 : i32
        %add3A_1112 = arith.constant 0 : i32
        %add3A_1113 = arith.addi %mul3A_1111, %add3A_1112 : i32
        %get3A_1114 = arith.index_cast %add3A_1113 : i32 to index
        %get3A_1115 = arith.constant 0 : index
        %get3A_1116 = tpu.vector_load %arg8[%get3A_1114, %get3A_1115] {strides = array<i32>} : memref<832x128xf32, #tpu.memory_space<vmem>>, vector<1x16xf32>,
        %get3A_1117 = vector.shape_cast %get3A_1116 : vector<1x16xf32> to vector<16xf32>
        %add3A_1118 = arith.constant 1 : i32
        %add3A_1119 = arith.addi %mul3A_1111, %add3A_1118 : i32
        %get3A_1120 = arith.index_cast %add3A_1119 : i32 to index
        %get3A_1121 = arith.constant 0 : index
        %get3A_1122 = tpu.vector_load %arg8[%get3A_1120, %get3A_1121] {strides = array<i32>} : memref<832x128xf32, #tpu.memory_space<vmem>>, vector<1x16xf32>,
        %get3A_1123 = vector.shape_cast %get3A_1122 : vector<1x16xf32> to vector<16xf32>
        %add3A_1124 = arith.addf %get3A_1117, %get3A_1123 : vector<16xf32>
        %add3A_1125 = arith.constant 2 : i32
        %add3A_1126 = arith.addi %mul3A_1111, %add3A_1125 : i32
        %get3A_1127 = arith.index_cast %add3A_1126 : i32 to index
        %get3A_1128 = arith.constant 0 : index
        %get3A_1129 = tpu.vector_load %arg8[%get3A_1127, %get3A_1128] {strides = array<i32>} : memref<832x128xf32, #tpu.memory_space<vmem>>, vector<1x16xf32>,
        %get3A_1130 = vector.shape_cast %get3A_1129 : vector<1x16xf32> to vector<16xf32>
        %add3A_1131 = arith.addf %add3A_1124, %get3A_1130 : vector<16xf32>
        %add3A_1132 = arith.constant 3 : i32
        %add3A_1133 = arith.addi %mul3A_1111, %add3A_1132 : i32
        %get3A_1134 = arith.index_cast %add3A_1133 : i32 to index
        %get3A_1135 = arith.constant 0 : index
        %get3A_1136 = tpu.vector_load %arg8[%get3A_1134, %get3A_1135] {strides = array<i32>} : memref<832x128xf32, #tpu.memory_space<vmem>>, vector<1x16xf32>,
        %get3A_1137 = vector.shape_cast %get3A_1136 : vector<1x16xf32> to vector<16xf32>
        %add3A_1138 = arith.addf %add3A_1131, %get3A_1137 : vector<16xf32>
        %add3A_1139 = arith.constant 4 : i32
        %add3A_1140 = arith.addi %mul3A_1111, %add3A_1139 : i32
        %get3A_1141 = arith.index_cast %add3A_1140 : i32 to index
        %get3A_1142 = arith.constant 0 : index
        %get3A_1143 = tpu.vector_load %arg8[%get3A_1141, %get3A_1142] {strides = array<i32>} : memref<832x128xf32, #tpu.memory_space<vmem>>, vector<1x16xf32>,
        %get3A_1144 = vector.shape_cast %get3A_1143 : vector<1x16xf32> to vector<16xf32>
        %add3A_1145 = arith.addf %add3A_1138, %get3A_1144 : vector<16xf32>
        %add3A_1146 = arith.constant 5 : i32
        %add3A_1147 = arith.addi %mul3A_1111, %add3A_1146 : i32
        %get3A_1148 = arith.index_cast %add3A_1147 : i32 to index
        %get3A_1149 = arith.constant 0 : index
        %get3A_1150 = tpu.vector_load %arg8[%get3A_1148, %get3A_1149] {strides = array<i32>} : memref<832x128xf32, #tpu.memory_space<vmem>>, vector<1x16xf32>,
        %get3A_1151 = vector.shape_cast %get3A_1150 : vector<1x16xf32> to vector<16xf32>
        %add3A_1152 = arith.addf %add3A_1145, %get3A_1151 : vector<16xf32>
        %add3A_1153 = arith.constant 6 : i32
        %add3A_1154 = arith.addi %mul3A_1111, %add3A_1153 : i32
        %get3A_1155 = arith.index_cast %add3A_1154 : i32 to index
        %get3A_1156 = arith.constant 0 : index
        %get3A_1157 = tpu.vector_load %arg8[%get3A_1155, %get3A_1156] {strides = array<i32>} : memref<832x128xf32, #tpu.memory_space<vmem>>, vector<1x16xf32>,
        %get3A_1158 = vector.shape_cast %get3A_1157 : vector<1x16xf32> to vector<16xf32>
        %add3A_1159 = arith.addf %add3A_1152, %get3A_1158 : vector<16xf32>
        %add3A_1160 = arith.constant 7 : i32
        %add3A_1161 = arith.addi %mul3A_1111, %add3A_1160 : i32
        %get3A_1162 = arith.index_cast %add3A_1161 : i32 to index
        %get3A_1163 = arith.constant 0 : index
        %get3A_1164 = tpu.vector_load %arg8[%get3A_1162, %get3A_1163] {strides = array<i32>} : memref<832x128xf32, #tpu.memory_space<vmem>>, vector<1x16xf32>,
        %get3A_1165 = vector.shape_cast %get3A_1164 : vector<1x16xf32> to vector<16xf32>
        %add3A_1166 = arith.addf %add3A_1159, %get3A_1165 : vector<16xf32>
        %add3A_1167 = arith.constant 8 : i32
        %add3A_1168 = arith.addi %mul3A_1111, %add3A_1167 : i32
        %get3A_1169 = arith.index_cast %add3A_1168 : i32 to index
        %get3A_1170 = arith.constant 0 : index
        %get3A_1171 = tpu.vector_load %arg8[%get3A_1169, %get3A_1170] {strides = array<i32>} : memref<832x128xf32, #tpu.memory_space<vmem>>, vector<1x16xf32>,
        %get3A_1172 = vector.shape_cast %get3A_1171 : vector<1x16xf32> to vector<16xf32>
        %add3A_1173 = arith.addf %add3A_1166, %get3A_1172 : vector<16xf32>
        %add3A_1174 = arith.constant 9 : i32
        %add3A_1175 = arith.addi %mul3A_1111, %add3A_1174 : i32
        %get3A_1176 = arith.index_cast %add3A_1175 : i32 to index
        %get3A_1177 = arith.constant 0 : index
        %get3A_1178 = tpu.vector_load %arg8[%get3A_1176, %get3A_1177] {strides = array<i32>} : memref<832x128xf32, #tpu.memory_space<vmem>>, vector<1x16xf32>,
        %get3A_1179 = vector.shape_cast %get3A_1178 : vector<1x16xf32> to vector<16xf32>
        %add3A_1180 = arith.addf %add3A_1173, %get3A_1179 : vector<16xf32>
        %add3A_1181 = arith.constant 10 : i32
        %add3A_1182 = arith.addi %mul3A_1111, %add3A_1181 : i32
        %get3A_1183 = arith.index_cast %add3A_1182 : i32 to index
        %get3A_1184 = arith.constant 0 : index
        %get3A_1185 = tpu.vector_load %arg8[%get3A_1183, %get3A_1184] {strides = array<i32>} : memref<832x128xf32, #tpu.memory_space<vmem>>, vector<1x16xf32>,
        %get3A_1186 = vector.shape_cast %get3A_1185 : vector<1x16xf32> to vector<16xf32>
        %add3A_1187 = arith.addf %add3A_1180, %get3A_1186 : vector<16xf32>
        %add3A_1188 = arith.constant 11 : i32
        %add3A_1189 = arith.addi %mul3A_1111, %add3A_1188 : i32
        %get3A_1190 = arith.index_cast %add3A_1189 : i32 to index
        %get3A_1191 = arith.constant 0 : index
        %get3A_1192 = tpu.vector_load %arg8[%get3A_1190, %get3A_1191] {strides = array<i32>} : memref<832x128xf32, #tpu.memory_space<vmem>>, vector<1x16xf32>,
        %get3A_1193 = vector.shape_cast %get3A_1192 : vector<1x16xf32> to vector<16xf32>
        %add3A_1194 = arith.addf %add3A_1187, %get3A_1193 : vector<16xf32>
        %add3A_1195 = arith.constant 12 : i32
        %add3A_1196 = arith.addi %mul3A_1111, %add3A_1195 : i32
        %get3A_1197 = arith.index_cast %add3A_1196 : i32 to index
        %get3A_1198 = arith.constant 0 : index
        %get3A_1199 = tpu.vector_load %arg8[%get3A_1197, %get3A_1198] {strides = array<i32>} : memref<832x128xf32, #tpu.memory_space<vmem>>, vector<1x16xf32>,
        %get3A_1200 = vector.shape_cast %get3A_1199 : vector<1x16xf32> to vector<16xf32>
        %add3A_1201 = arith.addf %add3A_1194, %get3A_1200 : vector<16xf32>
        %add3A_1202 = arith.constant 13 : i32
        %add3A_1203 = arith.addi %mul3A_1111, %add3A_1202 : i32
        %get3A_1204 = arith.index_cast %add3A_1203 : i32 to index
        %get3A_1205 = arith.constant 64 : index
        %get3A_1206 = tpu.vector_load %arg8[%get3A_1204, %get3A_1205] {strides = array<i32>} : memref<832x128xf32, #tpu.memory_space<vmem>>, vector<1x16xf32>,
        %get3A_1207 = vector.shape_cast %get3A_1206 : vector<1x16xf32> to vector<16xf32>
        %add3A_1208 = arith.addf %add3A_1201, %get3A_1207 : vector<16xf32>
        %add3A_1209 = arith.constant 14 : i32
        %add3A_1210 = arith.addi %mul3A_1111, %add3A_1209 : i32
        %get3A_1211 = arith.index_cast %add3A_1210 : i32 to index
        %get3A_1212 = arith.constant 64 : index
        %get3A_1213 = tpu.vector_load %arg8[%get3A_1211, %get3A_1212] {strides = array<i32>} : memref<832x128xf32, #tpu.memory_space<vmem>>, vector<1x16xf32>,
        %get3A_1214 = vector.shape_cast %get3A_1213 : vector<1x16xf32> to vector<16xf32>
        %add3A_1215 = arith.addf %add3A_1208, %get3A_1214 : vector<16xf32>
        %add3A_1216 = arith.constant 15 : i32
        %add3A_1217 = arith.addi %mul3A_1111, %add3A_1216 : i32
        %get3A_1218 = arith.index_cast %add3A_1217 : i32 to index
        %get3A_1219 = arith.constant 64 : index
        %get3A_1220 = tpu.vector_load %arg8[%get3A_1218, %get3A_1219] {strides = array<i32>} : memref<832x128xf32, #tpu.memory_space<vmem>>, vector<1x16xf32>,
        %get3A_1221 = vector.shape_cast %get3A_1220 : vector<1x16xf32> to vector<16xf32>
        %add3A_1222 = arith.addf %add3A_1215, %get3A_1221 : vector<16xf32>
        %add3A_1223 = arith.constant 16 : i32
        %add3A_1224 = arith.addi %mul3A_1111, %add3A_1223 : i32
        %get3A_1225 = arith.index_cast %add3A_1224 : i32 to index
        %get3A_1226 = arith.constant 64 : index
        %get3A_1227 = tpu.vector_load %arg8[%get3A_1225, %get3A_1226] {strides = array<i32>} : memref<832x128xf32, #tpu.memory_space<vmem>>, vector<1x16xf32>,
        %get3A_1228 = vector.shape_cast %get3A_1227 : vector<1x16xf32> to vector<16xf32>
        %add3A_1229 = arith.addf %add3A_1222, %get3A_1228 : vector<16xf32>
        %add3A_1230 = arith.constant 17 : i32
        %add3A_1231 = arith.addi %mul3A_1111, %add3A_1230 : i32
        %get3A_1232 = arith.index_cast %add3A_1231 : i32 to index
        %get3A_1233 = arith.constant 64 : index
        %get3A_1234 = tpu.vector_load %arg8[%get3A_1232, %get3A_1233] {strides = array<i32>} : memref<832x128xf32, #tpu.memory_space<vmem>>, vector<1x16xf32>,
        %get3A_1235 = vector.shape_cast %get3A_1234 : vector<1x16xf32> to vector<16xf32>
        %add3A_1236 = arith.addf %add3A_1229, %get3A_1235 : vector<16xf32>
        %add3A_1237 = arith.constant 18 : i32
        %add3A_1238 = arith.addi %mul3A_1111, %add3A_1237 : i32
        %get3A_1239 = arith.index_cast %add3A_1238 : i32 to index
        %get3A_1240 = arith.constant 64 : index
        %get3A_1241 = tpu.vector_load %arg8[%get3A_1239, %get3A_1240] {strides = array<i32>} : memref<832x128xf32, #tpu.memory_space<vmem>>, vector<1x16xf32>,
        %get3A_1242 = vector.shape_cast %get3A_1241 : vector<1x16xf32> to vector<16xf32>
        %add3A_1243 = arith.addf %add3A_1236, %get3A_1242 : vector<16xf32>
        %add3A_1244 = arith.constant 19 : i32
        %add3A_1245 = arith.addi %mul3A_1111, %add3A_1244 : i32
        %get3A_1246 = arith.index_cast %add3A_1245 : i32 to index
        %get3A_1247 = arith.constant 64 : index
        %get3A_1248 = tpu.vector_load %arg8[%get3A_1246, %get3A_1247] {strides = array<i32>} : memref<832x128xf32, #tpu.memory_space<vmem>>, vector<1x16xf32>,
        %get3A_1249 = vector.shape_cast %get3A_1248 : vector<1x16xf32> to vector<16xf32>
        %add3A_1250 = arith.addf %add3A_1243, %get3A_1249 : vector<16xf32>
        %add3A_1251 = arith.constant 20 : i32
        %add3A_1252 = arith.addi %mul3A_1111, %add3A_1251 : i32
        %get3A_1253 = arith.index_cast %add3A_1252 : i32 to index
        %get3A_1254 = arith.constant 64 : index
        %get3A_1255 = tpu.vector_load %arg8[%get3A_1253, %get3A_1254] {strides = array<i32>} : memref<832x128xf32, #tpu.memory_space<vmem>>, vector<1x16xf32>,
        %get3A_1256 = vector.shape_cast %get3A_1255 : vector<1x16xf32> to vector<16xf32>
        %add3A_1257 = arith.addf %add3A_1250, %get3A_1256 : vector<16xf32>
        %add3A_1258 = arith.constant 21 : i32
        %add3A_1259 = arith.addi %mul3A_1111, %add3A_1258 : i32
        %get3A_1260 = arith.index_cast %add3A_1259 : i32 to index
        %get3A_1261 = arith.constant 64 : index
        %get3A_1262 = tpu.vector_load %arg8[%get3A_1260, %get3A_1261] {strides = array<i32>} : memref<832x128xf32, #tpu.memory_space<vmem>>, vector<1x16xf32>,
        %get3A_1263 = vector.shape_cast %get3A_1262 : vector<1x16xf32> to vector<16xf32>
        %add3A_1264 = arith.addf %add3A_1257, %get3A_1263 : vector<16xf32>
        %add3A_1265 = arith.constant 22 : i32
        %add3A_1266 = arith.addi %mul3A_1111, %add3A_1265 : i32
        %get3A_1267 = arith.index_cast %add3A_1266 : i32 to index
        %get3A_1268 = arith.constant 64 : index
        %get3A_1269 = tpu.vector_load %arg8[%get3A_1267, %get3A_1268] {strides = array<i32>} : memref<832x128xf32, #tpu.memory_space<vmem>>, vector<1x16xf32>,
        %get3A_1270 = vector.shape_cast %get3A_1269 : vector<1x16xf32> to vector<16xf32>
        %add3A_1271 = arith.addf %add3A_1264, %get3A_1270 : vector<16xf32>
        %add3A_1272 = arith.constant 23 : i32
        %add3A_1273 = arith.addi %mul3A_1111, %add3A_1272 : i32
        %get3A_1274 = arith.index_cast %add3A_1273 : i32 to index
        %get3A_1275 = arith.constant 64 : index
        %get3A_1276 = tpu.vector_load %arg8[%get3A_1274, %get3A_1275] {strides = array<i32>} : memref<832x128xf32, #tpu.memory_space<vmem>>, vector<1x16xf32>,
        %get3A_1277 = vector.shape_cast %get3A_1276 : vector<1x16xf32> to vector<16xf32>
        %add3A_1278 = arith.addf %add3A_1271, %get3A_1277 : vector<16xf32>
        %add3A_1279 = arith.constant 24 : i32
        %add3A_1280 = arith.addi %mul3A_1111, %add3A_1279 : i32
        %get3A_1281 = arith.index_cast %add3A_1280 : i32 to index
        %get3A_1282 = arith.constant 64 : index
        %get3A_1283 = tpu.vector_load %arg8[%get3A_1281, %get3A_1282] {strides = array<i32>} : memref<832x128xf32, #tpu.memory_space<vmem>>, vector<1x16xf32>,
        %get3A_1284 = vector.shape_cast %get3A_1283 : vector<1x16xf32> to vector<16xf32>
        %add3A_1285 = arith.addf %add3A_1278, %get3A_1284 : vector<16xf32>
        %add3A_1286 = arith.constant 25 : i32
        %add3A_1287 = arith.addi %mul3A_1111, %add3A_1286 : i32
        %get3A_1288 = arith.index_cast %add3A_1287 : i32 to index
        %get3A_1289 = arith.constant 64 : index
        %get3A_1290 = tpu.vector_load %arg8[%get3A_1288, %get3A_1289] {strides = array<i32>} : memref<832x128xf32, #tpu.memory_space<vmem>>, vector<1x16xf32>,
        %get3A_1291 = vector.shape_cast %get3A_1290 : vector<1x16xf32> to vector<16xf32>
        %add3A_1292 = arith.addf %add3A_1285, %get3A_1291 : vector<16xf32>
        %swap3A_1293 = arith.index_cast %scan3A_1109 : i32 to index
        %swap3A_1294 = arith.constant 0 : index
        %swap3A_1295 = tpu.vector_load %arg9[%swap3A_1293, %swap3A_1294] {strides = array<i32>} : memref<32x64xf32, #tpu.memory_space<vmem>>, vector<1x16xf32>,
        %swap3A_1296 = vector.shape_cast %swap3A_1295 : vector<1x16xf32> to vector<16xf32>
        %swap3A_1297 = vector.shape_cast %add3A_1292 : vector<16xf32> to vector<1x16xf32>
        tpu.vector_store %arg9[%swap3A_1293, %swap3A_1294], %swap3A_1297 {strides = array<i32>} : memref<32x64xf32, #tpu.memory_space<vmem>>, vector<1x16xf32>,
        %add3A_1298 = arith.constant 0 : i32
        %add3A_1299 = arith.addi %mul3A_1111, %add3A_1298 : i32
        %get3A_1300 = arith.index_cast %add3A_1299 : i32 to index
        %get3A_1301 = arith.constant 16 : index
        %get3A_1302 = tpu.vector_load %arg8[%get3A_1300, %get3A_1301] {strides = array<i32>} : memref<832x128xf32, #tpu.memory_space<vmem>>, vector<1x16xf32>,
        %get3A_1303 = vector.shape_cast %get3A_1302 : vector<1x16xf32> to vector<16xf32>
        %add3A_1304 = arith.constant 1 : i32
        %add3A_1305 = arith.addi %mul3A_1111, %add3A_1304 : i32
        %get3A_1306 = arith.index_cast %add3A_1305 : i32 to index
        %get3A_1307 = arith.constant 16 : index
        %get3A_1308 = tpu.vector_load %arg8[%get3A_1306, %get3A_1307] {strides = array<i32>} : memref<832x128xf32, #tpu.memory_space<vmem>>, vector<1x16xf32>,
        %get3A_1309 = vector.shape_cast %get3A_1308 : vector<1x16xf32> to vector<16xf32>
        %add3A_1310 = arith.addf %get3A_1303, %get3A_1309 : vector<16xf32>
        %add3A_1311 = arith.constant 2 : i32
        %add3A_1312 = arith.addi %mul3A_1111, %add3A_1311 : i32
        %get3A_1313 = arith.index_cast %add3A_1312 : i32 to index
        %get3A_1314 = arith.constant 16 : index
        %get3A_1315 = tpu.vector_load %arg8[%get3A_1313, %get3A_1314] {strides = array<i32>} : memref<832x128xf32, #tpu.memory_space<vmem>>, vector<1x16xf32>,
        %get3A_1316 = vector.shape_cast %get3A_1315 : vector<1x16xf32> to vector<16xf32>
        %add3A_1317 = arith.addf %add3A_1310, %get3A_1316 : vector<16xf32>
        %add3A_1318 = arith.constant 3 : i32
        %add3A_1319 = arith.addi %mul3A_1111, %add3A_1318 : i32
        %get3A_1320 = arith.index_cast %add3A_1319 : i32 to index
        %get3A_1321 = arith.constant 16 : index
        %get3A_1322 = tpu.vector_load %arg8[%get3A_1320, %get3A_1321] {strides = array<i32>} : memref<832x128xf32, #tpu.memory_space<vmem>>, vector<1x16xf32>,
        %get3A_1323 = vector.shape_cast %get3A_1322 : vector<1x16xf32> to vector<16xf32>
        %add3A_1324 = arith.addf %add3A_1317, %get3A_1323 : vector<16xf32>
        %add3A_1325 = arith.constant 4 : i32
        %add3A_1326 = arith.addi %mul3A_1111, %add3A_1325 : i32
        %get3A_1327 = arith.index_cast %add3A_1326 : i32 to index
        %get3A_1328 = arith.constant 16 : index
        %get3A_1329 = tpu.vector_load %arg8[%get3A_1327, %get3A_1328] {strides = array<i32>} : memref<832x128xf32, #tpu.memory_space<vmem>>, vector<1x16xf32>,
        %get3A_1330 = vector.shape_cast %get3A_1329 : vector<1x16xf32> to vector<16xf32>
        %add3A_1331 = arith.addf %add3A_1324, %get3A_1330 : vector<16xf32>
        %add3A_1332 = arith.constant 5 : i32
        %add3A_1333 = arith.addi %mul3A_1111, %add3A_1332 : i32
        %get3A_1334 = arith.index_cast %add3A_1333 : i32 to index
        %get3A_1335 = arith.constant 16 : index
        %get3A_1336 = tpu.vector_load %arg8[%get3A_1334, %get3A_1335] {strides = array<i32>} : memref<832x128xf32, #tpu.memory_space<vmem>>, vector<1x16xf32>,
        %get3A_1337 = vector.shape_cast %get3A_1336 : vector<1x16xf32> to vector<16xf32>
        %add3A_1338 = arith.addf %add3A_1331, %get3A_1337 : vector<16xf32>
        %add3A_1339 = arith.constant 6 : i32
        %add3A_1340 = arith.addi %mul3A_1111, %add3A_1339 : i32
        %get3A_1341 = arith.index_cast %add3A_1340 : i32 to index
        %get3A_1342 = arith.constant 16 : index
        %get3A_1343 = tpu.vector_load %arg8[%get3A_1341, %get3A_1342] {strides = array<i32>} : memref<832x128xf32, #tpu.memory_space<vmem>>, vector<1x16xf32>,
        %get3A_1344 = vector.shape_cast %get3A_1343 : vector<1x16xf32> to vector<16xf32>
        %add3A_1345 = arith.addf %add3A_1338, %get3A_1344 : vector<16xf32>
        %add3A_1346 = arith.constant 7 : i32
        %add3A_1347 = arith.addi %mul3A_1111, %add3A_1346 : i32
        %get3A_1348 = arith.index_cast %add3A_1347 : i32 to index
        %get3A_1349 = arith.constant 16 : index
        %get3A_1350 = tpu.vector_load %arg8[%get3A_1348, %get3A_1349] {strides = array<i32>} : memref<832x128xf32, #tpu.memory_space<vmem>>, vector<1x16xf32>,
        %get3A_1351 = vector.shape_cast %get3A_1350 : vector<1x16xf32> to vector<16xf32>
        %add3A_1352 = arith.addf %add3A_1345, %get3A_1351 : vector<16xf32>
        %add3A_1353 = arith.constant 8 : i32
        %add3A_1354 = arith.addi %mul3A_1111, %add3A_1353 : i32
        %get3A_1355 = arith.index_cast %add3A_1354 : i32 to index
        %get3A_1356 = arith.constant 16 : index
        %get3A_1357 = tpu.vector_load %arg8[%get3A_1355, %get3A_1356] {strides = array<i32>} : memref<832x128xf32, #tpu.memory_space<vmem>>, vector<1x16xf32>,
        %get3A_1358 = vector.shape_cast %get3A_1357 : vector<1x16xf32> to vector<16xf32>
        %add3A_1359 = arith.addf %add3A_1352, %get3A_1358 : vector<16xf32>
        %add3A_1360 = arith.constant 9 : i32
        %add3A_1361 = arith.addi %mul3A_1111, %add3A_1360 : i32
        %get3A_1362 = arith.index_cast %add3A_1361 : i32 to index
        %get3A_1363 = arith.constant 16 : index
        %get3A_1364 = tpu.vector_load %arg8[%get3A_1362, %get3A_1363] {strides = array<i32>} : memref<832x128xf32, #tpu.memory_space<vmem>>, vector<1x16xf32>,
        %get3A_1365 = vector.shape_cast %get3A_1364 : vector<1x16xf32> to vector<16xf32>
        %add3A_1366 = arith.addf %add3A_1359, %get3A_1365 : vector<16xf32>
        %add3A_1367 = arith.constant 10 : i32
        %add3A_1368 = arith.addi %mul3A_1111, %add3A_1367 : i32
        %get3A_1369 = arith.index_cast %add3A_1368 : i32 to index
        %get3A_1370 = arith.constant 16 : index
        %get3A_1371 = tpu.vector_load %arg8[%get3A_1369, %get3A_1370] {strides = array<i32>} : memref<832x128xf32, #tpu.memory_space<vmem>>, vector<1x16xf32>,
        %get3A_1372 = vector.shape_cast %get3A_1371 : vector<1x16xf32> to vector<16xf32>
        %add3A_1373 = arith.addf %add3A_1366, %get3A_1372 : vector<16xf32>
        %add3A_1374 = arith.constant 11 : i32
        %add3A_1375 = arith.addi %mul3A_1111, %add3A_1374 : i32
        %get3A_1376 = arith.index_cast %add3A_1375 : i32 to index
        %get3A_1377 = arith.constant 16 : index
        %get3A_1378 = tpu.vector_load %arg8[%get3A_1376, %get3A_1377] {strides = array<i32>} : memref<832x128xf32, #tpu.memory_space<vmem>>, vector<1x16xf32>,
        %get3A_1379 = vector.shape_cast %get3A_1378 : vector<1x16xf32> to vector<16xf32>
        %add3A_1380 = arith.addf %add3A_1373, %get3A_1379 : vector<16xf32>
        %add3A_1381 = arith.constant 12 : i32
        %add3A_1382 = arith.addi %mul3A_1111, %add3A_1381 : i32
        %get3A_1383 = arith.index_cast %add3A_1382 : i32 to index
        %get3A_1384 = arith.constant 16 : index
        %get3A_1385 = tpu.vector_load %arg8[%get3A_1383, %get3A_1384] {strides = array<i32>} : memref<832x128xf32, #tpu.memory_space<vmem>>, vector<1x16xf32>,
        %get3A_1386 = vector.shape_cast %get3A_1385 : vector<1x16xf32> to vector<16xf32>
        %add3A_1387 = arith.addf %add3A_1380, %get3A_1386 : vector<16xf32>
        %add3A_1388 = arith.constant 13 : i32
        %add3A_1389 = arith.addi %mul3A_1111, %add3A_1388 : i32
        %get3A_1390 = arith.index_cast %add3A_1389 : i32 to index
        %get3A_1391 = arith.constant 80 : index
        %get3A_1392 = tpu.vector_load %arg8[%get3A_1390, %get3A_1391] {strides = array<i32>} : memref<832x128xf32, #tpu.memory_space<vmem>>, vector<1x16xf32>,
        %get3A_1393 = vector.shape_cast %get3A_1392 : vector<1x16xf32> to vector<16xf32>
        %add3A_1394 = arith.addf %add3A_1387, %get3A_1393 : vector<16xf32>
        %add3A_1395 = arith.constant 14 : i32
        %add3A_1396 = arith.addi %mul3A_1111, %add3A_1395 : i32
        %get3A_1397 = arith.index_cast %add3A_1396 : i32 to index
        %get3A_1398 = arith.constant 80 : index
        %get3A_1399 = tpu.vector_load %arg8[%get3A_1397, %get3A_1398] {strides = array<i32>} : memref<832x128xf32, #tpu.memory_space<vmem>>, vector<1x16xf32>,
        %get3A_1400 = vector.shape_cast %get3A_1399 : vector<1x16xf32> to vector<16xf32>
        %add3A_1401 = arith.addf %add3A_1394, %get3A_1400 : vector<16xf32>
        %add3A_1402 = arith.constant 15 : i32
        %add3A_1403 = arith.addi %mul3A_1111, %add3A_1402 : i32
        %get3A_1404 = arith.index_cast %add3A_1403 : i32 to index
        %get3A_1405 = arith.constant 80 : index
        %get3A_1406 = tpu.vector_load %arg8[%get3A_1404, %get3A_1405] {strides = array<i32>} : memref<832x128xf32, #tpu.memory_space<vmem>>, vector<1x16xf32>,
        %get3A_1407 = vector.shape_cast %get3A_1406 : vector<1x16xf32> to vector<16xf32>
        %add3A_1408 = arith.addf %add3A_1401, %get3A_1407 : vector<16xf32>
        %add3A_1409 = arith.constant 16 : i32
        %add3A_1410 = arith.addi %mul3A_1111, %add3A_1409 : i32
        %get3A_1411 = arith.index_cast %add3A_1410 : i32 to index
        %get3A_1412 = arith.constant 80 : index
        %get3A_1413 = tpu.vector_load %arg8[%get3A_1411, %get3A_1412] {strides = array<i32>} : memref<832x128xf32, #tpu.memory_space<vmem>>, vector<1x16xf32>,
        %get3A_1414 = vector.shape_cast %get3A_1413 : vector<1x16xf32> to vector<16xf32>
        %add3A_1415 = arith.addf %add3A_1408, %get3A_1414 : vector<16xf32>
        %add3A_1416 = arith.constant 17 : i32
        %add3A_1417 = arith.addi %mul3A_1111, %add3A_1416 : i32
        %get3A_1418 = arith.index_cast %add3A_1417 : i32 to index
        %get3A_1419 = arith.constant 80 : index
        %get3A_1420 = tpu.vector_load %arg8[%get3A_1418, %get3A_1419] {strides = array<i32>} : memref<832x128xf32, #tpu.memory_space<vmem>>, vector<1x16xf32>,
        %get3A_1421 = vector.shape_cast %get3A_1420 : vector<1x16xf32> to vector<16xf32>
        %add3A_1422 = arith.addf %add3A_1415, %get3A_1421 : vector<16xf32>
        %add3A_1423 = arith.constant 18 : i32
        %add3A_1424 = arith.addi %mul3A_1111, %add3A_1423 : i32
        %get3A_1425 = arith.index_cast %add3A_1424 : i32 to index
        %get3A_1426 = arith.constant 80 : index
        %get3A_1427 = tpu.vector_load %arg8[%get3A_1425, %get3A_1426] {strides = array<i32>} : memref<832x128xf32, #tpu.memory_space<vmem>>, vector<1x16xf32>,
        %get3A_1428 = vector.shape_cast %get3A_1427 : vector<1x16xf32> to vector<16xf32>
        %add3A_1429 = arith.addf %add3A_1422, %get3A_1428 : vector<16xf32>
        %add3A_1430 = arith.constant 19 : i32
        %add3A_1431 = arith.addi %mul3A_1111, %add3A_1430 : i32
        %get3A_1432 = arith.index_cast %add3A_1431 : i32 to index
        %get3A_1433 = arith.constant 80 : index
        %get3A_1434 = tpu.vector_load %arg8[%get3A_1432, %get3A_1433] {strides = array<i32>} : memref<832x128xf32, #tpu.memory_space<vmem>>, vector<1x16xf32>,
        %get3A_1435 = vector.shape_cast %get3A_1434 : vector<1x16xf32> to vector<16xf32>
        %add3A_1436 = arith.addf %add3A_1429, %get3A_1435 : vector<16xf32>
        %add3A_1437 = arith.constant 20 : i32
        %add3A_1438 = arith.addi %mul3A_1111, %add3A_1437 : i32
        %get3A_1439 = arith.index_cast %add3A_1438 : i32 to index
        %get3A_1440 = arith.constant 80 : index
        %get3A_1441 = tpu.vector_load %arg8[%get3A_1439, %get3A_1440] {strides = array<i32>} : memref<832x128xf32, #tpu.memory_space<vmem>>, vector<1x16xf32>,
        %get3A_1442 = vector.shape_cast %get3A_1441 : vector<1x16xf32> to vector<16xf32>
        %add3A_1443 = arith.addf %add3A_1436, %get3A_1442 : vector<16xf32>
        %add3A_1444 = arith.constant 21 : i32
        %add3A_1445 = arith.addi %mul3A_1111, %add3A_1444 : i32
        %get3A_1446 = arith.index_cast %add3A_1445 : i32 to index
        %get3A_1447 = arith.constant 80 : index
        %get3A_1448 = tpu.vector_load %arg8[%get3A_1446, %get3A_1447] {strides = array<i32>} : memref<832x128xf32, #tpu.memory_space<vmem>>, vector<1x16xf32>,
        %get3A_1449 = vector.shape_cast %get3A_1448 : vector<1x16xf32> to vector<16xf32>
        %add3A_1450 = arith.addf %add3A_1443, %get3A_1449 : vector<16xf32>
        %add3A_1451 = arith.constant 22 : i32
        %add3A_1452 = arith.addi %mul3A_1111, %add3A_1451 : i32
        %get3A_1453 = arith.index_cast %add3A_1452 : i32 to index
        %get3A_1454 = arith.constant 80 : index
        %get3A_1455 = tpu.vector_load %arg8[%get3A_1453, %get3A_1454] {strides = array<i32>} : memref<832x128xf32, #tpu.memory_space<vmem>>, vector<1x16xf32>,
        %get3A_1456 = vector.shape_cast %get3A_1455 : vector<1x16xf32> to vector<16xf32>
        %add3A_1457 = arith.addf %add3A_1450, %get3A_1456 : vector<16xf32>
        %add3A_1458 = arith.constant 23 : i32
        %add3A_1459 = arith.addi %mul3A_1111, %add3A_1458 : i32
        %get3A_1460 = arith.index_cast %add3A_1459 : i32 to index
        %get3A_1461 = arith.constant 80 : index
        %get3A_1462 = tpu.vector_load %arg8[%get3A_1460, %get3A_1461] {strides = array<i32>} : memref<832x128xf32, #tpu.memory_space<vmem>>, vector<1x16xf32>,
        %get3A_1463 = vector.shape_cast %get3A_1462 : vector<1x16xf32> to vector<16xf32>
        %add3A_1464 = arith.addf %add3A_1457, %get3A_1463 : vector<16xf32>
        %add3A_1465 = arith.constant 24 : i32
        %add3A_1466 = arith.addi %mul3A_1111, %add3A_1465 : i32
        %get3A_1467 = arith.index_cast %add3A_1466 : i32 to index
        %get3A_1468 = arith.constant 80 : index
        %get3A_1469 = tpu.vector_load %arg8[%get3A_1467, %get3A_1468] {strides = array<i32>} : memref<832x128xf32, #tpu.memory_space<vmem>>, vector<1x16xf32>,
        %get3A_1470 = vector.shape_cast %get3A_1469 : vector<1x16xf32> to vector<16xf32>
        %add3A_1471 = arith.addf %add3A_1464, %get3A_1470 : vector<16xf32>
        %add3A_1472 = arith.constant 25 : i32
        %add3A_1473 = arith.addi %mul3A_1111, %add3A_1472 : i32
        %get3A_1474 = arith.index_cast %add3A_1473 : i32 to index
        %get3A_1475 = arith.constant 80 : index
        %get3A_1476 = tpu.vector_load %arg8[%get3A_1474, %get3A_1475] {strides = array<i32>} : memref<832x128xf32, #tpu.memory_space<vmem>>, vector<1x16xf32>,
        %get3A_1477 = vector.shape_cast %get3A_1476 : vector<1x16xf32> to vector<16xf32>
        %add3A_1478 = arith.addf %add3A_1471, %get3A_1477 : vector<16xf32>
        %swap3A_1479 = arith.index_cast %scan3A_1109 : i32 to index
        %swap3A_1480 = arith.constant 16 : index
        %swap3A_1481 = tpu.vector_load %arg9[%swap3A_1479, %swap3A_1480] {strides = array<i32>} : memref<32x64xf32, #tpu.memory_space<vmem>>, vector<1x16xf32>,
        %swap3A_1482 = vector.shape_cast %swap3A_1481 : vector<1x16xf32> to vector<16xf32>
        %swap3A_1483 = vector.shape_cast %add3A_1478 : vector<16xf32> to vector<1x16xf32>
        tpu.vector_store %arg9[%swap3A_1479, %swap3A_1480], %swap3A_1483 {strides = array<i32>} : memref<32x64xf32, #tpu.memory_space<vmem>>, vector<1x16xf32>,
        %add3A_1484 = arith.constant 0 : i32
        %add3A_1485 = arith.addi %mul3A_1111, %add3A_1484 : i32
        %get3A_1486 = arith.index_cast %add3A_1485 : i32 to index
        %get3A_1487 = arith.constant 32 : index
        %get3A_1488 = tpu.vector_load %arg8[%get3A_1486, %get3A_1487] {strides = array<i32>} : memref<832x128xf32, #tpu.memory_space<vmem>>, vector<1x16xf32>,
        %get3A_1489 = vector.shape_cast %get3A_1488 : vector<1x16xf32> to vector<16xf32>
        %add3A_1490 = arith.constant 1 : i32
        %add3A_1491 = arith.addi %mul3A_1111, %add3A_1490 : i32
        %get3A_1492 = arith.index_cast %add3A_1491 : i32 to index
        %get3A_1493 = arith.constant 32 : index
        %get3A_1494 = tpu.vector_load %arg8[%get3A_1492, %get3A_1493] {strides = array<i32>} : memref<832x128xf32, #tpu.memory_space<vmem>>, vector<1x16xf32>,
        %get3A_1495 = vector.shape_cast %get3A_1494 : vector<1x16xf32> to vector<16xf32>
        %add3A_1496 = arith.addf %get3A_1489, %get3A_1495 : vector<16xf32>
        %add3A_1497 = arith.constant 2 : i32
        %add3A_1498 = arith.addi %mul3A_1111, %add3A_1497 : i32
        %get3A_1499 = arith.index_cast %add3A_1498 : i32 to index
        %get3A_1500 = arith.constant 32 : index
        %get3A_1501 = tpu.vector_load %arg8[%get3A_1499, %get3A_1500] {strides = array<i32>} : memref<832x128xf32, #tpu.memory_space<vmem>>, vector<1x16xf32>,
        %get3A_1502 = vector.shape_cast %get3A_1501 : vector<1x16xf32> to vector<16xf32>
        %add3A_1503 = arith.addf %add3A_1496, %get3A_1502 : vector<16xf32>
        %add3A_1504 = arith.constant 3 : i32
        %add3A_1505 = arith.addi %mul3A_1111, %add3A_1504 : i32
        %get3A_1506 = arith.index_cast %add3A_1505 : i32 to index
        %get3A_1507 = arith.constant 32 : index
        %get3A_1508 = tpu.vector_load %arg8[%get3A_1506, %get3A_1507] {strides = array<i32>} : memref<832x128xf32, #tpu.memory_space<vmem>>, vector<1x16xf32>,
        %get3A_1509 = vector.shape_cast %get3A_1508 : vector<1x16xf32> to vector<16xf32>
        %add3A_1510 = arith.addf %add3A_1503, %get3A_1509 : vector<16xf32>
        %add3A_1511 = arith.constant 4 : i32
        %add3A_1512 = arith.addi %mul3A_1111, %add3A_1511 : i32
        %get3A_1513 = arith.index_cast %add3A_1512 : i32 to index
        %get3A_1514 = arith.constant 32 : index
        %get3A_1515 = tpu.vector_load %arg8[%get3A_1513, %get3A_1514] {strides = array<i32>} : memref<832x128xf32, #tpu.memory_space<vmem>>, vector<1x16xf32>,
        %get3A_1516 = vector.shape_cast %get3A_1515 : vector<1x16xf32> to vector<16xf32>
        %add3A_1517 = arith.addf %add3A_1510, %get3A_1516 : vector<16xf32>
        %add3A_1518 = arith.constant 5 : i32
        %add3A_1519 = arith.addi %mul3A_1111, %add3A_1518 : i32
        %get3A_1520 = arith.index_cast %add3A_1519 : i32 to index
        %get3A_1521 = arith.constant 32 : index
        %get3A_1522 = tpu.vector_load %arg8[%get3A_1520, %get3A_1521] {strides = array<i32>} : memref<832x128xf32, #tpu.memory_space<vmem>>, vector<1x16xf32>,
        %get3A_1523 = vector.shape_cast %get3A_1522 : vector<1x16xf32> to vector<16xf32>
        %add3A_1524 = arith.addf %add3A_1517, %get3A_1523 : vector<16xf32>
        %add3A_1525 = arith.constant 6 : i32
        %add3A_1526 = arith.addi %mul3A_1111, %add3A_1525 : i32
        %get3A_1527 = arith.index_cast %add3A_1526 : i32 to index
        %get3A_1528 = arith.constant 32 : index
        %get3A_1529 = tpu.vector_load %arg8[%get3A_1527, %get3A_1528] {strides = array<i32>} : memref<832x128xf32, #tpu.memory_space<vmem>>, vector<1x16xf32>,
        %get3A_1530 = vector.shape_cast %get3A_1529 : vector<1x16xf32> to vector<16xf32>
        %add3A_1531 = arith.addf %add3A_1524, %get3A_1530 : vector<16xf32>
        %add3A_1532 = arith.constant 7 : i32
        %add3A_1533 = arith.addi %mul3A_1111, %add3A_1532 : i32
        %get3A_1534 = arith.index_cast %add3A_1533 : i32 to index
        %get3A_1535 = arith.constant 32 : index
        %get3A_1536 = tpu.vector_load %arg8[%get3A_1534, %get3A_1535] {strides = array<i32>} : memref<832x128xf32, #tpu.memory_space<vmem>>, vector<1x16xf32>,
        %get3A_1537 = vector.shape_cast %get3A_1536 : vector<1x16xf32> to vector<16xf32>
        %add3A_1538 = arith.addf %add3A_1531, %get3A_1537 : vector<16xf32>
        %add3A_1539 = arith.constant 8 : i32
        %add3A_1540 = arith.addi %mul3A_1111, %add3A_1539 : i32
        %get3A_1541 = arith.index_cast %add3A_1540 : i32 to index
        %get3A_1542 = arith.constant 32 : index
        %get3A_1543 = tpu.vector_load %arg8[%get3A_1541, %get3A_1542] {strides = array<i32>} : memref<832x128xf32, #tpu.memory_space<vmem>>, vector<1x16xf32>,
        %get3A_1544 = vector.shape_cast %get3A_1543 : vector<1x16xf32> to vector<16xf32>
        %add3A_1545 = arith.addf %add3A_1538, %get3A_1544 : vector<16xf32>
        %add3A_1546 = arith.constant 9 : i32
        %add3A_1547 = arith.addi %mul3A_1111, %add3A_1546 : i32
        %get3A_1548 = arith.index_cast %add3A_1547 : i32 to index
        %get3A_1549 = arith.constant 32 : index
        %get3A_1550 = tpu.vector_load %arg8[%get3A_1548, %get3A_1549] {strides = array<i32>} : memref<832x128xf32, #tpu.memory_space<vmem>>, vector<1x16xf32>,
        %get3A_1551 = vector.shape_cast %get3A_1550 : vector<1x16xf32> to vector<16xf32>
        %add3A_1552 = arith.addf %add3A_1545, %get3A_1551 : vector<16xf32>
        %add3A_1553 = arith.constant 10 : i32
        %add3A_1554 = arith.addi %mul3A_1111, %add3A_1553 : i32
        %get3A_1555 = arith.index_cast %add3A_1554 : i32 to index
        %get3A_1556 = arith.constant 32 : index
        %get3A_1557 = tpu.vector_load %arg8[%get3A_1555, %get3A_1556] {strides = array<i32>} : memref<832x128xf32, #tpu.memory_space<vmem>>, vector<1x16xf32>,
        %get3A_1558 = vector.shape_cast %get3A_1557 : vector<1x16xf32> to vector<16xf32>
        %add3A_1559 = arith.addf %add3A_1552, %get3A_1558 : vector<16xf32>
        %add3A_1560 = arith.constant 11 : i32
        %add3A_1561 = arith.addi %mul3A_1111, %add3A_1560 : i32
        %get3A_1562 = arith.index_cast %add3A_1561 : i32 to index
        %get3A_1563 = arith.constant 32 : index
        %get3A_1564 = tpu.vector_load %arg8[%get3A_1562, %get3A_1563] {strides = array<i32>} : memref<832x128xf32, #tpu.memory_space<vmem>>, vector<1x16xf32>,
        %get3A_1565 = vector.shape_cast %get3A_1564 : vector<1x16xf32> to vector<16xf32>
        %add3A_1566 = arith.addf %add3A_1559, %get3A_1565 : vector<16xf32>
        %add3A_1567 = arith.constant 12 : i32
        %add3A_1568 = arith.addi %mul3A_1111, %add3A_1567 : i32
        %get3A_1569 = arith.index_cast %add3A_1568 : i32 to index
        %get3A_1570 = arith.constant 32 : index
        %get3A_1571 = tpu.vector_load %arg8[%get3A_1569, %get3A_1570] {strides = array<i32>} : memref<832x128xf32, #tpu.memory_space<vmem>>, vector<1x16xf32>,
        %get3A_1572 = vector.shape_cast %get3A_1571 : vector<1x16xf32> to vector<16xf32>
        %add3A_1573 = arith.addf %add3A_1566, %get3A_1572 : vector<16xf32>
        %add3A_1574 = arith.constant 13 : i32
        %add3A_1575 = arith.addi %mul3A_1111, %add3A_1574 : i32
        %get3A_1576 = arith.index_cast %add3A_1575 : i32 to index
        %get3A_1577 = arith.constant 96 : index
        %get3A_1578 = tpu.vector_load %arg8[%get3A_1576, %get3A_1577] {strides = array<i32>} : memref<832x128xf32, #tpu.memory_space<vmem>>, vector<1x16xf32>,
        %get3A_1579 = vector.shape_cast %get3A_1578 : vector<1x16xf32> to vector<16xf32>
        %add3A_1580 = arith.addf %add3A_1573, %get3A_1579 : vector<16xf32>
        %add3A_1581 = arith.constant 14 : i32
        %add3A_1582 = arith.addi %mul3A_1111, %add3A_1581 : i32
        %get3A_1583 = arith.index_cast %add3A_1582 : i32 to index
        %get3A_1584 = arith.constant 96 : index
        %get3A_1585 = tpu.vector_load %arg8[%get3A_1583, %get3A_1584] {strides = array<i32>} : memref<832x128xf32, #tpu.memory_space<vmem>>, vector<1x16xf32>,
        %get3A_1586 = vector.shape_cast %get3A_1585 : vector<1x16xf32> to vector<16xf32>
        %add3A_1587 = arith.addf %add3A_1580, %get3A_1586 : vector<16xf32>
        %add3A_1588 = arith.constant 15 : i32
        %add3A_1589 = arith.addi %mul3A_1111, %add3A_1588 : i32
        %get3A_1590 = arith.index_cast %add3A_1589 : i32 to index
        %get3A_1591 = arith.constant 96 : index
        %get3A_1592 = tpu.vector_load %arg8[%get3A_1590, %get3A_1591] {strides = array<i32>} : memref<832x128xf32, #tpu.memory_space<vmem>>, vector<1x16xf32>,
        %get3A_1593 = vector.shape_cast %get3A_1592 : vector<1x16xf32> to vector<16xf32>
        %add3A_1594 = arith.addf %add3A_1587, %get3A_1593 : vector<16xf32>
        %add3A_1595 = arith.constant 16 : i32
        %add3A_1596 = arith.addi %mul3A_1111, %add3A_1595 : i32
        %get3A_1597 = arith.index_cast %add3A_1596 : i32 to index
        %get3A_1598 = arith.constant 96 : index
        %get3A_1599 = tpu.vector_load %arg8[%get3A_1597, %get3A_1598] {strides = array<i32>} : memref<832x128xf32, #tpu.memory_space<vmem>>, vector<1x16xf32>,
        %get3A_1600 = vector.shape_cast %get3A_1599 : vector<1x16xf32> to vector<16xf32>
        %add3A_1601 = arith.addf %add3A_1594, %get3A_1600 : vector<16xf32>
        %add3A_1602 = arith.constant 17 : i32
        %add3A_1603 = arith.addi %mul3A_1111, %add3A_1602 : i32
        %get3A_1604 = arith.index_cast %add3A_1603 : i32 to index
        %get3A_1605 = arith.constant 96 : index
        %get3A_1606 = tpu.vector_load %arg8[%get3A_1604, %get3A_1605] {strides = array<i32>} : memref<832x128xf32, #tpu.memory_space<vmem>>, vector<1x16xf32>,
        %get3A_1607 = vector.shape_cast %get3A_1606 : vector<1x16xf32> to vector<16xf32>
        %add3A_1608 = arith.addf %add3A_1601, %get3A_1607 : vector<16xf32>
        %add3A_1609 = arith.constant 18 : i32
        %add3A_1610 = arith.addi %mul3A_1111, %add3A_1609 : i32
        %get3A_1611 = arith.index_cast %add3A_1610 : i32 to index
        %get3A_1612 = arith.constant 96 : index
        %get3A_1613 = tpu.vector_load %arg8[%get3A_1611, %get3A_1612] {strides = array<i32>} : memref<832x128xf32, #tpu.memory_space<vmem>>, vector<1x16xf32>,
        %get3A_1614 = vector.shape_cast %get3A_1613 : vector<1x16xf32> to vector<16xf32>
        %add3A_1615 = arith.addf %add3A_1608, %get3A_1614 : vector<16xf32>
        %add3A_1616 = arith.constant 19 : i32
        %add3A_1617 = arith.addi %mul3A_1111, %add3A_1616 : i32
        %get3A_1618 = arith.index_cast %add3A_1617 : i32 to index
        %get3A_1619 = arith.constant 96 : index
        %get3A_1620 = tpu.vector_load %arg8[%get3A_1618, %get3A_1619] {strides = array<i32>} : memref<832x128xf32, #tpu.memory_space<vmem>>, vector<1x16xf32>,
        %get3A_1621 = vector.shape_cast %get3A_1620 : vector<1x16xf32> to vector<16xf32>
        %add3A_1622 = arith.addf %add3A_1615, %get3A_1621 : vector<16xf32>
        %add3A_1623 = arith.constant 20 : i32
        %add3A_1624 = arith.addi %mul3A_1111, %add3A_1623 : i32
        %get3A_1625 = arith.index_cast %add3A_1624 : i32 to index
        %get3A_1626 = arith.constant 96 : index
        %get3A_1627 = tpu.vector_load %arg8[%get3A_1625, %get3A_1626] {strides = array<i32>} : memref<832x128xf32, #tpu.memory_space<vmem>>, vector<1x16xf32>,
        %get3A_1628 = vector.shape_cast %get3A_1627 : vector<1x16xf32> to vector<16xf32>
        %add3A_1629 = arith.addf %add3A_1622, %get3A_1628 : vector<16xf32>
        %add3A_1630 = arith.constant 21 : i32
        %add3A_1631 = arith.addi %mul3A_1111, %add3A_1630 : i32
        %get3A_1632 = arith.index_cast %add3A_1631 : i32 to index
        %get3A_1633 = arith.constant 96 : index
        %get3A_1634 = tpu.vector_load %arg8[%get3A_1632, %get3A_1633] {strides = array<i32>} : memref<832x128xf32, #tpu.memory_space<vmem>>, vector<1x16xf32>,
        %get3A_1635 = vector.shape_cast %get3A_1634 : vector<1x16xf32> to vector<16xf32>
        %add3A_1636 = arith.addf %add3A_1629, %get3A_1635 : vector<16xf32>
        %add3A_1637 = arith.constant 22 : i32
        %add3A_1638 = arith.addi %mul3A_1111, %add3A_1637 : i32
        %get3A_1639 = arith.index_cast %add3A_1638 : i32 to index
        %get3A_1640 = arith.constant 96 : index
        %get3A_1641 = tpu.vector_load %arg8[%get3A_1639, %get3A_1640] {strides = array<i32>} : memref<832x128xf32, #tpu.memory_space<vmem>>, vector<1x16xf32>,
        %get3A_1642 = vector.shape_cast %get3A_1641 : vector<1x16xf32> to vector<16xf32>
        %add3A_1643 = arith.addf %add3A_1636, %get3A_1642 : vector<16xf32>
        %add3A_1644 = arith.constant 23 : i32
        %add3A_1645 = arith.addi %mul3A_1111, %add3A_1644 : i32
        %get3A_1646 = arith.index_cast %add3A_1645 : i32 to index
        %get3A_1647 = arith.constant 96 : index
        %get3A_1648 = tpu.vector_load %arg8[%get3A_1646, %get3A_1647] {strides = array<i32>} : memref<832x128xf32, #tpu.memory_space<vmem>>, vector<1x16xf32>,
        %get3A_1649 = vector.shape_cast %get3A_1648 : vector<1x16xf32> to vector<16xf32>
        %add3A_1650 = arith.addf %add3A_1643, %get3A_1649 : vector<16xf32>
        %add3A_1651 = arith.constant 24 : i32
        %add3A_1652 = arith.addi %mul3A_1111, %add3A_1651 : i32
        %get3A_1653 = arith.index_cast %add3A_1652 : i32 to index
        %get3A_1654 = arith.constant 96 : index
        %get3A_1655 = tpu.vector_load %arg8[%get3A_1653, %get3A_1654] {strides = array<i32>} : memref<832x128xf32, #tpu.memory_space<vmem>>, vector<1x16xf32>,
        %get3A_1656 = vector.shape_cast %get3A_1655 : vector<1x16xf32> to vector<16xf32>
        %add3A_1657 = arith.addf %add3A_1650, %get3A_1656 : vector<16xf32>
        %add3A_1658 = arith.constant 25 : i32
        %add3A_1659 = arith.addi %mul3A_1111, %add3A_1658 : i32
        %get3A_1660 = arith.index_cast %add3A_1659 : i32 to index
        %get3A_1661 = arith.constant 96 : index
        %get3A_1662 = tpu.vector_load %arg8[%get3A_1660, %get3A_1661] {strides = array<i32>} : memref<832x128xf32, #tpu.memory_space<vmem>>, vector<1x16xf32>,
        %get3A_1663 = vector.shape_cast %get3A_1662 : vector<1x16xf32> to vector<16xf32>
        %add3A_1664 = arith.addf %add3A_1657, %get3A_1663 : vector<16xf32>
        %swap3A_1665 = arith.index_cast %scan3A_1109 : i32 to index
        %swap3A_1666 = arith.constant 32 : index
        %swap3A_1667 = tpu.vector_load %arg9[%swap3A_1665, %swap3A_1666] {strides = array<i32>} : memref<32x64xf32, #tpu.memory_space<vmem>>, vector<1x16xf32>,
        %swap3A_1668 = vector.shape_cast %swap3A_1667 : vector<1x16xf32> to vector<16xf32>
        %swap3A_1669 = vector.shape_cast %add3A_1664 : vector<16xf32> to vector<1x16xf32>
        tpu.vector_store %arg9[%swap3A_1665, %swap3A_1666], %swap3A_1669 {strides = array<i32>} : memref<32x64xf32, #tpu.memory_space<vmem>>, vector<1x16xf32>,
        %add3A_1670 = arith.constant 0 : i32
        %add3A_1671 = arith.addi %mul3A_1111, %add3A_1670 : i32
        %get3A_1672 = arith.index_cast %add3A_1671 : i32 to index
        %get3A_1673 = arith.constant 48 : index
        %get3A_1674 = tpu.vector_load %arg8[%get3A_1672, %get3A_1673] {strides = array<i32>} : memref<832x128xf32, #tpu.memory_space<vmem>>, vector<1x16xf32>,
        %get3A_1675 = vector.shape_cast %get3A_1674 : vector<1x16xf32> to vector<16xf32>
        %add3A_1676 = arith.constant 1 : i32
        %add3A_1677 = arith.addi %mul3A_1111, %add3A_1676 : i32
        %get3A_1678 = arith.index_cast %add3A_1677 : i32 to index
        %get3A_1679 = arith.constant 48 : index
        %get3A_1680 = tpu.vector_load %arg8[%get3A_1678, %get3A_1679] {strides = array<i32>} : memref<832x128xf32, #tpu.memory_space<vmem>>, vector<1x16xf32>,
        %get3A_1681 = vector.shape_cast %get3A_1680 : vector<1x16xf32> to vector<16xf32>
        %add3A_1682 = arith.addf %get3A_1675, %get3A_1681 : vector<16xf32>
        %add3A_1683 = arith.constant 2 : i32
        %add3A_1684 = arith.addi %mul3A_1111, %add3A_1683 : i32
        %get3A_1685 = arith.index_cast %add3A_1684 : i32 to index
        %get3A_1686 = arith.constant 48 : index
        %get3A_1687 = tpu.vector_load %arg8[%get3A_1685, %get3A_1686] {strides = array<i32>} : memref<832x128xf32, #tpu.memory_space<vmem>>, vector<1x16xf32>,
        %get3A_1688 = vector.shape_cast %get3A_1687 : vector<1x16xf32> to vector<16xf32>
        %add3A_1689 = arith.addf %add3A_1682, %get3A_1688 : vector<16xf32>
        %add3A_1690 = arith.constant 3 : i32
        %add3A_1691 = arith.addi %mul3A_1111, %add3A_1690 : i32
        %get3A_1692 = arith.index_cast %add3A_1691 : i32 to index
        %get3A_1693 = arith.constant 48 : index
        %get3A_1694 = tpu.vector_load %arg8[%get3A_1692, %get3A_1693] {strides = array<i32>} : memref<832x128xf32, #tpu.memory_space<vmem>>, vector<1x16xf32>,
        %get3A_1695 = vector.shape_cast %get3A_1694 : vector<1x16xf32> to vector<16xf32>
        %add3A_1696 = arith.addf %add3A_1689, %get3A_1695 : vector<16xf32>
        %add3A_1697 = arith.constant 4 : i32
        %add3A_1698 = arith.addi %mul3A_1111, %add3A_1697 : i32
        %get3A_1699 = arith.index_cast %add3A_1698 : i32 to index
        %get3A_1700 = arith.constant 48 : index
        %get3A_1701 = tpu.vector_load %arg8[%get3A_1699, %get3A_1700] {strides = array<i32>} : memref<832x128xf32, #tpu.memory_space<vmem>>, vector<1x16xf32>,
        %get3A_1702 = vector.shape_cast %get3A_1701 : vector<1x16xf32> to vector<16xf32>
        %add3A_1703 = arith.addf %add3A_1696, %get3A_1702 : vector<16xf32>
        %add3A_1704 = arith.constant 5 : i32
        %add3A_1705 = arith.addi %mul3A_1111, %add3A_1704 : i32
        %get3A_1706 = arith.index_cast %add3A_1705 : i32 to index
        %get3A_1707 = arith.constant 48 : index
        %get3A_1708 = tpu.vector_load %arg8[%get3A_1706, %get3A_1707] {strides = array<i32>} : memref<832x128xf32, #tpu.memory_space<vmem>>, vector<1x16xf32>,
        %get3A_1709 = vector.shape_cast %get3A_1708 : vector<1x16xf32> to vector<16xf32>
        %add3A_1710 = arith.addf %add3A_1703, %get3A_1709 : vector<16xf32>
        %add3A_1711 = arith.constant 6 : i32
        %add3A_1712 = arith.addi %mul3A_1111, %add3A_1711 : i32
        %get3A_1713 = arith.index_cast %add3A_1712 : i32 to index
        %get3A_1714 = arith.constant 48 : index
        %get3A_1715 = tpu.vector_load %arg8[%get3A_1713, %get3A_1714] {strides = array<i32>} : memref<832x128xf32, #tpu.memory_space<vmem>>, vector<1x16xf32>,
        %get3A_1716 = vector.shape_cast %get3A_1715 : vector<1x16xf32> to vector<16xf32>
        %add3A_1717 = arith.addf %add3A_1710, %get3A_1716 : vector<16xf32>
        %add3A_1718 = arith.constant 7 : i32
        %add3A_1719 = arith.addi %mul3A_1111, %add3A_1718 : i32
        %get3A_1720 = arith.index_cast %add3A_1719 : i32 to index
        %get3A_1721 = arith.constant 48 : index
        %get3A_1722 = tpu.vector_load %arg8[%get3A_1720, %get3A_1721] {strides = array<i32>} : memref<832x128xf32, #tpu.memory_space<vmem>>, vector<1x16xf32>,
        %get3A_1723 = vector.shape_cast %get3A_1722 : vector<1x16xf32> to vector<16xf32>
        %add3A_1724 = arith.addf %add3A_1717, %get3A_1723 : vector<16xf32>
        %add3A_1725 = arith.constant 8 : i32
        %add3A_1726 = arith.addi %mul3A_1111, %add3A_1725 : i32
        %get3A_1727 = arith.index_cast %add3A_1726 : i32 to index
        %get3A_1728 = arith.constant 48 : index
        %get3A_1729 = tpu.vector_load %arg8[%get3A_1727, %get3A_1728] {strides = array<i32>} : memref<832x128xf32, #tpu.memory_space<vmem>>, vector<1x16xf32>,
        %get3A_1730 = vector.shape_cast %get3A_1729 : vector<1x16xf32> to vector<16xf32>
        %add3A_1731 = arith.addf %add3A_1724, %get3A_1730 : vector<16xf32>
        %add3A_1732 = arith.constant 9 : i32
        %add3A_1733 = arith.addi %mul3A_1111, %add3A_1732 : i32
        %get3A_1734 = arith.index_cast %add3A_1733 : i32 to index
        %get3A_1735 = arith.constant 48 : index
        %get3A_1736 = tpu.vector_load %arg8[%get3A_1734, %get3A_1735] {strides = array<i32>} : memref<832x128xf32, #tpu.memory_space<vmem>>, vector<1x16xf32>,
        %get3A_1737 = vector.shape_cast %get3A_1736 : vector<1x16xf32> to vector<16xf32>
        %add3A_1738 = arith.addf %add3A_1731, %get3A_1737 : vector<16xf32>
        %add3A_1739 = arith.constant 10 : i32
        %add3A_1740 = arith.addi %mul3A_1111, %add3A_1739 : i32
        %get3A_1741 = arith.index_cast %add3A_1740 : i32 to index
        %get3A_1742 = arith.constant 48 : index
        %get3A_1743 = tpu.vector_load %arg8[%get3A_1741, %get3A_1742] {strides = array<i32>} : memref<832x128xf32, #tpu.memory_space<vmem>>, vector<1x16xf32>,
        %get3A_1744 = vector.shape_cast %get3A_1743 : vector<1x16xf32> to vector<16xf32>
        %add3A_1745 = arith.addf %add3A_1738, %get3A_1744 : vector<16xf32>
        %add3A_1746 = arith.constant 11 : i32
        %add3A_1747 = arith.addi %mul3A_1111, %add3A_1746 : i32
        %get3A_1748 = arith.index_cast %add3A_1747 : i32 to index
        %get3A_1749 = arith.constant 48 : index
        %get3A_1750 = tpu.vector_load %arg8[%get3A_1748, %get3A_1749] {strides = array<i32>} : memref<832x128xf32, #tpu.memory_space<vmem>>, vector<1x16xf32>,
        %get3A_1751 = vector.shape_cast %get3A_1750 : vector<1x16xf32> to vector<16xf32>
        %add3A_1752 = arith.addf %add3A_1745, %get3A_1751 : vector<16xf32>
        %add3A_1753 = arith.constant 12 : i32
        %add3A_1754 = arith.addi %mul3A_1111, %add3A_1753 : i32
        %get3A_1755 = arith.index_cast %add3A_1754 : i32 to index
        %get3A_1756 = arith.constant 48 : index
        %get3A_1757 = tpu.vector_load %arg8[%get3A_1755, %get3A_1756] {strides = array<i32>} : memref<832x128xf32, #tpu.memory_space<vmem>>, vector<1x16xf32>,
        %get3A_1758 = vector.shape_cast %get3A_1757 : vector<1x16xf32> to vector<16xf32>
        %add3A_1759 = arith.addf %add3A_1752, %get3A_1758 : vector<16xf32>
        %add3A_1760 = arith.constant 13 : i32
        %add3A_1761 = arith.addi %mul3A_1111, %add3A_1760 : i32
        %get3A_1762 = arith.index_cast %add3A_1761 : i32 to index
        %get3A_1763 = arith.constant 112 : index
        %get3A_1764 = tpu.vector_load %arg8[%get3A_1762, %get3A_1763] {strides = array<i32>} : memref<832x128xf32, #tpu.memory_space<vmem>>, vector<1x16xf32>,
        %get3A_1765 = vector.shape_cast %get3A_1764 : vector<1x16xf32> to vector<16xf32>
        %add3A_1766 = arith.addf %add3A_1759, %get3A_1765 : vector<16xf32>
        %add3A_1767 = arith.constant 14 : i32
        %add3A_1768 = arith.addi %mul3A_1111, %add3A_1767 : i32
        %get3A_1769 = arith.index_cast %add3A_1768 : i32 to index
        %get3A_1770 = arith.constant 112 : index
        %get3A_1771 = tpu.vector_load %arg8[%get3A_1769, %get3A_1770] {strides = array<i32>} : memref<832x128xf32, #tpu.memory_space<vmem>>, vector<1x16xf32>,
        %get3A_1772 = vector.shape_cast %get3A_1771 : vector<1x16xf32> to vector<16xf32>
        %add3A_1773 = arith.addf %add3A_1766, %get3A_1772 : vector<16xf32>
        %add3A_1774 = arith.constant 15 : i32
        %add3A_1775 = arith.addi %mul3A_1111, %add3A_1774 : i32
        %get3A_1776 = arith.index_cast %add3A_1775 : i32 to index
        %get3A_1777 = arith.constant 112 : index
        %get3A_1778 = tpu.vector_load %arg8[%get3A_1776, %get3A_1777] {strides = array<i32>} : memref<832x128xf32, #tpu.memory_space<vmem>>, vector<1x16xf32>,
        %get3A_1779 = vector.shape_cast %get3A_1778 : vector<1x16xf32> to vector<16xf32>
        %add3A_1780 = arith.addf %add3A_1773, %get3A_1779 : vector<16xf32>
        %add3A_1781 = arith.constant 16 : i32
        %add3A_1782 = arith.addi %mul3A_1111, %add3A_1781 : i32
        %get3A_1783 = arith.index_cast %add3A_1782 : i32 to index
        %get3A_1784 = arith.constant 112 : index
        %get3A_1785 = tpu.vector_load %arg8[%get3A_1783, %get3A_1784] {strides = array<i32>} : memref<832x128xf32, #tpu.memory_space<vmem>>, vector<1x16xf32>,
        %get3A_1786 = vector.shape_cast %get3A_1785 : vector<1x16xf32> to vector<16xf32>
        %add3A_1787 = arith.addf %add3A_1780, %get3A_1786 : vector<16xf32>
        %add3A_1788 = arith.constant 17 : i32
        %add3A_1789 = arith.addi %mul3A_1111, %add3A_1788 : i32
        %get3A_1790 = arith.index_cast %add3A_1789 : i32 to index
        %get3A_1791 = arith.constant 112 : index
        %get3A_1792 = tpu.vector_load %arg8[%get3A_1790, %get3A_1791] {strides = array<i32>} : memref<832x128xf32, #tpu.memory_space<vmem>>, vector<1x16xf32>,
        %get3A_1793 = vector.shape_cast %get3A_1792 : vector<1x16xf32> to vector<16xf32>
        %add3A_1794 = arith.addf %add3A_1787, %get3A_1793 : vector<16xf32>
        %add3A_1795 = arith.constant 18 : i32
        %add3A_1796 = arith.addi %mul3A_1111, %add3A_1795 : i32
        %get3A_1797 = arith.index_cast %add3A_1796 : i32 to index
        %get3A_1798 = arith.constant 112 : index
        %get3A_1799 = tpu.vector_load %arg8[%get3A_1797, %get3A_1798] {strides = array<i32>} : memref<832x128xf32, #tpu.memory_space<vmem>>, vector<1x16xf32>,
        %get3A_1800 = vector.shape_cast %get3A_1799 : vector<1x16xf32> to vector<16xf32>
        %add3A_1801 = arith.addf %add3A_1794, %get3A_1800 : vector<16xf32>
        %add3A_1802 = arith.constant 19 : i32
        %add3A_1803 = arith.addi %mul3A_1111, %add3A_1802 : i32
        %get3A_1804 = arith.index_cast %add3A_1803 : i32 to index
        %get3A_1805 = arith.constant 112 : index
        %get3A_1806 = tpu.vector_load %arg8[%get3A_1804, %get3A_1805] {strides = array<i32>} : memref<832x128xf32, #tpu.memory_space<vmem>>, vector<1x16xf32>,
        %get3A_1807 = vector.shape_cast %get3A_1806 : vector<1x16xf32> to vector<16xf32>
        %add3A_1808 = arith.addf %add3A_1801, %get3A_1807 : vector<16xf32>
        %add3A_1809 = arith.constant 20 : i32
        %add3A_1810 = arith.addi %mul3A_1111, %add3A_1809 : i32
        %get3A_1811 = arith.index_cast %add3A_1810 : i32 to index
        %get3A_1812 = arith.constant 112 : index
        %get3A_1813 = tpu.vector_load %arg8[%get3A_1811, %get3A_1812] {strides = array<i32>} : memref<832x128xf32, #tpu.memory_space<vmem>>, vector<1x16xf32>,
        %get3A_1814 = vector.shape_cast %get3A_1813 : vector<1x16xf32> to vector<16xf32>
        %add3A_1815 = arith.addf %add3A_1808, %get3A_1814 : vector<16xf32>
        %add3A_1816 = arith.constant 21 : i32
        %add3A_1817 = arith.addi %mul3A_1111, %add3A_1816 : i32
        %get3A_1818 = arith.index_cast %add3A_1817 : i32 to index
        %get3A_1819 = arith.constant 112 : index
        %get3A_1820 = tpu.vector_load %arg8[%get3A_1818, %get3A_1819] {strides = array<i32>} : memref<832x128xf32, #tpu.memory_space<vmem>>, vector<1x16xf32>,
        %get3A_1821 = vector.shape_cast %get3A_1820 : vector<1x16xf32> to vector<16xf32>
        %add3A_1822 = arith.addf %add3A_1815, %get3A_1821 : vector<16xf32>
        %add3A_1823 = arith.constant 22 : i32
        %add3A_1824 = arith.addi %mul3A_1111, %add3A_1823 : i32
        %get3A_1825 = arith.index_cast %add3A_1824 : i32 to index
        %get3A_1826 = arith.constant 112 : index
        %get3A_1827 = tpu.vector_load %arg8[%get3A_1825, %get3A_1826] {strides = array<i32>} : memref<832x128xf32, #tpu.memory_space<vmem>>, vector<1x16xf32>,
        %get3A_1828 = vector.shape_cast %get3A_1827 : vector<1x16xf32> to vector<16xf32>
        %add3A_1829 = arith.addf %add3A_1822, %get3A_1828 : vector<16xf32>
        %add3A_1830 = arith.constant 23 : i32
        %add3A_1831 = arith.addi %mul3A_1111, %add3A_1830 : i32
        %get3A_1832 = arith.index_cast %add3A_1831 : i32 to index
        %get3A_1833 = arith.constant 112 : index
        %get3A_1834 = tpu.vector_load %arg8[%get3A_1832, %get3A_1833] {strides = array<i32>} : memref<832x128xf32, #tpu.memory_space<vmem>>, vector<1x16xf32>,
        %get3A_1835 = vector.shape_cast %get3A_1834 : vector<1x16xf32> to vector<16xf32>
        %add3A_1836 = arith.addf %add3A_1829, %get3A_1835 : vector<16xf32>
        %add3A_1837 = arith.constant 24 : i32
        %add3A_1838 = arith.addi %mul3A_1111, %add3A_1837 : i32
        %get3A_1839 = arith.index_cast %add3A_1838 : i32 to index
        %get3A_1840 = arith.constant 112 : index
        %get3A_1841 = tpu.vector_load %arg8[%get3A_1839, %get3A_1840] {strides = array<i32>} : memref<832x128xf32, #tpu.memory_space<vmem>>, vector<1x16xf32>,
        %get3A_1842 = vector.shape_cast %get3A_1841 : vector<1x16xf32> to vector<16xf32>
        %add3A_1843 = arith.addf %add3A_1836, %get3A_1842 : vector<16xf32>
        %add3A_1844 = arith.constant 25 : i32
        %add3A_1845 = arith.addi %mul3A_1111, %add3A_1844 : i32
        %get3A_1846 = arith.index_cast %add3A_1845 : i32 to index
        %get3A_1847 = arith.constant 112 : index
        %get3A_1848 = tpu.vector_load %arg8[%get3A_1846, %get3A_1847] {strides = array<i32>} : memref<832x128xf32, #tpu.memory_space<vmem>>, vector<1x16xf32>,
        %get3A_1849 = vector.shape_cast %get3A_1848 : vector<1x16xf32> to vector<16xf32>
        %add3A_1850 = arith.addf %add3A_1843, %get3A_1849 : vector<16xf32>
        %swap3A_1851 = arith.index_cast %scan3A_1109 : i32 to index
        %swap3A_1852 = arith.constant 48 : index
        %swap3A_1853 = tpu.vector_load %arg9[%swap3A_1851, %swap3A_1852] {strides = array<i32>} : memref<32x64xf32, #tpu.memory_space<vmem>>, vector<1x16xf32>,
        %swap3A_1854 = vector.shape_cast %swap3A_1853 : vector<1x16xf32> to vector<16xf32>
        %swap3A_1855 = vector.shape_cast %add3A_1850 : vector<16xf32> to vector<1x16xf32>
        tpu.vector_store %arg9[%swap3A_1851, %swap3A_1852], %swap3A_1855 {strides = array<i32>} : memref<32x64xf32, #tpu.memory_space<vmem>>, vector<1x16xf32>,
        %scan3A_1856 = arith.constant 1 : i32
        %scan3A_1857 = arith.addi %scan3A_1109, %scan3A_1856 : i32
        %mul3A_1858 = arith.constant 26 : i32
        %mul3A_1859 = arith.muli %scan3A_1857, %mul3A_1858 : i32
        %add3A_1860 = arith.constant 0 : i32
        %add3A_1861 = arith.addi %mul3A_1859, %add3A_1860 : i32
        %get3A_1862 = arith.index_cast %add3A_1861 : i32 to index
        %get3A_1863 = arith.constant 0 : index
        %get3A_1864 = tpu.vector_load %arg8[%get3A_1862, %get3A_1863] {strides = array<i32>} : memref<832x128xf32, #tpu.memory_space<vmem>>, vector<1x16xf32>,
        %get3A_1865 = vector.shape_cast %get3A_1864 : vector<1x16xf32> to vector<16xf32>
        %add3A_1866 = arith.constant 1 : i32
        %add3A_1867 = arith.addi %mul3A_1859, %add3A_1866 : i32
        %get3A_1868 = arith.index_cast %add3A_1867 : i32 to index
        %get3A_1869 = arith.constant 0 : index
        %get3A_1870 = tpu.vector_load %arg8[%get3A_1868, %get3A_1869] {strides = array<i32>} : memref<832x128xf32, #tpu.memory_space<vmem>>, vector<1x16xf32>,
        %get3A_1871 = vector.shape_cast %get3A_1870 : vector<1x16xf32> to vector<16xf32>
        %add3A_1872 = arith.addf %get3A_1865, %get3A_1871 : vector<16xf32>
        %add3A_1873 = arith.constant 2 : i32
        %add3A_1874 = arith.addi %mul3A_1859, %add3A_1873 : i32
        %get3A_1875 = arith.index_cast %add3A_1874 : i32 to index
        %get3A_1876 = arith.constant 0 : index
        %get3A_1877 = tpu.vector_load %arg8[%get3A_1875, %get3A_1876] {strides = array<i32>} : memref<832x128xf32, #tpu.memory_space<vmem>>, vector<1x16xf32>,
        %get3A_1878 = vector.shape_cast %get3A_1877 : vector<1x16xf32> to vector<16xf32>
        %add3A_1879 = arith.addf %add3A_1872, %get3A_1878 : vector<16xf32>
        %add3A_1880 = arith.constant 3 : i32
        %add3A_1881 = arith.addi %mul3A_1859, %add3A_1880 : i32
        %get3A_1882 = arith.index_cast %add3A_1881 : i32 to index
        %get3A_1883 = arith.constant 0 : index
        %get3A_1884 = tpu.vector_load %arg8[%get3A_1882, %get3A_1883] {strides = array<i32>} : memref<832x128xf32, #tpu.memory_space<vmem>>, vector<1x16xf32>,
        %get3A_1885 = vector.shape_cast %get3A_1884 : vector<1x16xf32> to vector<16xf32>
        %add3A_1886 = arith.addf %add3A_1879, %get3A_1885 : vector<16xf32>
        %add3A_1887 = arith.constant 4 : i32
        %add3A_1888 = arith.addi %mul3A_1859, %add3A_1887 : i32
        %get3A_1889 = arith.index_cast %add3A_1888 : i32 to index
        %get3A_1890 = arith.constant 0 : index
        %get3A_1891 = tpu.vector_load %arg8[%get3A_1889, %get3A_1890] {strides = array<i32>} : memref<832x128xf32, #tpu.memory_space<vmem>>, vector<1x16xf32>,
        %get3A_1892 = vector.shape_cast %get3A_1891 : vector<1x16xf32> to vector<16xf32>
        %add3A_1893 = arith.addf %add3A_1886, %get3A_1892 : vector<16xf32>
        %add3A_1894 = arith.constant 5 : i32
        %add3A_1895 = arith.addi %mul3A_1859, %add3A_1894 : i32
        %get3A_1896 = arith.index_cast %add3A_1895 : i32 to index
        %get3A_1897 = arith.constant 0 : index
        %get3A_1898 = tpu.vector_load %arg8[%get3A_1896, %get3A_1897] {strides = array<i32>} : memref<832x128xf32, #tpu.memory_space<vmem>>, vector<1x16xf32>,
        %get3A_1899 = vector.shape_cast %get3A_1898 : vector<1x16xf32> to vector<16xf32>
        %add3A_1900 = arith.addf %add3A_1893, %get3A_1899 : vector<16xf32>
        %add3A_1901 = arith.constant 6 : i32
        %add3A_1902 = arith.addi %mul3A_1859, %add3A_1901 : i32
        %get3A_1903 = arith.index_cast %add3A_1902 : i32 to index
        %get3A_1904 = arith.constant 0 : index
        %get3A_1905 = tpu.vector_load %arg8[%get3A_1903, %get3A_1904] {strides = array<i32>} : memref<832x128xf32, #tpu.memory_space<vmem>>, vector<1x16xf32>,
        %get3A_1906 = vector.shape_cast %get3A_1905 : vector<1x16xf32> to vector<16xf32>
        %add3A_1907 = arith.addf %add3A_1900, %get3A_1906 : vector<16xf32>
        %add3A_1908 = arith.constant 7 : i32
        %add3A_1909 = arith.addi %mul3A_1859, %add3A_1908 : i32
        %get3A_1910 = arith.index_cast %add3A_1909 : i32 to index
        %get3A_1911 = arith.constant 0 : index
        %get3A_1912 = tpu.vector_load %arg8[%get3A_1910, %get3A_1911] {strides = array<i32>} : memref<832x128xf32, #tpu.memory_space<vmem>>, vector<1x16xf32>,
        %get3A_1913 = vector.shape_cast %get3A_1912 : vector<1x16xf32> to vector<16xf32>
        %add3A_1914 = arith.addf %add3A_1907, %get3A_1913 : vector<16xf32>
        %add3A_1915 = arith.constant 8 : i32
        %add3A_1916 = arith.addi %mul3A_1859, %add3A_1915 : i32
        %get3A_1917 = arith.index_cast %add3A_1916 : i32 to index
        %get3A_1918 = arith.constant 0 : index
        %get3A_1919 = tpu.vector_load %arg8[%get3A_1917, %get3A_1918] {strides = array<i32>} : memref<832x128xf32, #tpu.memory_space<vmem>>, vector<1x16xf32>,
        %get3A_1920 = vector.shape_cast %get3A_1919 : vector<1x16xf32> to vector<16xf32>
        %add3A_1921 = arith.addf %add3A_1914, %get3A_1920 : vector<16xf32>
        %add3A_1922 = arith.constant 9 : i32
        %add3A_1923 = arith.addi %mul3A_1859, %add3A_1922 : i32
        %get3A_1924 = arith.index_cast %add3A_1923 : i32 to index
        %get3A_1925 = arith.constant 0 : index
        %get3A_1926 = tpu.vector_load %arg8[%get3A_1924, %get3A_1925] {strides = array<i32>} : memref<832x128xf32, #tpu.memory_space<vmem>>, vector<1x16xf32>,
        %get3A_1927 = vector.shape_cast %get3A_1926 : vector<1x16xf32> to vector<16xf32>
        %add3A_1928 = arith.addf %add3A_1921, %get3A_1927 : vector<16xf32>
        %add3A_1929 = arith.constant 10 : i32
        %add3A_1930 = arith.addi %mul3A_1859, %add3A_1929 : i32
        %get3A_1931 = arith.index_cast %add3A_1930 : i32 to index
        %get3A_1932 = arith.constant 0 : index
        %get3A_1933 = tpu.vector_load %arg8[%get3A_1931, %get3A_1932] {strides = array<i32>} : memref<832x128xf32, #tpu.memory_space<vmem>>, vector<1x16xf32>,
        %get3A_1934 = vector.shape_cast %get3A_1933 : vector<1x16xf32> to vector<16xf32>
        %add3A_1935 = arith.addf %add3A_1928, %get3A_1934 : vector<16xf32>
        %add3A_1936 = arith.constant 11 : i32
        %add3A_1937 = arith.addi %mul3A_1859, %add3A_1936 : i32
        %get3A_1938 = arith.index_cast %add3A_1937 : i32 to index
        %get3A_1939 = arith.constant 0 : index
        %get3A_1940 = tpu.vector_load %arg8[%get3A_1938, %get3A_1939] {strides = array<i32>} : memref<832x128xf32, #tpu.memory_space<vmem>>, vector<1x16xf32>,
        %get3A_1941 = vector.shape_cast %get3A_1940 : vector<1x16xf32> to vector<16xf32>
        %add3A_1942 = arith.addf %add3A_1935, %get3A_1941 : vector<16xf32>
        %add3A_1943 = arith.constant 12 : i32
        %add3A_1944 = arith.addi %mul3A_1859, %add3A_1943 : i32
        %get3A_1945 = arith.index_cast %add3A_1944 : i32 to index
        %get3A_1946 = arith.constant 0 : index
        %get3A_1947 = tpu.vector_load %arg8[%get3A_1945, %get3A_1946] {strides = array<i32>} : memref<832x128xf32, #tpu.memory_space<vmem>>, vector<1x16xf32>,
        %get3A_1948 = vector.shape_cast %get3A_1947 : vector<1x16xf32> to vector<16xf32>
        %add3A_1949 = arith.addf %add3A_1942, %get3A_1948 : vector<16xf32>
        %add3A_1950 = arith.constant 13 : i32
        %add3A_1951 = arith.addi %mul3A_1859, %add3A_1950 : i32
        %get3A_1952 = arith.index_cast %add3A_1951 : i32 to index
        %get3A_1953 = arith.constant 64 : index
        %get3A_1954 = tpu.vector_load %arg8[%get3A_1952, %get3A_1953] {strides = array<i32>} : memref<832x128xf32, #tpu.memory_space<vmem>>, vector<1x16xf32>,
        %get3A_1955 = vector.shape_cast %get3A_1954 : vector<1x16xf32> to vector<16xf32>
        %add3A_1956 = arith.addf %add3A_1949, %get3A_1955 : vector<16xf32>
        %add3A_1957 = arith.constant 14 : i32
        %add3A_1958 = arith.addi %mul3A_1859, %add3A_1957 : i32
        %get3A_1959 = arith.index_cast %add3A_1958 : i32 to index
        %get3A_1960 = arith.constant 64 : index
        %get3A_1961 = tpu.vector_load %arg8[%get3A_1959, %get3A_1960] {strides = array<i32>} : memref<832x128xf32, #tpu.memory_space<vmem>>, vector<1x16xf32>,
        %get3A_1962 = vector.shape_cast %get3A_1961 : vector<1x16xf32> to vector<16xf32>
        %add3A_1963 = arith.addf %add3A_1956, %get3A_1962 : vector<16xf32>
        %add3A_1964 = arith.constant 15 : i32
        %add3A_1965 = arith.addi %mul3A_1859, %add3A_1964 : i32
        %get3A_1966 = arith.index_cast %add3A_1965 : i32 to index
        %get3A_1967 = arith.constant 64 : index
        %get3A_1968 = tpu.vector_load %arg8[%get3A_1966, %get3A_1967] {strides = array<i32>} : memref<832x128xf32, #tpu.memory_space<vmem>>, vector<1x16xf32>,
        %get3A_1969 = vector.shape_cast %get3A_1968 : vector<1x16xf32> to vector<16xf32>
        %add3A_1970 = arith.addf %add3A_1963, %get3A_1969 : vector<16xf32>
        %add3A_1971 = arith.constant 16 : i32
        %add3A_1972 = arith.addi %mul3A_1859, %add3A_1971 : i32
        %get3A_1973 = arith.index_cast %add3A_1972 : i32 to index
        %get3A_1974 = arith.constant 64 : index
        %get3A_1975 = tpu.vector_load %arg8[%get3A_1973, %get3A_1974] {strides = array<i32>} : memref<832x128xf32, #tpu.memory_space<vmem>>, vector<1x16xf32>,
        %get3A_1976 = vector.shape_cast %get3A_1975 : vector<1x16xf32> to vector<16xf32>
        %add3A_1977 = arith.addf %add3A_1970, %get3A_1976 : vector<16xf32>
        %add3A_1978 = arith.constant 17 : i32
        %add3A_1979 = arith.addi %mul3A_1859, %add3A_1978 : i32
        %get3A_1980 = arith.index_cast %add3A_1979 : i32 to index
        %get3A_1981 = arith.constant 64 : index
        %get3A_1982 = tpu.vector_load %arg8[%get3A_1980, %get3A_1981] {strides = array<i32>} : memref<832x128xf32, #tpu.memory_space<vmem>>, vector<1x16xf32>,
        %get3A_1983 = vector.shape_cast %get3A_1982 : vector<1x16xf32> to vector<16xf32>
        %add3A_1984 = arith.addf %add3A_1977, %get3A_1983 : vector<16xf32>
        %add3A_1985 = arith.constant 18 : i32
        %add3A_1986 = arith.addi %mul3A_1859, %add3A_1985 : i32
        %get3A_1987 = arith.index_cast %add3A_1986 : i32 to index
        %get3A_1988 = arith.constant 64 : index
        %get3A_1989 = tpu.vector_load %arg8[%get3A_1987, %get3A_1988] {strides = array<i32>} : memref<832x128xf32, #tpu.memory_space<vmem>>, vector<1x16xf32>,
        %get3A_1990 = vector.shape_cast %get3A_1989 : vector<1x16xf32> to vector<16xf32>
        %add3A_1991 = arith.addf %add3A_1984, %get3A_1990 : vector<16xf32>
        %add3A_1992 = arith.constant 19 : i32
        %add3A_1993 = arith.addi %mul3A_1859, %add3A_1992 : i32
        %get3A_1994 = arith.index_cast %add3A_1993 : i32 to index
        %get3A_1995 = arith.constant 64 : index
        %get3A_1996 = tpu.vector_load %arg8[%get3A_1994, %get3A_1995] {strides = array<i32>} : memref<832x128xf32, #tpu.memory_space<vmem>>, vector<1x16xf32>,
        %get3A_1997 = vector.shape_cast %get3A_1996 : vector<1x16xf32> to vector<16xf32>
        %add3A_1998 = arith.addf %add3A_1991, %get3A_1997 : vector<16xf32>
        %add3A_1999 = arith.constant 20 : i32
        %add3A_2000 = arith.addi %mul3A_1859, %add3A_1999 : i32
        %get3A_2001 = arith.index_cast %add3A_2000 : i32 to index
        %get3A_2002 = arith.constant 64 : index
        %get3A_2003 = tpu.vector_load %arg8[%get3A_2001, %get3A_2002] {strides = array<i32>} : memref<832x128xf32, #tpu.memory_space<vmem>>, vector<1x16xf32>,
        %get3A_2004 = vector.shape_cast %get3A_2003 : vector<1x16xf32> to vector<16xf32>
        %add3A_2005 = arith.addf %add3A_1998, %get3A_2004 : vector<16xf32>
        %add3A_2006 = arith.constant 21 : i32
        %add3A_2007 = arith.addi %mul3A_1859, %add3A_2006 : i32
        %get3A_2008 = arith.index_cast %add3A_2007 : i32 to index
        %get3A_2009 = arith.constant 64 : index
        %get3A_2010 = tpu.vector_load %arg8[%get3A_2008, %get3A_2009] {strides = array<i32>} : memref<832x128xf32, #tpu.memory_space<vmem>>, vector<1x16xf32>,
        %get3A_2011 = vector.shape_cast %get3A_2010 : vector<1x16xf32> to vector<16xf32>
        %add3A_2012 = arith.addf %add3A_2005, %get3A_2011 : vector<16xf32>
        %add3A_2013 = arith.constant 22 : i32
        %add3A_2014 = arith.addi %mul3A_1859, %add3A_2013 : i32
        %get3A_2015 = arith.index_cast %add3A_2014 : i32 to index
        %get3A_2016 = arith.constant 64 : index
        %get3A_2017 = tpu.vector_load %arg8[%get3A_2015, %get3A_2016] {strides = array<i32>} : memref<832x128xf32, #tpu.memory_space<vmem>>, vector<1x16xf32>,
        %get3A_2018 = vector.shape_cast %get3A_2017 : vector<1x16xf32> to vector<16xf32>
        %add3A_2019 = arith.addf %add3A_2012, %get3A_2018 : vector<16xf32>
        %add3A_2020 = arith.constant 23 : i32
        %add3A_2021 = arith.addi %mul3A_1859, %add3A_2020 : i32
        %get3A_2022 = arith.index_cast %add3A_2021 : i32 to index
        %get3A_2023 = arith.constant 64 : index
        %get3A_2024 = tpu.vector_load %arg8[%get3A_2022, %get3A_2023] {strides = array<i32>} : memref<832x128xf32, #tpu.memory_space<vmem>>, vector<1x16xf32>,
        %get3A_2025 = vector.shape_cast %get3A_2024 : vector<1x16xf32> to vector<16xf32>
        %add3A_2026 = arith.addf %add3A_2019, %get3A_2025 : vector<16xf32>
        %add3A_2027 = arith.constant 24 : i32
        %add3A_2028 = arith.addi %mul3A_1859, %add3A_2027 : i32
        %get3A_2029 = arith.index_cast %add3A_2028 : i32 to index
        %get3A_2030 = arith.constant 64 : index
        %get3A_2031 = tpu.vector_load %arg8[%get3A_2029, %get3A_2030] {strides = array<i32>} : memref<832x128xf32, #tpu.memory_space<vmem>>, vector<1x16xf32>,
        %get3A_2032 = vector.shape_cast %get3A_2031 : vector<1x16xf32> to vector<16xf32>
        %add3A_2033 = arith.addf %add3A_2026, %get3A_2032 : vector<16xf32>
        %add3A_2034 = arith.constant 25 : i32
        %add3A_2035 = arith.addi %mul3A_1859, %add3A_2034 : i32
        %get3A_2036 = arith.index_cast %add3A_2035 : i32 to index
        %get3A_2037 = arith.constant 64 : index
        %get3A_2038 = tpu.vector_load %arg8[%get3A_2036, %get3A_2037] {strides = array<i32>} : memref<832x128xf32, #tpu.memory_space<vmem>>, vector<1x16xf32>,
        %get3A_2039 = vector.shape_cast %get3A_2038 : vector<1x16xf32> to vector<16xf32>
        %add3A_2040 = arith.addf %add3A_2033, %get3A_2039 : vector<16xf32>
        %swap3A_2041 = arith.index_cast %scan3A_1857 : i32 to index
        %swap3A_2042 = arith.constant 0 : index
        %swap3A_2043 = tpu.vector_load %arg9[%swap3A_2041, %swap3A_2042] {strides = array<i32>} : memref<32x64xf32, #tpu.memory_space<vmem>>, vector<1x16xf32>,
        %swap3A_2044 = vector.shape_cast %swap3A_2043 : vector<1x16xf32> to vector<16xf32>
        %swap3A_2045 = vector.shape_cast %add3A_2040 : vector<16xf32> to vector<1x16xf32>
        tpu.vector_store %arg9[%swap3A_2041, %swap3A_2042], %swap3A_2045 {strides = array<i32>} : memref<32x64xf32, #tpu.memory_space<vmem>>, vector<1x16xf32>,
        %add3A_2046 = arith.constant 0 : i32
        %add3A_2047 = arith.addi %mul3A_1859, %add3A_2046 : i32
        %get3A_2048 = arith.index_cast %add3A_2047 : i32 to index
        %get3A_2049 = arith.constant 16 : index
        %get3A_2050 = tpu.vector_load %arg8[%get3A_2048, %get3A_2049] {strides = array<i32>} : memref<832x128xf32, #tpu.memory_space<vmem>>, vector<1x16xf32>,
        %get3A_2051 = vector.shape_cast %get3A_2050 : vector<1x16xf32> to vector<16xf32>
        %add3A_2052 = arith.constant 1 : i32
        %add3A_2053 = arith.addi %mul3A_1859, %add3A_2052 : i32
        %get3A_2054 = arith.index_cast %add3A_2053 : i32 to index
        %get3A_2055 = arith.constant 16 : index
        %get3A_2056 = tpu.vector_load %arg8[%get3A_2054, %get3A_2055] {strides = array<i32>} : memref<832x128xf32, #tpu.memory_space<vmem>>, vector<1x16xf32>,
        %get3A_2057 = vector.shape_cast %get3A_2056 : vector<1x16xf32> to vector<16xf32>
        %add3A_2058 = arith.addf %get3A_2051, %get3A_2057 : vector<16xf32>
        %add3A_2059 = arith.constant 2 : i32
        %add3A_2060 = arith.addi %mul3A_1859, %add3A_2059 : i32
        %get3A_2061 = arith.index_cast %add3A_2060 : i32 to index
        %get3A_2062 = arith.constant 16 : index
        %get3A_2063 = tpu.vector_load %arg8[%get3A_2061, %get3A_2062] {strides = array<i32>} : memref<832x128xf32, #tpu.memory_space<vmem>>, vector<1x16xf32>,
        %get3A_2064 = vector.shape_cast %get3A_2063 : vector<1x16xf32> to vector<16xf32>
        %add3A_2065 = arith.addf %add3A_2058, %get3A_2064 : vector<16xf32>
        %add3A_2066 = arith.constant 3 : i32
        %add3A_2067 = arith.addi %mul3A_1859, %add3A_2066 : i32
        %get3A_2068 = arith.index_cast %add3A_2067 : i32 to index
        %get3A_2069 = arith.constant 16 : index
        %get3A_2070 = tpu.vector_load %arg8[%get3A_2068, %get3A_2069] {strides = array<i32>} : memref<832x128xf32, #tpu.memory_space<vmem>>, vector<1x16xf32>,
        %get3A_2071 = vector.shape_cast %get3A_2070 : vector<1x16xf32> to vector<16xf32>
        %add3A_2072 = arith.addf %add3A_2065, %get3A_2071 : vector<16xf32>
        %add3A_2073 = arith.constant 4 : i32
        %add3A_2074 = arith.addi %mul3A_1859, %add3A_2073 : i32
        %get3A_2075 = arith.index_cast %add3A_2074 : i32 to index
        %get3A_2076 = arith.constant 16 : index
        %get3A_2077 = tpu.vector_load %arg8[%get3A_2075, %get3A_2076] {strides = array<i32>} : memref<832x128xf32, #tpu.memory_space<vmem>>, vector<1x16xf32>,
        %get3A_2078 = vector.shape_cast %get3A_2077 : vector<1x16xf32> to vector<16xf32>
        %add3A_2079 = arith.addf %add3A_2072, %get3A_2078 : vector<16xf32>
        %add3A_2080 = arith.constant 5 : i32
        %add3A_2081 = arith.addi %mul3A_1859, %add3A_2080 : i32
        %get3A_2082 = arith.index_cast %add3A_2081 : i32 to index
        %get3A_2083 = arith.constant 16 : index
        %get3A_2084 = tpu.vector_load %arg8[%get3A_2082, %get3A_2083] {strides = array<i32>} : memref<832x128xf32, #tpu.memory_space<vmem>>, vector<1x16xf32>,
        %get3A_2085 = vector.shape_cast %get3A_2084 : vector<1x16xf32> to vector<16xf32>
        %add3A_2086 = arith.addf %add3A_2079, %get3A_2085 : vector<16xf32>
        %add3A_2087 = arith.constant 6 : i32
        %add3A_2088 = arith.addi %mul3A_1859, %add3A_2087 : i32
        %get3A_2089 = arith.index_cast %add3A_2088 : i32 to index
        %get3A_2090 = arith.constant 16 : index
        %get3A_2091 = tpu.vector_load %arg8[%get3A_2089, %get3A_2090] {strides = array<i32>} : memref<832x128xf32, #tpu.memory_space<vmem>>, vector<1x16xf32>,
        %get3A_2092 = vector.shape_cast %get3A_2091 : vector<1x16xf32> to vector<16xf32>
        %add3A_2093 = arith.addf %add3A_2086, %get3A_2092 : vector<16xf32>
        %add3A_2094 = arith.constant 7 : i32
        %add3A_2095 = arith.addi %mul3A_1859, %add3A_2094 : i32
        %get3A_2096 = arith.index_cast %add3A_2095 : i32 to index
        %get3A_2097 = arith.constant 16 : index
        %get3A_2098 = tpu.vector_load %arg8[%get3A_2096, %get3A_2097] {strides = array<i32>} : memref<832x128xf32, #tpu.memory_space<vmem>>, vector<1x16xf32>,
        %get3A_2099 = vector.shape_cast %get3A_2098 : vector<1x16xf32> to vector<16xf32>
        %add3A_2100 = arith.addf %add3A_2093, %get3A_2099 : vector<16xf32>
        %add3A_2101 = arith.constant 8 : i32
        %add3A_2102 = arith.addi %mul3A_1859, %add3A_2101 : i32
        %get3A_2103 = arith.index_cast %add3A_2102 : i32 to index
        %get3A_2104 = arith.constant 16 : index
        %get3A_2105 = tpu.vector_load %arg8[%get3A_2103, %get3A_2104] {strides = array<i32>} : memref<832x128xf32, #tpu.memory_space<vmem>>, vector<1x16xf32>,
        %get3A_2106 = vector.shape_cast %get3A_2105 : vector<1x16xf32> to vector<16xf32>
        %add3A_2107 = arith.addf %add3A_2100, %get3A_2106 : vector<16xf32>
        %add3A_2108 = arith.constant 9 : i32
        %add3A_2109 = arith.addi %mul3A_1859, %add3A_2108 : i32
        %get3A_2110 = arith.index_cast %add3A_2109 : i32 to index
        %get3A_2111 = arith.constant 16 : index
        %get3A_2112 = tpu.vector_load %arg8[%get3A_2110, %get3A_2111] {strides = array<i32>} : memref<832x128xf32, #tpu.memory_space<vmem>>, vector<1x16xf32>,
        %get3A_2113 = vector.shape_cast %get3A_2112 : vector<1x16xf32> to vector<16xf32>
        %add3A_2114 = arith.addf %add3A_2107, %get3A_2113 : vector<16xf32>
        %add3A_2115 = arith.constant 10 : i32
        %add3A_2116 = arith.addi %mul3A_1859, %add3A_2115 : i32
        %get3A_2117 = arith.index_cast %add3A_2116 : i32 to index
        %get3A_2118 = arith.constant 16 : index
        %get3A_2119 = tpu.vector_load %arg8[%get3A_2117, %get3A_2118] {strides = array<i32>} : memref<832x128xf32, #tpu.memory_space<vmem>>, vector<1x16xf32>,
        %get3A_2120 = vector.shape_cast %get3A_2119 : vector<1x16xf32> to vector<16xf32>
        %add3A_2121 = arith.addf %add3A_2114, %get3A_2120 : vector<16xf32>
        %add3A_2122 = arith.constant 11 : i32
        %add3A_2123 = arith.addi %mul3A_1859, %add3A_2122 : i32
        %get3A_2124 = arith.index_cast %add3A_2123 : i32 to index
        %get3A_2125 = arith.constant 16 : index
        %get3A_2126 = tpu.vector_load %arg8[%get3A_2124, %get3A_2125] {strides = array<i32>} : memref<832x128xf32, #tpu.memory_space<vmem>>, vector<1x16xf32>,
        %get3A_2127 = vector.shape_cast %get3A_2126 : vector<1x16xf32> to vector<16xf32>
        %add3A_2128 = arith.addf %add3A_2121, %get3A_2127 : vector<16xf32>
        %add3A_2129 = arith.constant 12 : i32
        %add3A_2130 = arith.addi %mul3A_1859, %add3A_2129 : i32
        %get3A_2131 = arith.index_cast %add3A_2130 : i32 to index
        %get3A_2132 = arith.constant 16 : index
        %get3A_2133 = tpu.vector_load %arg8[%get3A_2131, %get3A_2132] {strides = array<i32>} : memref<832x128xf32, #tpu.memory_space<vmem>>, vector<1x16xf32>,
        %get3A_2134 = vector.shape_cast %get3A_2133 : vector<1x16xf32> to vector<16xf32>
        %add3A_2135 = arith.addf %add3A_2128, %get3A_2134 : vector<16xf32>
        %add3A_2136 = arith.constant 13 : i32
        %add3A_2137 = arith.addi %mul3A_1859, %add3A_2136 : i32
        %get3A_2138 = arith.index_cast %add3A_2137 : i32 to index
        %get3A_2139 = arith.constant 80 : index
        %get3A_2140 = tpu.vector_load %arg8[%get3A_2138, %get3A_2139] {strides = array<i32>} : memref<832x128xf32, #tpu.memory_space<vmem>>, vector<1x16xf32>,
        %get3A_2141 = vector.shape_cast %get3A_2140 : vector<1x16xf32> to vector<16xf32>
        %add3A_2142 = arith.addf %add3A_2135, %get3A_2141 : vector<16xf32>
        %add3A_2143 = arith.constant 14 : i32
        %add3A_2144 = arith.addi %mul3A_1859, %add3A_2143 : i32
        %get3A_2145 = arith.index_cast %add3A_2144 : i32 to index
        %get3A_2146 = arith.constant 80 : index
        %get3A_2147 = tpu.vector_load %arg8[%get3A_2145, %get3A_2146] {strides = array<i32>} : memref<832x128xf32, #tpu.memory_space<vmem>>, vector<1x16xf32>,
        %get3A_2148 = vector.shape_cast %get3A_2147 : vector<1x16xf32> to vector<16xf32>
        %add3A_2149 = arith.addf %add3A_2142, %get3A_2148 : vector<16xf32>
        %add3A_2150 = arith.constant 15 : i32
        %add3A_2151 = arith.addi %mul3A_1859, %add3A_2150 : i32
        %get3A_2152 = arith.index_cast %add3A_2151 : i32 to index
        %get3A_2153 = arith.constant 80 : index
        %get3A_2154 = tpu.vector_load %arg8[%get3A_2152, %get3A_2153] {strides = array<i32>} : memref<832x128xf32, #tpu.memory_space<vmem>>, vector<1x16xf32>,
        %get3A_2155 = vector.shape_cast %get3A_2154 : vector<1x16xf32> to vector<16xf32>
        %add3A_2156 = arith.addf %add3A_2149, %get3A_2155 : vector<16xf32>
        %add3A_2157 = arith.constant 16 : i32
        %add3A_2158 = arith.addi %mul3A_1859, %add3A_2157 : i32
        %get3A_2159 = arith.index_cast %add3A_2158 : i32 to index
        %get3A_2160 = arith.constant 80 : index
        %get3A_2161 = tpu.vector_load %arg8[%get3A_2159, %get3A_2160] {strides = array<i32>} : memref<832x128xf32, #tpu.memory_space<vmem>>, vector<1x16xf32>,
        %get3A_2162 = vector.shape_cast %get3A_2161 : vector<1x16xf32> to vector<16xf32>
        %add3A_2163 = arith.addf %add3A_2156, %get3A_2162 : vector<16xf32>
        %add3A_2164 = arith.constant 17 : i32
        %add3A_2165 = arith.addi %mul3A_1859, %add3A_2164 : i32
        %get3A_2166 = arith.index_cast %add3A_2165 : i32 to index
        %get3A_2167 = arith.constant 80 : index
        %get3A_2168 = tpu.vector_load %arg8[%get3A_2166, %get3A_2167] {strides = array<i32>} : memref<832x128xf32, #tpu.memory_space<vmem>>, vector<1x16xf32>,
        %get3A_2169 = vector.shape_cast %get3A_2168 : vector<1x16xf32> to vector<16xf32>
        %add3A_2170 = arith.addf %add3A_2163, %get3A_2169 : vector<16xf32>
        %add3A_2171 = arith.constant 18 : i32
        %add3A_2172 = arith.addi %mul3A_1859, %add3A_2171 : i32
        %get3A_2173 = arith.index_cast %add3A_2172 : i32 to index
        %get3A_2174 = arith.constant 80 : index
        %get3A_2175 = tpu.vector_load %arg8[%get3A_2173, %get3A_2174] {strides = array<i32>} : memref<832x128xf32, #tpu.memory_space<vmem>>, vector<1x16xf32>,
        %get3A_2176 = vector.shape_cast %get3A_2175 : vector<1x16xf32> to vector<16xf32>
        %add3A_2177 = arith.addf %add3A_2170, %get3A_2176 : vector<16xf32>
        %add3A_2178 = arith.constant 19 : i32
        %add3A_2179 = arith.addi %mul3A_1859, %add3A_2178 : i32
        %get3A_2180 = arith.index_cast %add3A_2179 : i32 to index
        %get3A_2181 = arith.constant 80 : index
        %get3A_2182 = tpu.vector_load %arg8[%get3A_2180, %get3A_2181] {strides = array<i32>} : memref<832x128xf32, #tpu.memory_space<vmem>>, vector<1x16xf32>,
        %get3A_2183 = vector.shape_cast %get3A_2182 : vector<1x16xf32> to vector<16xf32>
        %add3A_2184 = arith.addf %add3A_2177, %get3A_2183 : vector<16xf32>
        %add3A_2185 = arith.constant 20 : i32
        %add3A_2186 = arith.addi %mul3A_1859, %add3A_2185 : i32
        %get3A_2187 = arith.index_cast %add3A_2186 : i32 to index
        %get3A_2188 = arith.constant 80 : index
        %get3A_2189 = tpu.vector_load %arg8[%get3A_2187, %get3A_2188] {strides = array<i32>} : memref<832x128xf32, #tpu.memory_space<vmem>>, vector<1x16xf32>,
        %get3A_2190 = vector.shape_cast %get3A_2189 : vector<1x16xf32> to vector<16xf32>
        %add3A_2191 = arith.addf %add3A_2184, %get3A_2190 : vector<16xf32>
        %add3A_2192 = arith.constant 21 : i32
        %add3A_2193 = arith.addi %mul3A_1859, %add3A_2192 : i32
        %get3A_2194 = arith.index_cast %add3A_2193 : i32 to index
        %get3A_2195 = arith.constant 80 : index
        %get3A_2196 = tpu.vector_load %arg8[%get3A_2194, %get3A_2195] {strides = array<i32>} : memref<832x128xf32, #tpu.memory_space<vmem>>, vector<1x16xf32>,
        %get3A_2197 = vector.shape_cast %get3A_2196 : vector<1x16xf32> to vector<16xf32>
        %add3A_2198 = arith.addf %add3A_2191, %get3A_2197 : vector<16xf32>
        %add3A_2199 = arith.constant 22 : i32
        %add3A_2200 = arith.addi %mul3A_1859, %add3A_2199 : i32
        %get3A_2201 = arith.index_cast %add3A_2200 : i32 to index
        %get3A_2202 = arith.constant 80 : index
        %get3A_2203 = tpu.vector_load %arg8[%get3A_2201, %get3A_2202] {strides = array<i32>} : memref<832x128xf32, #tpu.memory_space<vmem>>, vector<1x16xf32>,
        %get3A_2204 = vector.shape_cast %get3A_2203 : vector<1x16xf32> to vector<16xf32>
        %add3A_2205 = arith.addf %add3A_2198, %get3A_2204 : vector<16xf32>
        %add3A_2206 = arith.constant 23 : i32
        %add3A_2207 = arith.addi %mul3A_1859, %add3A_2206 : i32
        %get3A_2208 = arith.index_cast %add3A_2207 : i32 to index
        %get3A_2209 = arith.constant 80 : index
        %get3A_2210 = tpu.vector_load %arg8[%get3A_2208, %get3A_2209] {strides = array<i32>} : memref<832x128xf32, #tpu.memory_space<vmem>>, vector<1x16xf32>,
        %get3A_2211 = vector.shape_cast %get3A_2210 : vector<1x16xf32> to vector<16xf32>
        %add3A_2212 = arith.addf %add3A_2205, %get3A_2211 : vector<16xf32>
        %add3A_2213 = arith.constant 24 : i32
        %add3A_2214 = arith.addi %mul3A_1859, %add3A_2213 : i32
        %get3A_2215 = arith.index_cast %add3A_2214 : i32 to index
        %get3A_2216 = arith.constant 80 : index
        %get3A_2217 = tpu.vector_load %arg8[%get3A_2215, %get3A_2216] {strides = array<i32>} : memref<832x128xf32, #tpu.memory_space<vmem>>, vector<1x16xf32>,
        %get3A_2218 = vector.shape_cast %get3A_2217 : vector<1x16xf32> to vector<16xf32>
        %add3A_2219 = arith.addf %add3A_2212, %get3A_2218 : vector<16xf32>
        %add3A_2220 = arith.constant 25 : i32
        %add3A_2221 = arith.addi %mul3A_1859, %add3A_2220 : i32
        %get3A_2222 = arith.index_cast %add3A_2221 : i32 to index
        %get3A_2223 = arith.constant 80 : index
        %get3A_2224 = tpu.vector_load %arg8[%get3A_2222, %get3A_2223] {strides = array<i32>} : memref<832x128xf32, #tpu.memory_space<vmem>>, vector<1x16xf32>,
        %get3A_2225 = vector.shape_cast %get3A_2224 : vector<1x16xf32> to vector<16xf32>
        %add3A_2226 = arith.addf %add3A_2219, %get3A_2225 : vector<16xf32>
        %swap3A_2227 = arith.index_cast %scan3A_1857 : i32 to index
        %swap3A_2228 = arith.constant 16 : index
        %swap3A_2229 = tpu.vector_load %arg9[%swap3A_2227, %swap3A_2228] {strides = array<i32>} : memref<32x64xf32, #tpu.memory_space<vmem>>, vector<1x16xf32>,
        %swap3A_2230 = vector.shape_cast %swap3A_2229 : vector<1x16xf32> to vector<16xf32>
        %swap3A_2231 = vector.shape_cast %add3A_2226 : vector<16xf32> to vector<1x16xf32>
        tpu.vector_store %arg9[%swap3A_2227, %swap3A_2228], %swap3A_2231 {strides = array<i32>} : memref<32x64xf32, #tpu.memory_space<vmem>>, vector<1x16xf32>,
        %add3A_2232 = arith.constant 0 : i32
        %add3A_2233 = arith.addi %mul3A_1859, %add3A_2232 : i32
        %get3A_2234 = arith.index_cast %add3A_2233 : i32 to index
        %get3A_2235 = arith.constant 32 : index
        %get3A_2236 = tpu.vector_load %arg8[%get3A_2234, %get3A_2235] {strides = array<i32>} : memref<832x128xf32, #tpu.memory_space<vmem>>, vector<1x16xf32>,
        %get3A_2237 = vector.shape_cast %get3A_2236 : vector<1x16xf32> to vector<16xf32>
        %add3A_2238 = arith.constant 1 : i32
        %add3A_2239 = arith.addi %mul3A_1859, %add3A_2238 : i32
        %get3A_2240 = arith.index_cast %add3A_2239 : i32 to index
        %get3A_2241 = arith.constant 32 : index
        %get3A_2242 = tpu.vector_load %arg8[%get3A_2240, %get3A_2241] {strides = array<i32>} : memref<832x128xf32, #tpu.memory_space<vmem>>, vector<1x16xf32>,
        %get3A_2243 = vector.shape_cast %get3A_2242 : vector<1x16xf32> to vector<16xf32>
        %add3A_2244 = arith.addf %get3A_2237, %get3A_2243 : vector<16xf32>
        %add3A_2245 = arith.constant 2 : i32
        %add3A_2246 = arith.addi %mul3A_1859, %add3A_2245 : i32
        %get3A_2247 = arith.index_cast %add3A_2246 : i32 to index
        %get3A_2248 = arith.constant 32 : index
        %get3A_2249 = tpu.vector_load %arg8[%get3A_2247, %get3A_2248] {strides = array<i32>} : memref<832x128xf32, #tpu.memory_space<vmem>>, vector<1x16xf32>,
        %get3A_2250 = vector.shape_cast %get3A_2249 : vector<1x16xf32> to vector<16xf32>
        %add3A_2251 = arith.addf %add3A_2244, %get3A_2250 : vector<16xf32>
        %add3A_2252 = arith.constant 3 : i32
        %add3A_2253 = arith.addi %mul3A_1859, %add3A_2252 : i32
        %get3A_2254 = arith.index_cast %add3A_2253 : i32 to index
        %get3A_2255 = arith.constant 32 : index
        %get3A_2256 = tpu.vector_load %arg8[%get3A_2254, %get3A_2255] {strides = array<i32>} : memref<832x128xf32, #tpu.memory_space<vmem>>, vector<1x16xf32>,
        %get3A_2257 = vector.shape_cast %get3A_2256 : vector<1x16xf32> to vector<16xf32>
        %add3A_2258 = arith.addf %add3A_2251, %get3A_2257 : vector<16xf32>
        %add3A_2259 = arith.constant 4 : i32
        %add3A_2260 = arith.addi %mul3A_1859, %add3A_2259 : i32
        %get3A_2261 = arith.index_cast %add3A_2260 : i32 to index
        %get3A_2262 = arith.constant 32 : index
        %get3A_2263 = tpu.vector_load %arg8[%get3A_2261, %get3A_2262] {strides = array<i32>} : memref<832x128xf32, #tpu.memory_space<vmem>>, vector<1x16xf32>,
        %get3A_2264 = vector.shape_cast %get3A_2263 : vector<1x16xf32> to vector<16xf32>
        %add3A_2265 = arith.addf %add3A_2258, %get3A_2264 : vector<16xf32>
        %add3A_2266 = arith.constant 5 : i32
        %add3A_2267 = arith.addi %mul3A_1859, %add3A_2266 : i32
        %get3A_2268 = arith.index_cast %add3A_2267 : i32 to index
        %get3A_2269 = arith.constant 32 : index
        %get3A_2270 = tpu.vector_load %arg8[%get3A_2268, %get3A_2269] {strides = array<i32>} : memref<832x128xf32, #tpu.memory_space<vmem>>, vector<1x16xf32>,
        %get3A_2271 = vector.shape_cast %get3A_2270 : vector<1x16xf32> to vector<16xf32>
        %add3A_2272 = arith.addf %add3A_2265, %get3A_2271 : vector<16xf32>
        %add3A_2273 = arith.constant 6 : i32
        %add3A_2274 = arith.addi %mul3A_1859, %add3A_2273 : i32
        %get3A_2275 = arith.index_cast %add3A_2274 : i32 to index
        %get3A_2276 = arith.constant 32 : index
        %get3A_2277 = tpu.vector_load %arg8[%get3A_2275, %get3A_2276] {strides = array<i32>} : memref<832x128xf32, #tpu.memory_space<vmem>>, vector<1x16xf32>,
        %get3A_2278 = vector.shape_cast %get3A_2277 : vector<1x16xf32> to vector<16xf32>
        %add3A_2279 = arith.addf %add3A_2272, %get3A_2278 : vector<16xf32>
        %add3A_2280 = arith.constant 7 : i32
        %add3A_2281 = arith.addi %mul3A_1859, %add3A_2280 : i32
        %get3A_2282 = arith.index_cast %add3A_2281 : i32 to index
        %get3A_2283 = arith.constant 32 : index
        %get3A_2284 = tpu.vector_load %arg8[%get3A_2282, %get3A_2283] {strides = array<i32>} : memref<832x128xf32, #tpu.memory_space<vmem>>, vector<1x16xf32>,
        %get3A_2285 = vector.shape_cast %get3A_2284 : vector<1x16xf32> to vector<16xf32>
        %add3A_2286 = arith.addf %add3A_2279, %get3A_2285 : vector<16xf32>
        %add3A_2287 = arith.constant 8 : i32
        %add3A_2288 = arith.addi %mul3A_1859, %add3A_2287 : i32
        %get3A_2289 = arith.index_cast %add3A_2288 : i32 to index
        %get3A_2290 = arith.constant 32 : index
        %get3A_2291 = tpu.vector_load %arg8[%get3A_2289, %get3A_2290] {strides = array<i32>} : memref<832x128xf32, #tpu.memory_space<vmem>>, vector<1x16xf32>,
        %get3A_2292 = vector.shape_cast %get3A_2291 : vector<1x16xf32> to vector<16xf32>
        %add3A_2293 = arith.addf %add3A_2286, %get3A_2292 : vector<16xf32>
        %add3A_2294 = arith.constant 9 : i32
        %add3A_2295 = arith.addi %mul3A_1859, %add3A_2294 : i32
        %get3A_2296 = arith.index_cast %add3A_2295 : i32 to index
        %get3A_2297 = arith.constant 32 : index
        %get3A_2298 = tpu.vector_load %arg8[%get3A_2296, %get3A_2297] {strides = array<i32>} : memref<832x128xf32, #tpu.memory_space<vmem>>, vector<1x16xf32>,
        %get3A_2299 = vector.shape_cast %get3A_2298 : vector<1x16xf32> to vector<16xf32>
        %add3A_2300 = arith.addf %add3A_2293, %get3A_2299 : vector<16xf32>
        %add3A_2301 = arith.constant 10 : i32
        %add3A_2302 = arith.addi %mul3A_1859, %add3A_2301 : i32
        %get3A_2303 = arith.index_cast %add3A_2302 : i32 to index
        %get3A_2304 = arith.constant 32 : index
        %get3A_2305 = tpu.vector_load %arg8[%get3A_2303, %get3A_2304] {strides = array<i32>} : memref<832x128xf32, #tpu.memory_space<vmem>>, vector<1x16xf32>,
        %get3A_2306 = vector.shape_cast %get3A_2305 : vector<1x16xf32> to vector<16xf32>
        %add3A_2307 = arith.addf %add3A_2300, %get3A_2306 : vector<16xf32>
        %add3A_2308 = arith.constant 11 : i32
        %add3A_2309 = arith.addi %mul3A_1859, %add3A_2308 : i32
        %get3A_2310 = arith.index_cast %add3A_2309 : i32 to index
        %get3A_2311 = arith.constant 32 : index
        %get3A_2312 = tpu.vector_load %arg8[%get3A_2310, %get3A_2311] {strides = array<i32>} : memref<832x128xf32, #tpu.memory_space<vmem>>, vector<1x16xf32>,
        %get3A_2313 = vector.shape_cast %get3A_2312 : vector<1x16xf32> to vector<16xf32>
        %add3A_2314 = arith.addf %add3A_2307, %get3A_2313 : vector<16xf32>
        %add3A_2315 = arith.constant 12 : i32
        %add3A_2316 = arith.addi %mul3A_1859, %add3A_2315 : i32
        %get3A_2317 = arith.index_cast %add3A_2316 : i32 to index
        %get3A_2318 = arith.constant 32 : index
        %get3A_2319 = tpu.vector_load %arg8[%get3A_2317, %get3A_2318] {strides = array<i32>} : memref<832x128xf32, #tpu.memory_space<vmem>>, vector<1x16xf32>,
        %get3A_2320 = vector.shape_cast %get3A_2319 : vector<1x16xf32> to vector<16xf32>
        %add3A_2321 = arith.addf %add3A_2314, %get3A_2320 : vector<16xf32>
        %add3A_2322 = arith.constant 13 : i32
        %add3A_2323 = arith.addi %mul3A_1859, %add3A_2322 : i32
        %get3A_2324 = arith.index_cast %add3A_2323 : i32 to index
        %get3A_2325 = arith.constant 96 : index
        %get3A_2326 = tpu.vector_load %arg8[%get3A_2324, %get3A_2325] {strides = array<i32>} : memref<832x128xf32, #tpu.memory_space<vmem>>, vector<1x16xf32>,
        %get3A_2327 = vector.shape_cast %get3A_2326 : vector<1x16xf32> to vector<16xf32>
        %add3A_2328 = arith.addf %add3A_2321, %get3A_2327 : vector<16xf32>
        %add3A_2329 = arith.constant 14 : i32
        %add3A_2330 = arith.addi %mul3A_1859, %add3A_2329 : i32
        %get3A_2331 = arith.index_cast %add3A_2330 : i32 to index
        %get3A_2332 = arith.constant 96 : index
        %get3A_2333 = tpu.vector_load %arg8[%get3A_2331, %get3A_2332] {strides = array<i32>} : memref<832x128xf32, #tpu.memory_space<vmem>>, vector<1x16xf32>,
        %get3A_2334 = vector.shape_cast %get3A_2333 : vector<1x16xf32> to vector<16xf32>
        %add3A_2335 = arith.addf %add3A_2328, %get3A_2334 : vector<16xf32>
        %add3A_2336 = arith.constant 15 : i32
        %add3A_2337 = arith.addi %mul3A_1859, %add3A_2336 : i32
        %get3A_2338 = arith.index_cast %add3A_2337 : i32 to index
        %get3A_2339 = arith.constant 96 : index
        %get3A_2340 = tpu.vector_load %arg8[%get3A_2338, %get3A_2339] {strides = array<i32>} : memref<832x128xf32, #tpu.memory_space<vmem>>, vector<1x16xf32>,
        %get3A_2341 = vector.shape_cast %get3A_2340 : vector<1x16xf32> to vector<16xf32>
        %add3A_2342 = arith.addf %add3A_2335, %get3A_2341 : vector<16xf32>
        %add3A_2343 = arith.constant 16 : i32
        %add3A_2344 = arith.addi %mul3A_1859, %add3A_2343 : i32
        %get3A_2345 = arith.index_cast %add3A_2344 : i32 to index
        %get3A_2346 = arith.constant 96 : index
        %get3A_2347 = tpu.vector_load %arg8[%get3A_2345, %get3A_2346] {strides = array<i32>} : memref<832x128xf32, #tpu.memory_space<vmem>>, vector<1x16xf32>,
        %get3A_2348 = vector.shape_cast %get3A_2347 : vector<1x16xf32> to vector<16xf32>
        %add3A_2349 = arith.addf %add3A_2342, %get3A_2348 : vector<16xf32>
        %add3A_2350 = arith.constant 17 : i32
        %add3A_2351 = arith.addi %mul3A_1859, %add3A_2350 : i32
        %get3A_2352 = arith.index_cast %add3A_2351 : i32 to index
        %get3A_2353 = arith.constant 96 : index
        %get3A_2354 = tpu.vector_load %arg8[%get3A_2352, %get3A_2353] {strides = array<i32>} : memref<832x128xf32, #tpu.memory_space<vmem>>, vector<1x16xf32>,
        %get3A_2355 = vector.shape_cast %get3A_2354 : vector<1x16xf32> to vector<16xf32>
        %add3A_2356 = arith.addf %add3A_2349, %get3A_2355 : vector<16xf32>
        %add3A_2357 = arith.constant 18 : i32
        %add3A_2358 = arith.addi %mul3A_1859, %add3A_2357 : i32
        %get3A_2359 = arith.index_cast %add3A_2358 : i32 to index
        %get3A_2360 = arith.constant 96 : index
        %get3A_2361 = tpu.vector_load %arg8[%get3A_2359, %get3A_2360] {strides = array<i32>} : memref<832x128xf32, #tpu.memory_space<vmem>>, vector<1x16xf32>,
        %get3A_2362 = vector.shape_cast %get3A_2361 : vector<1x16xf32> to vector<16xf32>
        %add3A_2363 = arith.addf %add3A_2356, %get3A_2362 : vector<16xf32>
        %add3A_2364 = arith.constant 19 : i32
        %add3A_2365 = arith.addi %mul3A_1859, %add3A_2364 : i32
        %get3A_2366 = arith.index_cast %add3A_2365 : i32 to index
        %get3A_2367 = arith.constant 96 : index
        %get3A_2368 = tpu.vector_load %arg8[%get3A_2366, %get3A_2367] {strides = array<i32>} : memref<832x128xf32, #tpu.memory_space<vmem>>, vector<1x16xf32>,
        %get3A_2369 = vector.shape_cast %get3A_2368 : vector<1x16xf32> to vector<16xf32>
        %add3A_2370 = arith.addf %add3A_2363, %get3A_2369 : vector<16xf32>
        %add3A_2371 = arith.constant 20 : i32
        %add3A_2372 = arith.addi %mul3A_1859, %add3A_2371 : i32
        %get3A_2373 = arith.index_cast %add3A_2372 : i32 to index
        %get3A_2374 = arith.constant 96 : index
        %get3A_2375 = tpu.vector_load %arg8[%get3A_2373, %get3A_2374] {strides = array<i32>} : memref<832x128xf32, #tpu.memory_space<vmem>>, vector<1x16xf32>,
        %get3A_2376 = vector.shape_cast %get3A_2375 : vector<1x16xf32> to vector<16xf32>
        %add3A_2377 = arith.addf %add3A_2370, %get3A_2376 : vector<16xf32>
        %add3A_2378 = arith.constant 21 : i32
        %add3A_2379 = arith.addi %mul3A_1859, %add3A_2378 : i32
        %get3A_2380 = arith.index_cast %add3A_2379 : i32 to index
        %get3A_2381 = arith.constant 96 : index
        %get3A_2382 = tpu.vector_load %arg8[%get3A_2380, %get3A_2381] {strides = array<i32>} : memref<832x128xf32, #tpu.memory_space<vmem>>, vector<1x16xf32>,
        %get3A_2383 = vector.shape_cast %get3A_2382 : vector<1x16xf32> to vector<16xf32>
        %add3A_2384 = arith.addf %add3A_2377, %get3A_2383 : vector<16xf32>
        %add3A_2385 = arith.constant 22 : i32
        %add3A_2386 = arith.addi %mul3A_1859, %add3A_2385 : i32
        %get3A_2387 = arith.index_cast %add3A_2386 : i32 to index
        %get3A_2388 = arith.constant 96 : index
        %get3A_2389 = tpu.vector_load %arg8[%get3A_2387, %get3A_2388] {strides = array<i32>} : memref<832x128xf32, #tpu.memory_space<vmem>>, vector<1x16xf32>,
        %get3A_2390 = vector.shape_cast %get3A_2389 : vector<1x16xf32> to vector<16xf32>
        %add3A_2391 = arith.addf %add3A_2384, %get3A_2390 : vector<16xf32>
        %add3A_2392 = arith.constant 23 : i32
        %add3A_2393 = arith.addi %mul3A_1859, %add3A_2392 : i32
        %get3A_2394 = arith.index_cast %add3A_2393 : i32 to index
        %get3A_2395 = arith.constant 96 : index
        %get3A_2396 = tpu.vector_load %arg8[%get3A_2394, %get3A_2395] {strides = array<i32>} : memref<832x128xf32, #tpu.memory_space<vmem>>, vector<1x16xf32>,
        %get3A_2397 = vector.shape_cast %get3A_2396 : vector<1x16xf32> to vector<16xf32>
        %add3A_2398 = arith.addf %add3A_2391, %get3A_2397 : vector<16xf32>
        %add3A_2399 = arith.constant 24 : i32
        %add3A_2400 = arith.addi %mul3A_1859, %add3A_2399 : i32
        %get3A_2401 = arith.index_cast %add3A_2400 : i32 to index
        %get3A_2402 = arith.constant 96 : index
        %get3A_2403 = tpu.vector_load %arg8[%get3A_2401, %get3A_2402] {strides = array<i32>} : memref<832x128xf32, #tpu.memory_space<vmem>>, vector<1x16xf32>,
        %get3A_2404 = vector.shape_cast %get3A_2403 : vector<1x16xf32> to vector<16xf32>
        %add3A_2405 = arith.addf %add3A_2398, %get3A_2404 : vector<16xf32>
        %add3A_2406 = arith.constant 25 : i32
        %add3A_2407 = arith.addi %mul3A_1859, %add3A_2406 : i32
        %get3A_2408 = arith.index_cast %add3A_2407 : i32 to index
        %get3A_2409 = arith.constant 96 : index
        %get3A_2410 = tpu.vector_load %arg8[%get3A_2408, %get3A_2409] {strides = array<i32>} : memref<832x128xf32, #tpu.memory_space<vmem>>, vector<1x16xf32>,
        %get3A_2411 = vector.shape_cast %get3A_2410 : vector<1x16xf32> to vector<16xf32>
        %add3A_2412 = arith.addf %add3A_2405, %get3A_2411 : vector<16xf32>
        %swap3A_2413 = arith.index_cast %scan3A_1857 : i32 to index
        %swap3A_2414 = arith.constant 32 : index
        %swap3A_2415 = tpu.vector_load %arg9[%swap3A_2413, %swap3A_2414] {strides = array<i32>} : memref<32x64xf32, #tpu.memory_space<vmem>>, vector<1x16xf32>,
        %swap3A_2416 = vector.shape_cast %swap3A_2415 : vector<1x16xf32> to vector<16xf32>
        %swap3A_2417 = vector.shape_cast %add3A_2412 : vector<16xf32> to vector<1x16xf32>
        tpu.vector_store %arg9[%swap3A_2413, %swap3A_2414], %swap3A_2417 {strides = array<i32>} : memref<32x64xf32, #tpu.memory_space<vmem>>, vector<1x16xf32>,
        %add3A_2418 = arith.constant 0 : i32
        %add3A_2419 = arith.addi %mul3A_1859, %add3A_2418 : i32
        %get3A_2420 = arith.index_cast %add3A_2419 : i32 to index
        %get3A_2421 = arith.constant 48 : index
        %get3A_2422 = tpu.vector_load %arg8[%get3A_2420, %get3A_2421] {strides = array<i32>} : memref<832x128xf32, #tpu.memory_space<vmem>>, vector<1x16xf32>,
        %get3A_2423 = vector.shape_cast %get3A_2422 : vector<1x16xf32> to vector<16xf32>
        %add3A_2424 = arith.constant 1 : i32
        %add3A_2425 = arith.addi %mul3A_1859, %add3A_2424 : i32
        %get3A_2426 = arith.index_cast %add3A_2425 : i32 to index
        %get3A_2427 = arith.constant 48 : index
        %get3A_2428 = tpu.vector_load %arg8[%get3A_2426, %get3A_2427] {strides = array<i32>} : memref<832x128xf32, #tpu.memory_space<vmem>>, vector<1x16xf32>,
        %get3A_2429 = vector.shape_cast %get3A_2428 : vector<1x16xf32> to vector<16xf32>
        %add3A_2430 = arith.addf %get3A_2423, %get3A_2429 : vector<16xf32>
        %add3A_2431 = arith.constant 2 : i32
        %add3A_2432 = arith.addi %mul3A_1859, %add3A_2431 : i32
        %get3A_2433 = arith.index_cast %add3A_2432 : i32 to index
        %get3A_2434 = arith.constant 48 : index
        %get3A_2435 = tpu.vector_load %arg8[%get3A_2433, %get3A_2434] {strides = array<i32>} : memref<832x128xf32, #tpu.memory_space<vmem>>, vector<1x16xf32>,
        %get3A_2436 = vector.shape_cast %get3A_2435 : vector<1x16xf32> to vector<16xf32>
        %add3A_2437 = arith.addf %add3A_2430, %get3A_2436 : vector<16xf32>
        %add3A_2438 = arith.constant 3 : i32
        %add3A_2439 = arith.addi %mul3A_1859, %add3A_2438 : i32
        %get3A_2440 = arith.index_cast %add3A_2439 : i32 to index
        %get3A_2441 = arith.constant 48 : index
        %get3A_2442 = tpu.vector_load %arg8[%get3A_2440, %get3A_2441] {strides = array<i32>} : memref<832x128xf32, #tpu.memory_space<vmem>>, vector<1x16xf32>,
        %get3A_2443 = vector.shape_cast %get3A_2442 : vector<1x16xf32> to vector<16xf32>
        %add3A_2444 = arith.addf %add3A_2437, %get3A_2443 : vector<16xf32>
        %add3A_2445 = arith.constant 4 : i32
        %add3A_2446 = arith.addi %mul3A_1859, %add3A_2445 : i32
        %get3A_2447 = arith.index_cast %add3A_2446 : i32 to index
        %get3A_2448 = arith.constant 48 : index
        %get3A_2449 = tpu.vector_load %arg8[%get3A_2447, %get3A_2448] {strides = array<i32>} : memref<832x128xf32, #tpu.memory_space<vmem>>, vector<1x16xf32>,
        %get3A_2450 = vector.shape_cast %get3A_2449 : vector<1x16xf32> to vector<16xf32>
        %add3A_2451 = arith.addf %add3A_2444, %get3A_2450 : vector<16xf32>
        %add3A_2452 = arith.constant 5 : i32
        %add3A_2453 = arith.addi %mul3A_1859, %add3A_2452 : i32
        %get3A_2454 = arith.index_cast %add3A_2453 : i32 to index
        %get3A_2455 = arith.constant 48 : index
        %get3A_2456 = tpu.vector_load %arg8[%get3A_2454, %get3A_2455] {strides = array<i32>} : memref<832x128xf32, #tpu.memory_space<vmem>>, vector<1x16xf32>,
        %get3A_2457 = vector.shape_cast %get3A_2456 : vector<1x16xf32> to vector<16xf32>
        %add3A_2458 = arith.addf %add3A_2451, %get3A_2457 : vector<16xf32>
        %add3A_2459 = arith.constant 6 : i32
        %add3A_2460 = arith.addi %mul3A_1859, %add3A_2459 : i32
        %get3A_2461 = arith.index_cast %add3A_2460 : i32 to index
        %get3A_2462 = arith.constant 48 : index
        %get3A_2463 = tpu.vector_load %arg8[%get3A_2461, %get3A_2462] {strides = array<i32>} : memref<832x128xf32, #tpu.memory_space<vmem>>, vector<1x16xf32>,
        %get3A_2464 = vector.shape_cast %get3A_2463 : vector<1x16xf32> to vector<16xf32>
        %add3A_2465 = arith.addf %add3A_2458, %get3A_2464 : vector<16xf32>
        %add3A_2466 = arith.constant 7 : i32
        %add3A_2467 = arith.addi %mul3A_1859, %add3A_2466 : i32
        %get3A_2468 = arith.index_cast %add3A_2467 : i32 to index
        %get3A_2469 = arith.constant 48 : index
        %get3A_2470 = tpu.vector_load %arg8[%get3A_2468, %get3A_2469] {strides = array<i32>} : memref<832x128xf32, #tpu.memory_space<vmem>>, vector<1x16xf32>,
        %get3A_2471 = vector.shape_cast %get3A_2470 : vector<1x16xf32> to vector<16xf32>
        %add3A_2472 = arith.addf %add3A_2465, %get3A_2471 : vector<16xf32>
        %add3A_2473 = arith.constant 8 : i32
        %add3A_2474 = arith.addi %mul3A_1859, %add3A_2473 : i32
        %get3A_2475 = arith.index_cast %add3A_2474 : i32 to index
        %get3A_2476 = arith.constant 48 : index
        %get3A_2477 = tpu.vector_load %arg8[%get3A_2475, %get3A_2476] {strides = array<i32>} : memref<832x128xf32, #tpu.memory_space<vmem>>, vector<1x16xf32>,
        %get3A_2478 = vector.shape_cast %get3A_2477 : vector<1x16xf32> to vector<16xf32>
        %add3A_2479 = arith.addf %add3A_2472, %get3A_2478 : vector<16xf32>
        %add3A_2480 = arith.constant 9 : i32
        %add3A_2481 = arith.addi %mul3A_1859, %add3A_2480 : i32
        %get3A_2482 = arith.index_cast %add3A_2481 : i32 to index
        %get3A_2483 = arith.constant 48 : index
        %get3A_2484 = tpu.vector_load %arg8[%get3A_2482, %get3A_2483] {strides = array<i32>} : memref<832x128xf32, #tpu.memory_space<vmem>>, vector<1x16xf32>,
        %get3A_2485 = vector.shape_cast %get3A_2484 : vector<1x16xf32> to vector<16xf32>
        %add3A_2486 = arith.addf %add3A_2479, %get3A_2485 : vector<16xf32>
        %add3A_2487 = arith.constant 10 : i32
        %add3A_2488 = arith.addi %mul3A_1859, %add3A_2487 : i32
        %get3A_2489 = arith.index_cast %add3A_2488 : i32 to index
        %get3A_2490 = arith.constant 48 : index
        %get3A_2491 = tpu.vector_load %arg8[%get3A_2489, %get3A_2490] {strides = array<i32>} : memref<832x128xf32, #tpu.memory_space<vmem>>, vector<1x16xf32>,
        %get3A_2492 = vector.shape_cast %get3A_2491 : vector<1x16xf32> to vector<16xf32>
        %add3A_2493 = arith.addf %add3A_2486, %get3A_2492 : vector<16xf32>
        %add3A_2494 = arith.constant 11 : i32
        %add3A_2495 = arith.addi %mul3A_1859, %add3A_2494 : i32
        %get3A_2496 = arith.index_cast %add3A_2495 : i32 to index
        %get3A_2497 = arith.constant 48 : index
        %get3A_2498 = tpu.vector_load %arg8[%get3A_2496, %get3A_2497] {strides = array<i32>} : memref<832x128xf32, #tpu.memory_space<vmem>>, vector<1x16xf32>,
        %get3A_2499 = vector.shape_cast %get3A_2498 : vector<1x16xf32> to vector<16xf32>
        %add3A_2500 = arith.addf %add3A_2493, %get3A_2499 : vector<16xf32>
        %add3A_2501 = arith.constant 12 : i32
        %add3A_2502 = arith.addi %mul3A_1859, %add3A_2501 : i32
        %get3A_2503 = arith.index_cast %add3A_2502 : i32 to index
        %get3A_2504 = arith.constant 48 : index
        %get3A_2505 = tpu.vector_load %arg8[%get3A_2503, %get3A_2504] {strides = array<i32>} : memref<832x128xf32, #tpu.memory_space<vmem>>, vector<1x16xf32>,
        %get3A_2506 = vector.shape_cast %get3A_2505 : vector<1x16xf32> to vector<16xf32>
        %add3A_2507 = arith.addf %add3A_2500, %get3A_2506 : vector<16xf32>
        %add3A_2508 = arith.constant 13 : i32
        %add3A_2509 = arith.addi %mul3A_1859, %add3A_2508 : i32
        %get3A_2510 = arith.index_cast %add3A_2509 : i32 to index
        %get3A_2511 = arith.constant 112 : index
        %get3A_2512 = tpu.vector_load %arg8[%get3A_2510, %get3A_2511] {strides = array<i32>} : memref<832x128xf32, #tpu.memory_space<vmem>>, vector<1x16xf32>,
        %get3A_2513 = vector.shape_cast %get3A_2512 : vector<1x16xf32> to vector<16xf32>
        %add3A_2514 = arith.addf %add3A_2507, %get3A_2513 : vector<16xf32>
        %add3A_2515 = arith.constant 14 : i32
        %add3A_2516 = arith.addi %mul3A_1859, %add3A_2515 : i32
        %get3A_2517 = arith.index_cast %add3A_2516 : i32 to index
        %get3A_2518 = arith.constant 112 : index
        %get3A_2519 = tpu.vector_load %arg8[%get3A_2517, %get3A_2518] {strides = array<i32>} : memref<832x128xf32, #tpu.memory_space<vmem>>, vector<1x16xf32>,
        %get3A_2520 = vector.shape_cast %get3A_2519 : vector<1x16xf32> to vector<16xf32>
        %add3A_2521 = arith.addf %add3A_2514, %get3A_2520 : vector<16xf32>
        %add3A_2522 = arith.constant 15 : i32
        %add3A_2523 = arith.addi %mul3A_1859, %add3A_2522 : i32
        %get3A_2524 = arith.index_cast %add3A_2523 : i32 to index
        %get3A_2525 = arith.constant 112 : index
        %get3A_2526 = tpu.vector_load %arg8[%get3A_2524, %get3A_2525] {strides = array<i32>} : memref<832x128xf32, #tpu.memory_space<vmem>>, vector<1x16xf32>,
        %get3A_2527 = vector.shape_cast %get3A_2526 : vector<1x16xf32> to vector<16xf32>
        %add3A_2528 = arith.addf %add3A_2521, %get3A_2527 : vector<16xf32>
        %add3A_2529 = arith.constant 16 : i32
        %add3A_2530 = arith.addi %mul3A_1859, %add3A_2529 : i32
        %get3A_2531 = arith.index_cast %add3A_2530 : i32 to index
        %get3A_2532 = arith.constant 112 : index
        %get3A_2533 = tpu.vector_load %arg8[%get3A_2531, %get3A_2532] {strides = array<i32>} : memref<832x128xf32, #tpu.memory_space<vmem>>, vector<1x16xf32>,
        %get3A_2534 = vector.shape_cast %get3A_2533 : vector<1x16xf32> to vector<16xf32>
        %add3A_2535 = arith.addf %add3A_2528, %get3A_2534 : vector<16xf32>
        %add3A_2536 = arith.constant 17 : i32
        %add3A_2537 = arith.addi %mul3A_1859, %add3A_2536 : i32
        %get3A_2538 = arith.index_cast %add3A_2537 : i32 to index
        %get3A_2539 = arith.constant 112 : index
        %get3A_2540 = tpu.vector_load %arg8[%get3A_2538, %get3A_2539] {strides = array<i32>} : memref<832x128xf32, #tpu.memory_space<vmem>>, vector<1x16xf32>,
        %get3A_2541 = vector.shape_cast %get3A_2540 : vector<1x16xf32> to vector<16xf32>
        %add3A_2542 = arith.addf %add3A_2535, %get3A_2541 : vector<16xf32>
        %add3A_2543 = arith.constant 18 : i32
        %add3A_2544 = arith.addi %mul3A_1859, %add3A_2543 : i32
        %get3A_2545 = arith.index_cast %add3A_2544 : i32 to index
        %get3A_2546 = arith.constant 112 : index
        %get3A_2547 = tpu.vector_load %arg8[%get3A_2545, %get3A_2546] {strides = array<i32>} : memref<832x128xf32, #tpu.memory_space<vmem>>, vector<1x16xf32>,
        %get3A_2548 = vector.shape_cast %get3A_2547 : vector<1x16xf32> to vector<16xf32>
        %add3A_2549 = arith.addf %add3A_2542, %get3A_2548 : vector<16xf32>
        %add3A_2550 = arith.constant 19 : i32
        %add3A_2551 = arith.addi %mul3A_1859, %add3A_2550 : i32
        %get3A_2552 = arith.index_cast %add3A_2551 : i32 to index
        %get3A_2553 = arith.constant 112 : index
        %get3A_2554 = tpu.vector_load %arg8[%get3A_2552, %get3A_2553] {strides = array<i32>} : memref<832x128xf32, #tpu.memory_space<vmem>>, vector<1x16xf32>,
        %get3A_2555 = vector.shape_cast %get3A_2554 : vector<1x16xf32> to vector<16xf32>
        %add3A_2556 = arith.addf %add3A_2549, %get3A_2555 : vector<16xf32>
        %add3A_2557 = arith.constant 20 : i32
        %add3A_2558 = arith.addi %mul3A_1859, %add3A_2557 : i32
        %get3A_2559 = arith.index_cast %add3A_2558 : i32 to index
        %get3A_2560 = arith.constant 112 : index
        %get3A_2561 = tpu.vector_load %arg8[%get3A_2559, %get3A_2560] {strides = array<i32>} : memref<832x128xf32, #tpu.memory_space<vmem>>, vector<1x16xf32>,
        %get3A_2562 = vector.shape_cast %get3A_2561 : vector<1x16xf32> to vector<16xf32>
        %add3A_2563 = arith.addf %add3A_2556, %get3A_2562 : vector<16xf32>
        %add3A_2564 = arith.constant 21 : i32
        %add3A_2565 = arith.addi %mul3A_1859, %add3A_2564 : i32
        %get3A_2566 = arith.index_cast %add3A_2565 : i32 to index
        %get3A_2567 = arith.constant 112 : index
        %get3A_2568 = tpu.vector_load %arg8[%get3A_2566, %get3A_2567] {strides = array<i32>} : memref<832x128xf32, #tpu.memory_space<vmem>>, vector<1x16xf32>,
        %get3A_2569 = vector.shape_cast %get3A_2568 : vector<1x16xf32> to vector<16xf32>
        %add3A_2570 = arith.addf %add3A_2563, %get3A_2569 : vector<16xf32>
        %add3A_2571 = arith.constant 22 : i32
        %add3A_2572 = arith.addi %mul3A_1859, %add3A_2571 : i32
        %get3A_2573 = arith.index_cast %add3A_2572 : i32 to index
        %get3A_2574 = arith.constant 112 : index
        %get3A_2575 = tpu.vector_load %arg8[%get3A_2573, %get3A_2574] {strides = array<i32>} : memref<832x128xf32, #tpu.memory_space<vmem>>, vector<1x16xf32>,
        %get3A_2576 = vector.shape_cast %get3A_2575 : vector<1x16xf32> to vector<16xf32>
        %add3A_2577 = arith.addf %add3A_2570, %get3A_2576 : vector<16xf32>
        %add3A_2578 = arith.constant 23 : i32
        %add3A_2579 = arith.addi %mul3A_1859, %add3A_2578 : i32
        %get3A_2580 = arith.index_cast %add3A_2579 : i32 to index
        %get3A_2581 = arith.constant 112 : index
        %get3A_2582 = tpu.vector_load %arg8[%get3A_2580, %get3A_2581] {strides = array<i32>} : memref<832x128xf32, #tpu.memory_space<vmem>>, vector<1x16xf32>,
        %get3A_2583 = vector.shape_cast %get3A_2582 : vector<1x16xf32> to vector<16xf32>
        %add3A_2584 = arith.addf %add3A_2577, %get3A_2583 : vector<16xf32>
        %add3A_2585 = arith.constant 24 : i32
        %add3A_2586 = arith.addi %mul3A_1859, %add3A_2585 : i32
        %get3A_2587 = arith.index_cast %add3A_2586 : i32 to index
        %get3A_2588 = arith.constant 112 : index
        %get3A_2589 = tpu.vector_load %arg8[%get3A_2587, %get3A_2588] {strides = array<i32>} : memref<832x128xf32, #tpu.memory_space<vmem>>, vector<1x16xf32>,
        %get3A_2590 = vector.shape_cast %get3A_2589 : vector<1x16xf32> to vector<16xf32>
        %add3A_2591 = arith.addf %add3A_2584, %get3A_2590 : vector<16xf32>
        %add3A_2592 = arith.constant 25 : i32
        %add3A_2593 = arith.addi %mul3A_1859, %add3A_2592 : i32
        %get3A_2594 = arith.index_cast %add3A_2593 : i32 to index
        %get3A_2595 = arith.constant 112 : index
        %get3A_2596 = tpu.vector_load %arg8[%get3A_2594, %get3A_2595] {strides = array<i32>} : memref<832x128xf32, #tpu.memory_space<vmem>>, vector<1x16xf32>,
        %get3A_2597 = vector.shape_cast %get3A_2596 : vector<1x16xf32> to vector<16xf32>
        %add3A_2598 = arith.addf %add3A_2591, %get3A_2597 : vector<16xf32>
        %swap3A_2599 = arith.index_cast %scan3A_1857 : i32 to index
        %swap3A_2600 = arith.constant 48 : index
        %swap3A_2601 = tpu.vector_load %arg9[%swap3A_2599, %swap3A_2600] {strides = array<i32>} : memref<32x64xf32, #tpu.memory_space<vmem>>, vector<1x16xf32>,
        %swap3A_2602 = vector.shape_cast %swap3A_2601 : vector<1x16xf32> to vector<16xf32>
        %swap3A_2603 = vector.shape_cast %add3A_2598 : vector<16xf32> to vector<1x16xf32>
        tpu.vector_store %arg9[%swap3A_2599, %swap3A_2600], %swap3A_2603 {strides = array<i32>} : memref<32x64xf32, #tpu.memory_space<vmem>>, vector<1x16xf32>,
      }
      %scan3A_1108 = arith.constant 32 : i32
      "tpu.region"() ({
        %run_scoped3A = tpu.sem_alloc : memref<!tpu.dma_semaphore, #tpu.memory_space<semaphore_mem>>
        %dma_start3A_1109 = arith.constant 0 : i32
        %dma_start3A_1110 = tpu.memref_slice %arg5[%add3A_14, %dma_start3A_1109] : memref<16384x64xf32, #tpu.memory_space<hbm>> -> memref<32x64xf32, #tpu.memory_space<hbm>>
        %dma_start3A_1111 = arith.constant 0 : i32
        %dma_start3A_1112 = tpu.memref_slice %arg5[%add3A_14, %dma_start3A_1111] : memref<16384x64xf32, #tpu.memory_space<hbm>> -> memref<32x64xf32, #tpu.memory_space<hbm>>
        tpu.enqueue_dma source(%arg9 : memref<32x64xf32, #tpu.memory_space<vmem>>) target(%dma_start3A_1112 : memref<32x64xf32, #tpu.memory_space<hbm>>) target_semaphore(%run_scoped3A : memref<!tpu.dma_semaphore, #tpu.memory_space<semaphore_mem>>)
        %dma_wait3A_1113 = arith.constant 0 : i32
        %dma_wait3A_1114 = tpu.memref_slice %arg5[%add3A_14, %dma_wait3A_1113] : memref<16384x64xf32, #tpu.memory_space<hbm>> -> memref<32x64xf32, #tpu.memory_space<hbm>>
        %dma_wait3A_1115 = arith.constant 0 : i32
        %dma_wait3A_1116 = tpu.memref_slice %arg5[%add3A_14, %dma_wait3A_1115] : memref<16384x64xf32, #tpu.memory_space<hbm>> -> memref<32x64xf32, #tpu.memory_space<hbm>>
        tpu.wait_dma2 semaphore(%run_scoped3A : memref<!tpu.dma_semaphore, #tpu.memory_space<semaphore_mem>>) src(%arg9 : memref<32x64xf32, #tpu.memory_space<vmem>>) dst(%dma_wait3A_1116 : memref<32x64xf32, #tpu.memory_space<hbm>>)
        tpu.yield
      }) : () -> ()
    }
    %scan3A_5 = arith.constant 16 : i32
    return
  }
}

module attributes {stable_mosaic.version = 14 : i64} {
  func.func @body(%arg0: i32, %arg1: memref<64x4096xf32, #tpu.memory_space<vmem>>, %arg2: memref<64x4096xf32, #tpu.memory_space<vmem>>, %arg3: memref<4096x128xf32, #tpu.memory_space<vmem>>) attributes {dimension_semantics = [#tpu.dimension_semantics<arbitrary>], iteration_bounds = array<i64: 318>, scalar_prefetch = 0 : i64, scratch_operands = 0 : i64, tpu.core_type = #tpu.core_type<tc>, window_params = [{transform_indices = @transform_0, window_bounds = array<i64: 64, 4096>}, {transform_indices = @transform_1, window_bounds = array<i64: 64, 4096>}, {transform_indices = @transform_2, window_bounds = array<i64: 4096, 128>}]} {
    %get3A = arith.constant 0 : index
    %get3A_0 = arith.constant 0 : index
    %get3A_1 = vector.load %arg1[%get3A, %get3A_0] : memref<64x4096xf32, #tpu.memory_space<vmem>>, vector<64x4096xf32>
    %transpose3A = tpu.transpose %get3A_1, [1, 0] : vector<64x4096xf32> -> vector<4096x64xf32>
    %swap3A = arith.constant 0 : index
    %swap3A_2 = arith.constant 0 : index
    %swap3A_3 = vector.load %arg3[%swap3A, %swap3A_2] : memref<4096x128xf32, #tpu.memory_space<vmem>>, vector<4096x64xf32>
    tpu.vector_store %arg3[%swap3A, %swap3A_2], %transpose3A {strides = array<i32>} : memref<4096x128xf32, #tpu.memory_space<vmem>>, vector<4096x64xf32>,
    %get3A_4 = arith.constant 0 : index
    %get3A_5 = arith.constant 0 : index
    %get3A_6 = vector.load %arg2[%get3A_4, %get3A_5] : memref<64x4096xf32, #tpu.memory_space<vmem>>, vector<64x4096xf32>
    %transpose3A_7 = tpu.transpose %get3A_6, [1, 0] : vector<64x4096xf32> -> vector<4096x64xf32>
    %swap3A_8 = arith.constant 0 : index
    %swap3A_9 = arith.constant 64 : index
    %swap3A_10 = vector.load %arg3[%swap3A_8, %swap3A_9] : memref<4096x128xf32, #tpu.memory_space<vmem>>, vector<4096x64xf32>
    tpu.vector_store %arg3[%swap3A_8, %swap3A_9], %transpose3A_7 {strides = array<i32>} : memref<4096x128xf32, #tpu.memory_space<vmem>>, vector<4096x64xf32>,
    return
  }
  func.func @transform_0(%arg0: i32) -> (i32, i32) {
    %c0_i32 = arith.constant 0 : i32
    %c0_i32_0 = arith.constant 0 : i32
    return %c0_i32, %arg0 : i32, i32
  }
  func.func @transform_1(%arg0: i32) -> (i32, i32) {
    %add3A = arith.constant 318 : i32
    %add3A_0 = arith.addi %arg0, %add3A : i32
    %sub3A = arith.constant 1 : i32
    %sub3A_1 = arith.subi %add3A_0, %sub3A : i32
    %min3A = arith.constant 634 : i32
    %min3A_2 = arith.minsi %sub3A_1, %min3A : i32
    %c0_i32 = arith.constant 0 : i32
    %c0_i32_3 = arith.constant 0 : i32
    return %c0_i32, %min3A_2 : i32, i32
  }
  func.func @transform_2(%arg0: i32) -> (i32, i32) {
    %c0_i32 = arith.constant 0 : i32
    %c0_i32_0 = arith.constant 0 : i32
    return %arg0, %c0_i32 : i32, i32
  }
}

module attributes {stable_mosaic.version = 14 : i64} {
  func.func @body(%arg0: i32, %arg1: memref<2048x64xf32, #tpu.memory_space<vmem>>, %arg2: memref<2048x64xf32, #tpu.memory_space<vmem>>, %arg3: memref<64x64xf32, #tpu.memory_space<vmem>>, %arg4: memref<1x64xf32, #tpu.memory_space<vmem>>, %arg5: memref<1x64xf32, #tpu.memory_space<vmem>>, %arg6: memref<128x128xf32, #tpu.memory_space<vmem>>, %arg7: memref<1x128xf32, #tpu.memory_space<vmem>>, %arg8: memref<128x64xf32, #tpu.memory_space<vmem>>, %arg9: memref<1x64xf32, #tpu.memory_space<vmem>>, %arg10: memref<1x64xf32, #tpu.memory_space<vmem>>, %arg11: memref<1x1xf32, #tpu.memory_space<smem>>, %arg12: memref<2048xf32, #tpu.memory_space<vmem>>) attributes {dimension_semantics = [#tpu.dimension_semantics<arbitrary>], iteration_bounds = array<i64: 8>, scalar_prefetch = 0 : i64, scratch_operands = 0 : i64, tpu.core_type = #tpu.core_type<tc>, window_params = [{transform_indices = @transform_0, window_bounds = array<i64: 2048, 64>}, {transform_indices = @transform_1, window_bounds = array<i64: 2048, 64>}, {pipeline_mode = #tpu.pipeline_mode<synchronous>, transform_indices = @transform_2, window_bounds = array<i64: 64, 64>}, {pipeline_mode = #tpu.pipeline_mode<synchronous>, transform_indices = @transform_3, window_bounds = array<i64: 1, 64>}, {pipeline_mode = #tpu.pipeline_mode<synchronous>, transform_indices = @transform_4, window_bounds = array<i64: 1, 64>}, {pipeline_mode = #tpu.pipeline_mode<synchronous>, transform_indices = @transform_5, window_bounds = array<i64: 128, 128>}, {pipeline_mode = #tpu.pipeline_mode<synchronous>, transform_indices = @transform_6, window_bounds = array<i64: 1, 128>}, {pipeline_mode = #tpu.pipeline_mode<synchronous>, transform_indices = @transform_7, window_bounds = array<i64: 128, 64>}, {pipeline_mode = #tpu.pipeline_mode<synchronous>, transform_indices = @transform_8, window_bounds = array<i64: 1, 64>}, {pipeline_mode = #tpu.pipeline_mode<synchronous>, transform_indices = @transform_9, window_bounds = array<i64: 1, 64>}, {transform_indices = @transform_10, window_bounds = array<i64: 1, 1>}, {transform_indices = @transform_11, window_bounds = array<i64: 2048>}]} {
    %get3A = arith.constant 0 : index
    %get3A_0 = arith.constant 0 : index
    %get3A_1 = vector.load %arg1[%get3A, %get3A_0] : memref<2048x64xf32, #tpu.memory_space<vmem>>, vector<2048x64xf32>
    %mul3A = arith.constant 0.0384615399 : f32
    %mul3A_2 = vector.broadcast %mul3A : f32 to vector<2048x64xf32>
    %mul3A_3 = arith.mulf %get3A_1, %mul3A_2 : vector<2048x64xf32>
    %reduce_sum3A = arith.constant dense<0.000000e+00> : vector<2048xf32>
    %reduce_sum3A_4 = vector.multi_reduction <add>, %mul3A_3, %reduce_sum3A [1] : vector<2048x64xf32> to vector<2048xf32>
    %mul3A_5 = arith.mulf %mul3A_3, %mul3A_3 : vector<2048x64xf32>
    %reduce_sum3A_6 = arith.constant dense<0.000000e+00> : vector<2048xf32>
    %reduce_sum3A_7 = vector.multi_reduction <add>, %mul3A_5, %reduce_sum3A_6 [1] : vector<2048x64xf32> to vector<2048xf32>
    %mul3A_8 = arith.mulf %reduce_sum3A_4, %reduce_sum3A_4 : vector<2048xf32>
    %sub3A = arith.subf %mul3A_8, %reduce_sum3A_7 : vector<2048xf32>
    %mul3A_9 = arith.constant 5.000000e-01 : f32
    %mul3A_10 = vector.broadcast %mul3A_9 : f32 to vector<2048xf32>
    %mul3A_11 = arith.mulf %mul3A_10, %sub3A : vector<2048xf32>
    %get3A_12 = arith.constant 0 : index
    %get3A_13 = arith.constant 0 : index
    %get3A_14 = vector.load %arg2[%get3A_12, %get3A_13] : memref<2048x64xf32, #tpu.memory_space<vmem>>, vector<2048x64xf32>
    %get3A_15 = arith.constant 0 : index
    %get3A_16 = arith.constant 0 : index
    %get3A_17 = vector.load %arg3[%get3A_15, %get3A_16] : memref<64x64xf32, #tpu.memory_space<vmem>>, vector<64x64xf32>
    %dot_general3A = arith.constant dense<0.000000e+00> : vector<2048x64xf32>
    %dot_general3A_18 = tpu.matmul %get3A_14, %get3A_17, %dot_general3A {dimension_numbers = #tpu.dot_dimension_numbers<[1], [0], [0], [1], [0, 0, 1, 1], [], []>, transpose_lhs_hint = false} : vector<2048x64xf32>, vector<64x64xf32>, vector<2048x64xf32> -> vector<2048x64xf32>
    %get3A_19 = arith.constant 0 : index
    %get3A_20 = arith.constant 0 : index
    %get3A_21 = vector.load %arg4[%get3A_19, %get3A_20] : memref<1x64xf32, #tpu.memory_space<vmem>>, vector<1x64xf32>
    %add3A = vector.broadcast %get3A_21 : vector<1x64xf32> to vector<2048x64xf32>
    %add3A_22 = arith.addf %dot_general3A_18, %add3A : vector<2048x64xf32>
    %get3A_23 = arith.constant 0 : index
    %get3A_24 = arith.constant 0 : index
    %get3A_25 = vector.load %arg5[%get3A_23, %get3A_24] : memref<1x64xf32, #tpu.memory_space<vmem>>, vector<1x64xf32>
    %add3A_26 = vector.broadcast %get3A_25 : vector<1x64xf32> to vector<2048x64xf32>
    %add3A_27 = arith.addf %add3A_22, %add3A_26 : vector<2048x64xf32>
    %concatenate3A = tpu.concatenate %mul3A_3, %add3A_27 in 1 : vector<2048x64xf32>, vector<2048x64xf32> -> vector<2048x128xf32>
    %get3A_28 = arith.constant 0 : index
    %get3A_29 = arith.constant 0 : index
    %get3A_30 = vector.load %arg6[%get3A_28, %get3A_29] : memref<128x128xf32, #tpu.memory_space<vmem>>, vector<128x128xf32>
    %dot_general3A_31 = arith.constant dense<0.000000e+00> : vector<2048x128xf32>
    %dot_general3A_32 = tpu.matmul %concatenate3A, %get3A_30, %dot_general3A_31 {dimension_numbers = #tpu.dot_dimension_numbers<[1], [0], [0], [1], [0, 0, 1, 1], [], []>, transpose_lhs_hint = false} : vector<2048x128xf32>, vector<128x128xf32>, vector<2048x128xf32> -> vector<2048x128xf32>
    %get3A_33 = arith.constant 0 : index
    %get3A_34 = arith.constant 0 : index
    %get3A_35 = vector.load %arg7[%get3A_33, %get3A_34] : memref<1x128xf32, #tpu.memory_space<vmem>>, vector<1x128xf32>
    %add3A_36 = vector.broadcast %get3A_35 : vector<1x128xf32> to vector<2048x128xf32>
    %add3A_37 = arith.addf %dot_general3A_32, %add3A_36 : vector<2048x128xf32>
    %max3A = arith.constant 0.000000e+00 : f32
    %max3A_38 = vector.broadcast %max3A : f32 to vector<2048x128xf32>
    %max3A_39 = arith.maximumf %add3A_37, %max3A_38 : vector<2048x128xf32>
    %get3A_40 = arith.constant 0 : index
    %get3A_41 = arith.constant 0 : index
    %get3A_42 = vector.load %arg8[%get3A_40, %get3A_41] : memref<128x64xf32, #tpu.memory_space<vmem>>, vector<128x64xf32>
    %dot_general3A_43 = arith.constant dense<0.000000e+00> : vector<2048x64xf32>
    %dot_general3A_44 = tpu.matmul %max3A_39, %get3A_42, %dot_general3A_43 {dimension_numbers = #tpu.dot_dimension_numbers<[1], [0], [0], [1], [0, 0, 1, 1], [], []>, transpose_lhs_hint = false} : vector<2048x128xf32>, vector<128x64xf32>, vector<2048x64xf32> -> vector<2048x64xf32>
    %get3A_45 = arith.constant 0 : index
    %get3A_46 = arith.constant 0 : index
    %get3A_47 = vector.load %arg9[%get3A_45, %get3A_46] : memref<1x64xf32, #tpu.memory_space<vmem>>, vector<1x64xf32>
    %add3A_48 = vector.broadcast %get3A_47 : vector<1x64xf32> to vector<2048x64xf32>
    %add3A_49 = arith.addf %dot_general3A_44, %add3A_48 : vector<2048x64xf32>
    %max3A_50 = arith.constant 0.000000e+00 : f32
    %max3A_51 = vector.broadcast %max3A_50 : f32 to vector<2048x64xf32>
    %max3A_52 = arith.maximumf %add3A_49, %max3A_51 : vector<2048x64xf32>
    %get3A_53 = arith.constant 0 : index
    %get3A_54 = arith.constant 0 : index
    %get3A_55 = vector.load %arg10[%get3A_53, %get3A_54] : memref<1x64xf32, #tpu.memory_space<vmem>>, vector<1x64xf32>
    %mul3A_56 = vector.broadcast %get3A_55 : vector<1x64xf32> to vector<2048x64xf32>
    %mul3A_57 = arith.mulf %max3A_52, %mul3A_56 : vector<2048x64xf32>
    %reduce_sum3A_58 = arith.constant dense<0.000000e+00> : vector<2048xf32>
    %reduce_sum3A_59 = vector.multi_reduction <add>, %mul3A_57, %reduce_sum3A_58 [1] : vector<2048x64xf32> to vector<2048xf32>
    %get3A_60 = arith.constant 0 : index
    %get3A_61 = arith.constant 0 : index
    %get3A_62 = memref.load %arg11[%get3A_60, %get3A_61] : memref<1x1xf32, #tpu.memory_space<smem>>
    %add3A_63 = vector.broadcast %get3A_62 : f32 to vector<2048xf32>
    %add3A_64 = arith.addf %reduce_sum3A_59, %add3A_63 : vector<2048xf32>
    %add3A_65 = arith.addf %mul3A_11, %add3A_64 : vector<2048xf32>
    %logistic3A = arith.negf %add3A_65 : vector<2048xf32>
    %logistic3A_66 = math.exp %logistic3A : vector<2048xf32>
    %logistic3A_67 = arith.constant 1.000000e+00 : f32
    %logistic3A_68 = vector.broadcast %logistic3A_67 : f32 to vector<2048xf32>
    %logistic3A_69 = arith.addf %logistic3A_68, %logistic3A_66 : vector<2048xf32>
    %logistic3A_70 = arith.divf %logistic3A_68, %logistic3A_69 : vector<2048xf32>
    %swap3A = arith.constant 0 : index
    %swap3A_71 = vector.load %arg12[%swap3A] : memref<2048xf32, #tpu.memory_space<vmem>>, vector<2048xf32>
    tpu.vector_store %arg12[%swap3A], %logistic3A_70 {strides = array<i32>} : memref<2048xf32, #tpu.memory_space<vmem>>, vector<2048xf32>,
    return
  }
  func.func @transform_0(%arg0: i32) -> (i32, i32) {
    %c0_i32 = arith.constant 0 : i32
    %c0_i32_0 = arith.constant 0 : i32
    return %arg0, %c0_i32 : i32, i32
  }
  func.func @transform_1(%arg0: i32) -> (i32, i32) {
    %c0_i32 = arith.constant 0 : i32
    %c0_i32_0 = arith.constant 0 : i32
    return %arg0, %c0_i32 : i32, i32
  }
  func.func @transform_2(%arg0: i32) -> (i32, i32) {
    %c0_i32 = arith.constant 0 : i32
    %c0_i32_0 = arith.constant 0 : i32
    %c0_i32_1 = arith.constant 0 : i32
    return %c0_i32, %c0_i32_0 : i32, i32
  }
  func.func @transform_3(%arg0: i32) -> (i32, i32) {
    %c0_i32 = arith.constant 0 : i32
    %c0_i32_0 = arith.constant 0 : i32
    %c0_i32_1 = arith.constant 0 : i32
    return %c0_i32, %c0_i32_0 : i32, i32
  }
  func.func @transform_4(%arg0: i32) -> (i32, i32) {
    %c0_i32 = arith.constant 0 : i32
    %c0_i32_0 = arith.constant 0 : i32
    %c0_i32_1 = arith.constant 0 : i32
    return %c0_i32, %c0_i32_0 : i32, i32
  }
  func.func @transform_5(%arg0: i32) -> (i32, i32) {
    %c0_i32 = arith.constant 0 : i32
    %c0_i32_0 = arith.constant 0 : i32
    %c0_i32_1 = arith.constant 0 : i32
    return %c0_i32, %c0_i32_0 : i32, i32
  }
  func.func @transform_6(%arg0: i32) -> (i32, i32) {
    %c0_i32 = arith.constant 0 : i32
    %c0_i32_0 = arith.constant 0 : i32
    %c0_i32_1 = arith.constant 0 : i32
    return %c0_i32, %c0_i32_0 : i32, i32
  }
  func.func @transform_7(%arg0: i32) -> (i32, i32) {
    %c0_i32 = arith.constant 0 : i32
    %c0_i32_0 = arith.constant 0 : i32
    %c0_i32_1 = arith.constant 0 : i32
    return %c0_i32, %c0_i32_0 : i32, i32
  }
  func.func @transform_8(%arg0: i32) -> (i32, i32) {
    %c0_i32 = arith.constant 0 : i32
    %c0_i32_0 = arith.constant 0 : i32
    %c0_i32_1 = arith.constant 0 : i32
    return %c0_i32, %c0_i32_0 : i32, i32
  }
  func.func @transform_9(%arg0: i32) -> (i32, i32) {
    %c0_i32 = arith.constant 0 : i32
    %c0_i32_0 = arith.constant 0 : i32
    %c0_i32_1 = arith.constant 0 : i32
    return %c0_i32, %c0_i32_0 : i32, i32
  }
  func.func @transform_10(%arg0: i32) -> (i32, i32) {
    %c0_i32 = arith.constant 0 : i32
    %c0_i32_0 = arith.constant 0 : i32
    %c0_i32_1 = arith.constant 0 : i32
    return %c0_i32, %c0_i32_0 : i32, i32
  }
  func.func @transform_11(%arg0: i32) -> i32 {
    %c0_i32 = arith.constant 0 : i32
    return %arg0 : i32
  }
}

</mosaic_0001>

<sc_bundles>
// kernel: kernel.5.cloned.1.call-start
scs
__scs_entry_jumppad:
0x0: {  	(pc) =	sbr.rel $0x88, $3  }
0x1: {  	(tag) =	ssettag $0x0;
	lr =	simm.s32 $0x1  }
0x2: {  	[smem:$0x3F95] =	sst lr;
	_ =	strace $0xD0000000  }
0x3: {  	_ = 	snop  }
0x4: {  	_ = 	snop  }
0x5: {  	_ = 	snop  }
0x6: {  	_ = 	snop  }
0x7: {  	_ = 	snop  }
__scs_overlays_trampoline_lowered:
0x8: {  	[smem:$0x3FA4] =	sst s0  }
0x9: {  	[smem:$0x3FA5] =	sst s1  }
0xa: {  	[smem:$0x3FA6] =	sst s2  }
0xb: {  	[smem:$0x3FA7] =	sst s3  }
0xc: {  	[smem:$0x3FA8] =	sst s4  }
0xd: {  	[smem:$0x3FA9] =	sst s5  }
0xe: {  	[smem:$0x3FAA] =	sst s6  }
0xf: {  	[smem:$0x3FAB] =	sst s7  }
0x10: {  	[smem:$0x3FAC] =	sst s8  }
0x11: {  	[smem:$0x3FAD] =	sst s9;
	s0 =	simm.s32 @!p0 $0x0  }
0x12: {  	s1 =	sld [smem:$0x3F93];
	s0 =	simm.s32 @p0 $0x1  }
0x13: {  	[smem:$0x3FAE] =	sst s0;
	s0 =	simm.s32 @!p1 $0x0  }
0x14: {  	s2 =	sld [smem:$0x3F92];
	s0 =	simm.s32 @p1 $0x1  }
0x15: {  	[smem:$0x3FAF] =	sst s0;
	s0 =	simm.s32 @!p2 $0x0  }
0x16: {  	s3 =	sld [smem:$0x3FDB];
	s0 =	simm.s32 @p2 $0x1  }
0x17: {  	s4 =	simm.s32 $0x1BF5;
	[smem:$0x3FB1] =	sst s0  }
0x18: {  	s0 =	sld [smem:$0x3F94];
	_ =	swait.ge [sflag:s4], $0x0  }
0x19: {  	s7 =	sld [smem:$0x3F95]  }
0x1a: {  	s8 =	sadd.s32 $0xFFFFE003, lr  }
0x1b: {  	s9 =	sadd.s32 $0xFFFFFEF7, lr;
	s5 =	simm.s32 $0xFFFFFFFF;
	p2 =	slt.u32 s8, $0xFFFFF086  }
0x1c: {  	p1 =	slt.u32 s9, $0xF7A;
	s5 =	simm.s32 @!p2 $0x0  }
0x1d: {  	s5 =	simm.s32 @p1 $0x1;
	p0 =	seq.s32 s7, s2  }
0x1e: {  	s7 =	smul.u32 @!p0 $0xF7A, s2;
	p2 =	seq.s32 @!p0 s5, $0x0  }
0x1f: {  	s9 =	smul.u32 $0xF7A, s1;
	s8 =	simm.s32 @!p0 $0x1BF5;
	p2 =	por !p2, p0  }
0x20: {  	[sflag:s8] =	ssyncset.s32 @!p0 $0xFFFFF086;
	s6 =	sadd.s32 @!p0 s3, s7;
	s7 =	simm.s32 @!p0 $0x108  }
0x21: {  	s3 =	sadd.s32 s3, s9;
	s6 =	sadd.s32 @!p0 $0x88, s6;
	s7 =	simm.s32 @p2 $0x1082  }
0x22: {  	[simem:s7], [sflag:s8] =	dma.local @!p0 [hbm:s6], $0xF7A  }
0x23: {  	s9 =	sor.u32 $0xD0000000, s2;
	s6 =	simm.s32 $0x108;
	_ =	swait.ge @!p0 [sflag:s8], $0x0  }
0x24: {  	s3 =	sadd.s32 $0x88, s3;
	s6 =	simm.s32 @!p1 $0x1082;
	[sflag:s4] =	ssyncset.s32 $0xFFFFF086  }
0x25: {  	[simem:s6], [sflag:s4] =	dma.local [hbm:s3], $0xF7A  }
0x26: {  	[smem:$0x3F95] =	sst s1;
	(tag) =	ssettag s2;
	_ =	strace s9  }
0x27: {  	s1 =	sld [smem:$0x3FA5]  }
0x28: {  	s2 =	sld [smem:$0x3FA6]  }
0x29: {  	s4 =	sld [smem:$0x3FA8]  }
0x2a: {  	p0 =	seq.s32 s5, $0x0;
	s5 =	sld [smem:$0x3FA9]  }
0x2b: {  	s6 =	sld [smem:$0x3FAA]  }
0x2c: {  	s7 =	sld [smem:$0x3FAB]  }
0x2d: {  	s3 =	simm.s32 $0x108;
	s8 =	sld [smem:$0x3FAC]  }
0x2e: {  	s3 =	simm.s32 @!p0 $0x1082;
	s9 =	sld [smem:$0x3FAD]  }
0x2f: {  	lr =	sadd.s32 s0, s3;
	s0 =	sld [smem:$0x3FA4]  }
0x30: {  	s3 =	sld [smem:$0x3FA7]  }
0x31: {  	[smem:$0x3FB0] =	sst s10  }
0x32: {  	s10 =	sld [smem:$0x3FAE];
	_ =	sdelay $0x3  }
0x33: {  	p0 =	seq.s32 s10, $0x1;
	s10 =	sld [smem:$0x3FB0];
	_ =	sdelay $0x3  }
0x34: {  	[smem:$0x3FB0] =	sst s10  }
0x35: {  	s10 =	sld [smem:$0x3FAF];
	_ =	sdelay $0x3  }
0x36: {  	p1 =	seq.s32 s10, $0x1;
	s10 =	sld [smem:$0x3FB0];
	_ =	sdelay $0x3  }
0x37: {  	[smem:$0x3FB0] =	sst s10  }
0x38: {  	s10 =	sld [smem:$0x3FB1]  }
0x39: {  	_ = 	snop;
	(pc) =	sbr.ind lr, $3  }
0x3a: {  	_ = 	snop  }
0x3b: {  	_ = 	snop  }
0x3c: {  	p2 =	seq.s32 s10, $0x1;
	s10 =	sld [smem:$0x3FB0]  }
0x3d: {  	_ =	shalt  }
0x3e: {  	_ =	shalt  }
0x3f: {  	_ =	shalt  }
0x40: {  	_ =	shalt  }
0x41: {  	_ =	shalt  }
0x42: {  	_ =	shalt  }
0x43: {  	_ =	shalt  }
0x44: {  	_ =	shalt  }
0x45: {  	_ =	shalt  }
0x46: {  	_ =	shalt  }
0x47: {  	_ =	shalt  }
0x48: {  	_ =	shalt  }
0x49: {  	_ =	shalt  }
0x4a: {  	_ =	shalt  }
0x4b: {  	_ =	shalt  }
0x4c: {  	_ =	shalt  }
0x4d: {  	_ =	shalt  }
0x4e: {  	_ =	shalt  }
0x4f: {  	_ =	shalt  }
0x50: {  	_ =	shalt  }
0x51: {  	_ =	shalt  }
0x52: {  	_ =	shalt  }
0x53: {  	_ =	shalt  }
0x54: {  	_ =	shalt  }
0x55: {  	_ =	shalt  }
0x56: {  	_ =	shalt  }
0x57: {  	_ =	shalt  }
0x58: {  	_ =	shalt  }
0x59: {  	_ =	shalt  }
0x5a: {  	_ =	shalt  }
0x5b: {  	_ =	shalt  }
0x5c: {  	_ =	shalt  }
0x5d: {  	_ =	shalt  }
0x5e: {  	_ =	shalt  }
0x5f: {  	_ =	shalt  }
0x60: {  	_ =	shalt  }
0x61: {  	_ =	shalt  }
0x62: {  	_ =	shalt  }
0x63: {  	_ =	shalt  }
0x64: {  	_ =	shalt  }
0x65: {  	_ =	shalt  }
0x66: {  	_ =	shalt  }
0x67: {  	_ =	shalt  }
0x68: {  	_ =	shalt  }
0x69: {  	_ =	shalt  }
0x6a: {  	_ =	shalt  }
0x6b: {  	_ =	shalt  }
0x6c: {  	_ =	shalt  }
0x6d: {  	_ =	shalt  }
0x6e: {  	_ =	shalt  }
0x6f: {  	_ =	shalt  }
0x70: {  	_ =	shalt  }
0x71: {  	_ =	shalt  }
0x72: {  	_ =	shalt  }
0x73: {  	_ =	shalt  }
0x74: {  	_ =	shalt  }
0x75: {  	_ =	shalt  }
0x76: {  	_ =	shalt  }
0x77: {  	_ =	shalt  }
0x78: {  	_ =	shalt  }
0x79: {  	_ =	shalt  }
0x7a: {  	_ =	shalt  }
0x7b: {  	_ =	shalt  }
0x7c: {  	_ =	shalt  }
0x7d: {  	_ =	shalt  }
0x7e: {  	_ =	shalt  }
0x7f: {  	_ =	shalt  }
0x80: {  	_ =	shalt  }
0x81: {  	_ =	shalt  }
0x82: {  	_ =	shalt  }
0x83: {  	_ =	shalt  }
0x84: {  	_ =	shalt  }
0x85: {  	_ =	shalt  }
0x86: {  	_ =	shalt  }
0x87: {  	_ =	shalt  }
.Lfunc_end0:
.L_simem_size_0:
called_computation_lowered:
.L_overlay_start_0:
0x88: {  	s2 =	sld [smem:$0x3FD9]  }
0x89: {  	s3 =	sld [smem:$0x3FFE];
	_ =	sdelay $0x1  }
0x8a: {  	s1 =	srdreg.scid  }
0x8b: {  	s0 =	sand.u32 $0x1, s1  }
0x8c: {  	s17 =	sshll.u32 s0, $0xA;
	s2 =	sadd.s32 s3, s2  }
0x8d: {  	s2 =	sadd.s32 s2, s17  }
0x8e: {  	[smem:$0x3FBC] =	sst s2  }
0x8f: {  	_ = 	snop  }
0x90: {  	s2 =	sld [smem:$0x3FD0];
	(tm) =	ssettm $0x1  }
0x91: {  	s18 =	sld [smem:$0x3FFB];
	_ =	sdelay $0x3  }
0x92: {  	_ =	strace s18  }
0x93: {  	s3 =	sld [smem:$0x3FFC];
	_ =	sdelay $0x3  }
0x94: {  	_ =	strace s3  }
0x95: {  	s3 =	sld [smem:$0x3FFD];
	_ =	sdelay $0x3  }
0x96: {  	_ =	strace s3  }
0x97: {  	_ =	strace $0x8FFFFFFF  }
0x98: {  	s19 =	sld [smem:$0x3FDB];
	_ =	sdelay $0x1  }
0x99: {  	s4 =	simm.s32 $_scs_section_size  }
0x9a: {  	s5 =	simm.s32 $_size__tile_overlayer_lowered;
	s6 =	simm.s32 $_tile_overlayer_lowered  }
0x9b: {  	s22 =	simm.s32 $0x1BFF;
	s21 =	sshll.u32 s6, $0x1;
	s3 =	sadd.s32 s4, s19  }
0x9c: {  	s7 =	simm.s32 $0x0;
	s20 =	sshll.u32 s5, $0x1;
	s5 =	sadd.s32 s21, s3  }
0x9d: {  	[timem:s7], [sflag:s22] =	dma.local [hbm:s5], s20  }
0x9e: {  	_ =	swait.ge [sflag:s22], s20  }
0x9f: {  	s4 =	ssub.s32 $0x0, s20;
	[sflag:s22] =	ssyncset.done $0x0  }
0xa0: {  	[sflag:s22] =	ssyncadd.s32 s4;
	_ =	sdelay $0x1  }
0xa1: {  	s23 =	simm.s32 $0x1B8B  }
0xa2: {  	_ =	swait.ge [sflag:s23], $0x1  }
0xa3: {  	[sflag:s23] =	ssyncset.done $0x0  }
0xa4: {  	s25 =	simm.s32 $0x1B8E;
	s24 =	sld [smem:$0x3FFE];
	[sflag:s23] =	ssyncadd.s32 $0xFFFFFFFF  }
0xa5: {  	s26 =	simm.s32 $execute0_lowered;
	[smem:$0x3FD2] =	sst s25  }
0xa6: {  	s5 =	sshll.u32 s26, $0x1;
	_ =	strace $0x80000046;
	[dreg:$0x1] =	wrdreg $0xFFFFFFFF  }
0xa7: {  	s28 =	simm.s32 $_size_execute0_lowered;
	s3 =	sadd.s32 s3, s5;
	[dreg:$0x0] =	wrdreg $0x0  }
0xa8: {  	s5 =	sshll.u32 s28, $0x1;
	[dreg:$0x2] =	wrdreg s3  }
0xa9: {  	[dreg:$0x3] =	wrdreg s5  }
0xaa: {  	[dreg:$0x4] =	wrdreg $0xC0  }
0xab: {  	_ =	task [dreg:s7], $0x5FFFF  }
0xac: {  	[dreg:$0x1] =	wrdreg $0xFFFFFFFF  }
0xad: {  	[dreg:$0x0] =	wrdreg $0x60  }
0xae: {  	[dreg:$0x2] =	wrdreg s24  }
0xaf: {  	[dreg:$0x3] =	wrdreg s2  }
0xb0: {  	[dreg:$0x4] =	wrdreg $0x9  }
0xb1: {  	_ =	task.clear_ibuf [dreg:s7], $0x5FFFF;
	_ =	strace $0x90000046  }
0xb2: {  	s29 =	simm.s32 $0x9;
	_ =	strace $0x80000048  }
0xb3: {  	_ =	swait.ge [sflag:s29], $0x1  }
0xb4: {  	[sflag:s29] =	ssyncadd.s32 $0xFFFFFFFF  }
0xb5: {  	_ =	strace $0x90000048  }
0xb6: {  	_ =	sfence  }
0xb7: {  	s30 =	sld [smem:$0x0];
	_ =	sdelay $0x2  }
0xb8: {  	s31 =	sshll.u32 s1, $0xD;
	s1 =	sshrl.u32 s1, $0x2  }
0xb9: {  	s3 =	sand.u32 $0x4000, s31;
	s1 =	sadd.s32 s1, s30  }
0xba: {  	s0 =	sor.u32 s3, s0;
	s1 =	sshll.u32 s1, $0x11  }
0xbb: {  	s0 =	sor.u32 s1, s0  }
0xbc: {  	s0 =	sadd.s32 $0x8F2B, s0  }
0xbd: {  	[sflag:s0] =	ssyncadd.remote.s32 $0x1  }
0xbe: {  	_ =	sfence.sel $0xFFFF  }
0xbf: {  	[dreg:$0x0] =	wrdreg $0xFFFFFFFF;
	(pc) =	sbr.abs _section_cstart, $3  }
0xc0: {  	[dreg:$0x1] =	wrdreg $0xFFFFFFFF  }
0xc1: {  	_ =	task.clear_ibuf [dreg:s7], $0x2FFFF;
	_ =	strace $0x9FFFFFFF  }
0xc2: {  	(tm) =	ssettm $0x7FFFFFFF  }
0xc3: {  	_ =	shalt  }
tec
execute0_lowered:
.L_overlay_start_1:
0x0: {  	(tag) =	ssettag $0x1  }
0x1: {  	s1 =	rddreg [dreg:$0x0];
	s3 =	srdreg.scid  }
0x2: {  	s0 =	stileid.u32;
	s2 =	rddreg [dreg:$0x1]  }
0x3: {  	s9 =	simm.s32 $0x2;
	s10 =	simm.s32 $0x80;
	s11 =	simm.s32 $0x800  }
0x4: {  	s12 =	simm.s32 $0x4800;
	s13 =	simm.s32 $0x100;
	s14 =	simm.s32 $0x8800  }
0x5: {  	s15 =	simm.s32 $0x180;
	s16 =	simm.s32 $0xC800;
	s17 =	simm.s32 $0x200  }
0x6: {  	s18 =	simm.s32 $0x10800;
	s19 =	simm.s32 $0x280;
	s20 =	simm.s32 $0x14800  }
0x7: {  	s21 =	simm.s32 $0x40;
	s22 =	simm.s32 $0x300;
	s23 =	simm.s32 $0x18800  }
0x8: {  	s24 =	simm.s32 $0x1;
	s25 =	simm.s32 $0x1A800;
	s26 =	simm.s32 $0x0  }
0x9: {  	s4 =	sand.u32 $0x1, s3;
	s5 =	sshll.u32 s0, $0x1;
	s3 =	simm.s32 $0x0  }
0xa: {  	s5 =	sor.u32 s4, s5;
	[smem:$0x7FF] =	sst s3;
	s7 =	ssub.s32 $0x2, s4  }
0xb: {  	s4 =	sadd.s32 $0x1C00, s1;
	s6 =	sshll.u32 s5, $0xB;
	_ =	strace $0x80000047  }
0xc: {  	s5 =	sshll.u32 s5, $0xD;
	s8 =	sshrl.u32 s7, $0x1;
	s6 =	sadd.s32 s6, s1  }
0xd: {  	s1 =	sadd.s32 s5, s1;
	s7 =	ssub.s32 s7, s8;
	s8 =	simm.s32 $0x400  }
0xe: {  	s5 =	sadd.s32 $0x13E1C00, s6;
	s6 =	sadd.s32 $0x13F1C00, s1;
	s7 =	smax.u32 s7, $0x1  }
.LBB2_1:
0xf: {  	[tilespmem:s8], [sflag:$0x2] =	stream.linear.gather [hbm4b:s2+s3], $0x400, $0x38;
	[tilespmem:$0x1B800] =	vst v63  }
0x10: {  	_ =	swait.ge [sflag:s9], $0x400  }
0x11: {  	[sflag:s9] =	ssyncset.done $0x0  }
0x12: {  	s28 =	simm.s32 $0x0;
	[sflag:s9] =	ssyncadd.s32 $0xFFFFFC00  }
.LBB2_2:
0x13: {  	s1 =	sshll.u32 s28, $0x7  }
0x14: {  	s29 =	simm.s32 $0x0;
	s1 =	sadd.s32 s1, s5  }
0x15: {  	[tilespmem:s29], [sflag:$0x2] =	stream.linear.gather [hbm4b:s1+s29], $0x400, $0x38;
	[tilespmem:$0x1B800] =	vst v63  }
0x16: {  	_ =	swait.ge [sflag:s9], $0x400  }
0x17: {  	[sflag:s9] =	ssyncset.done $0x0  }
0x18: {  	[sflag:s9] =	ssyncadd.s32 $0xFFFFFC00  }
0x19: {  	v0 =	vld [tilespmem:$0x0]  }
0x1a: {  	v1 =	vld [tilespmem:$0x400]  }
0x1b: {  	v2 =	vld [tilespmem:$0x10]  }
0x1c: {  	v3 =	vld [tilespmem:$0x410]  }
0x1d: {  	v4 =	vld [tilespmem:$0x20]  }
0x1e: {  	v5 =	vld [tilespmem:$0x420]  }
0x1f: {  	v6 =	vld [tilespmem:$0x30]  }
0x20: {  	v7 =	vld [tilespmem:$0x430]  }
0x21: {  	v8 =	vld [tilespmem:$0x40]  }
0x22: {  	v9 =	vld [tilespmem:$0x440]  }
0x23: {  	v10 =	vld [tilespmem:$0x50]  }
0x24: {  	v11 =	vld [tilespmem:$0x450]  }
0x25: {  	v12 =	vld [tilespmem:$0x60]  }
0x26: {  	v13 =	vld [tilespmem:$0x460]  }
0x27: {  	v14 =	vld [tilespmem:$0x70]  }
0x28: {  	v15 =	vld [tilespmem:$0x470]  }
0x29: {  	v16 =	vld [tilespmem:$0x80]  }
0x2a: {  	v17 =	vld [tilespmem:$0x480]  }
0x2b: {  	v18 =	vld [tilespmem:$0x90]  }
0x2c: {  	v19 =	vld [tilespmem:$0x490]  }
0x2d: {  	v20 =	vld [tilespmem:$0xA0]  }
0x2e: {  	v21 =	vld [tilespmem:$0x4A0]  }
0x2f: {  	v22 =	vld [tilespmem:$0xB0]  }
0x30: {  	v23 =	vld [tilespmem:$0x4B0]  }
0x31: {  	v24 =	vld [tilespmem:$0xC0]  }
0x32: {  	v25 =	vld [tilespmem:$0x4C0]  }
0x33: {  	v26 =	vld [tilespmem:$0xD0]  }
0x34: {  	v27 =	vld [tilespmem:$0x4D0]  }
0x35: {  	v28 =	vld [tilespmem:$0xE0]  }
0x36: {  	v29 =	vld [tilespmem:$0x4E0]  }
0x37: {  	v30 =	vld [tilespmem:$0xF0]  }
0x38: {  	v31 =	vld [tilespmem:$0x4F0]  }
0x39: {  	v32 =	vld [tilespmem:$0x100]  }
0x3a: {  	v33 =	vld [tilespmem:$0x500]  }
0x3b: {  	v34 =	vld [tilespmem:$0x110]  }
0x3c: {  	v35 =	vld [tilespmem:$0x510]  }
0x3d: {  	v36 =	vld [tilespmem:$0x120]  }
0x3e: {  	v37 =	vld [tilespmem:$0x520]  }
0x3f: {  	v38 =	vld [tilespmem:$0x130]  }
0x40: {  	v39 =	vld [tilespmem:$0x530]  }
0x41: {  	v40 =	vld [tilespmem:$0x140]  }
0x42: {  	v41 =	vld [tilespmem:$0x540]  }
0x43: {  	v42 =	vld [tilespmem:$0x150]  }
0x44: {  	v43 =	vld [tilespmem:$0x550]  }
0x45: {  	v44 =	vld [tilespmem:$0x160]  }
0x46: {  	v45 =	vld [tilespmem:$0x560]  }
0x47: {  	v46 =	vld [tilespmem:$0x170]  }
0x48: {  	v47 =	vld [tilespmem:$0x570]  }
0x49: {  	v48 =	vld [tilespmem:$0x180]  }
0x4a: {  	v49 =	vld [tilespmem:$0x580]  }
0x4b: {  	v50 =	vld [tilespmem:$0x190]  }
0x4c: {  	v51 =	vld [tilespmem:$0x590]  }
0x4d: {  	v52 =	vld [tilespmem:$0x1A0]  }
0x4e: {  	v53 =	vld [tilespmem:$0x5A0]  }
0x4f: {  	v54 =	vld [tilespmem:$0x1B0]  }
0x50: {  	v55 =	vld [tilespmem:$0x5B0]  }
0x51: {  	v56 =	vld [tilespmem:$0x1C0]  }
0x52: {  	v57 =	vld [tilespmem:$0x5C0]  }
0x53: {  	v58 =	vld [tilespmem:$0x1D0]  }
0x54: {  	v59 =	vld [tilespmem:$0x5D0]  }
0x55: {  	v60 =	vld [tilespmem:$0x1E0]  }
0x56: {  	v61 =	vld [tilespmem:$0x250];
	v0 =	vadd.s32 v0, v1  }
0x57: {  	v62 =	vld [tilespmem:$0x650];
	[tilespmem:$0x0] =	vst v0;
	v0 =	vadd.s32 v2, v3  }
0x58: {  	v63 =	vld [tilespmem:$0x260];
	[tilespmem:$0x10] =	vst v0;
	v0 =	vadd.s32 v4, v5  }
0x59: {  	v1 =	vld [tilespmem:$0x5E0];
	[tilespmem:$0x20] =	vst v0;
	v0 =	vadd.s32 v6, v7  }
0x5a: {  	v2 =	vld [tilespmem:$0x1F0];
	[tilespmem:$0x30] =	vst v0;
	v0 =	vadd.s32 v8, v9  }
0x5b: {  	v3 =	vld [tilespmem:$0x5F0];
	[tilespmem:$0x40] =	vst v0;
	v0 =	vadd.s32 v10, v11  }
0x5c: {  	v4 =	vld [tilespmem:$0x200];
	[tilespmem:$0x50] =	vst v0;
	v0 =	vadd.s32 v12, v13  }
0x5d: {  	v5 =	vld [tilespmem:$0x600];
	[tilespmem:$0x60] =	vst v0;
	v0 =	vadd.s32 v14, v15  }
0x5e: {  	v6 =	vld [tilespmem:$0x210];
	[tilespmem:$0x70] =	vst v0;
	v0 =	vadd.s32 v16, v17  }
0x5f: {  	v7 =	vld [tilespmem:$0x610];
	[tilespmem:$0x80] =	vst v0;
	v0 =	vadd.s32 v18, v19  }
0x60: {  	v8 =	vld [tilespmem:$0x220];
	[tilespmem:$0x90] =	vst v0;
	v0 =	vadd.s32 v20, v21  }
0x61: {  	v9 =	vld [tilespmem:$0x620];
	[tilespmem:$0xA0] =	vst v0;
	v0 =	vadd.s32 v22, v23  }
0x62: {  	v10 =	vld [tilespmem:$0x230];
	[tilespmem:$0xB0] =	vst v0;
	v0 =	vadd.s32 v24, v25  }
0x63: {  	v11 =	vld [tilespmem:$0x630];
	[tilespmem:$0xC0] =	vst v0;
	v0 =	vadd.s32 v26, v27  }
0x64: {  	v12 =	vld [tilespmem:$0x240];
	[tilespmem:$0xD0] =	vst v0;
	v0 =	vadd.s32 v28, v29  }
0x65: {  	v13 =	vld [tilespmem:$0x640];
	[tilespmem:$0xE0] =	vst v0;
	v0 =	vadd.s32 v30, v31  }
0x66: {  	[tilespmem:$0xF0] =	vst v0;
	v0 =	vadd.s32 v32, v33;
	v33 =	vld [tilespmem:$0x660]  }
0x67: {  	[tilespmem:$0x100] =	vst v0;
	v0 =	vadd.s32 v34, v35;
	v35 =	vld [tilespmem:$0x270]  }
0x68: {  	[tilespmem:$0x110] =	vst v0;
	v0 =	vadd.s32 v36, v37;
	v37 =	vld [tilespmem:$0x670]  }
0x69: {  	[tilespmem:$0x120] =	vst v0;
	v0 =	vadd.s32 v38, v39;
	v39 =	vld [tilespmem:$0x280]  }
0x6a: {  	[tilespmem:$0x130] =	vst v0;
	v0 =	vadd.s32 v40, v41;
	v41 =	vld [tilespmem:$0x680]  }
0x6b: {  	[tilespmem:$0x140] =	vst v0;
	v0 =	vadd.s32 v42, v43;
	v43 =	vld [tilespmem:$0x290]  }
0x6c: {  	[tilespmem:$0x150] =	vst v0;
	v0 =	vadd.s32 v44, v45;
	v45 =	vld [tilespmem:$0x690]  }
0x6d: {  	[tilespmem:$0x160] =	vst v0;
	v0 =	vadd.s32 v46, v47;
	v47 =	vld [tilespmem:$0x2A0]  }
0x6e: {  	[tilespmem:$0x170] =	vst v0;
	v0 =	vadd.s32 v48, v49;
	v49 =	vld [tilespmem:$0x6A0]  }
0x6f: {  	[tilespmem:$0x180] =	vst v0;
	v0 =	vadd.s32 v50, v51;
	v51 =	vld [tilespmem:$0x2B0]  }
0x70: {  	[tilespmem:$0x190] =	vst v0;
	v0 =	vadd.s32 v52, v53;
	v52 =	vld [tilespmem:$0x6B0]  }
0x71: {  	v53 =	vld [tilespmem:$0x2C0];
	[tilespmem:$0x1A0] =	vst v0;
	v0 =	vadd.s32 v54, v55  }
0x72: {  	v54 =	vld [tilespmem:$0x6C0];
	[tilespmem:$0x1B0] =	vst v0;
	v0 =	vadd.s32 v56, v57  }
0x73: {  	v55 =	vld [tilespmem:$0x2D0];
	[tilespmem:$0x1C0] =	vst v0;
	v0 =	vadd.s32 v58, v59  }
0x74: {  	v56 =	vld [tilespmem:$0x310];
	[tilespmem:$0x1D0] =	vst v0;
	v0 =	vadd.s32 v60, v1  }
0x75: {  	v57 =	vld [tilespmem:$0x710];
	[tilespmem:$0x1E0] =	vst v0;
	v0 =	vadd.s32 v2, v3  }
0x76: {  	v58 =	vld [tilespmem:$0x320];
	[tilespmem:$0x1F0] =	vst v0;
	v0 =	vadd.s32 v4, v5  }
0x77: {  	v59 =	vld [tilespmem:$0x720];
	[tilespmem:$0x200] =	vst v0;
	v0 =	vadd.s32 v6, v7  }
0x78: {  	v1 =	vld [tilespmem:$0x6D0];
	[tilespmem:$0x210] =	vst v0;
	v0 =	vadd.s32 v8, v9  }
0x79: {  	v60 =	vld [tilespmem:$0x330];
	[tilespmem:$0x220] =	vst v0;
	v0 =	vadd.s32 v10, v11  }
0x7a: {  	v2 =	vld [tilespmem:$0x2E0];
	[tilespmem:$0x230] =	vst v0;
	v0 =	vadd.s32 v12, v13  }
0x7b: {  	v3 =	vld [tilespmem:$0x6E0];
	[tilespmem:$0x240] =	vst v0;
	v0 =	vadd.s32 v61, v62  }
0x7c: {  	v4 =	vld [tilespmem:$0x2F0];
	[tilespmem:$0x250] =	vst v0;
	v0 =	vadd.s32 v63, v33  }
0x7d: {  	v5 =	vld [tilespmem:$0x6F0];
	[tilespmem:$0x260] =	vst v0;
	v0 =	vadd.s32 v35, v37  }
0x7e: {  	v6 =	vld [tilespmem:$0x300];
	[tilespmem:$0x270] =	vst v0;
	v0 =	vadd.s32 v39, v41  }
0x7f: {  	v7 =	vld [tilespmem:$0x700];
	[tilespmem:$0x280] =	vst v0;
	v0 =	vadd.s32 v43, v45  }
0x80: {  	v61 =	vld [tilespmem:$0x730];
	[tilespmem:$0x290] =	vst v0;
	v0 =	vadd.s32 v47, v49  }
0x81: {  	v62 =	vld [tilespmem:$0x340];
	[tilespmem:$0x2A0] =	vst v0;
	v0 =	vadd.s32 v51, v52  }
0x82: {  	v63 =	vld [tilespmem:$0x740];
	[tilespmem:$0x2B0] =	vst v0;
	v0 =	vadd.s32 v53, v54  }
0x83: {  	[tilespmem:$0x2C0] =	vst v0;
	v0 =	vadd.s32 v55, v1;
	v1 =	vld [tilespmem:$0x350]  }
0x84: {  	[tilespmem:$0x2D0] =	vst v0;
	v0 =	vadd.s32 v2, v3;
	v2 =	vld [tilespmem:$0x750]  }
0x85: {  	v3 =	vld [tilespmem:$0x360];
	[tilespmem:$0x2E0] =	vst v0;
	v0 =	vadd.s32 v4, v5  }
0x86: {  	v4 =	vld [tilespmem:$0x760];
	[tilespmem:$0x2F0] =	vst v0;
	v0 =	vadd.s32 v6, v7  }
0x87: {  	v5 =	vld [tilespmem:$0x370];
	[tilespmem:$0x300] =	vst v0;
	v0 =	vadd.s32 v56, v57  }
0x88: {  	v6 =	vld [tilespmem:$0x770];
	[tilespmem:$0x310] =	vst v0;
	v0 =	vadd.s32 v58, v59  }
0x89: {  	[tilespmem:$0x320] =	vst v0;
	v0 =	vadd.s32 v60, v61  }
0x8a: {  	[tilespmem:$0x330] =	vst v0;
	v0 =	vadd.s32 v62, v63  }
0x8b: {  	[tilespmem:$0x340] =	vst v0;
	v0 =	vadd.s32 v1, v2  }
0x8c: {  	[tilespmem:$0x350] =	vst v0;
	v0 =	vadd.s32 v3, v4  }
0x8d: {  	[tilespmem:$0x360] =	vst v0;
	v0 =	vadd.s32 v5, v6  }
0x8e: {  	[tilespmem:$0x370] =	vst v0  }
0x8f: {  	[tilespmem:s11], [sflag:$0x1] =	stream.indirect.gather [hbm4b:s4+s10], $0x80, s29, s10, $0xb8;
	[tilespmem:$0x1B800] =	vst v63  }
0x90: {  	_ = 	snop  }
0x91: {  	[tilespmem:s12], [sflag:$0x1] =	stream.indirect.gather [hbm4b:s4+s10], $0x80, s10, s10, $0xb8;
	[tilespmem:$0x1B800] =	vst v63  }
0x92: {  	_ = 	snop  }
0x93: {  	[tilespmem:s14], [sflag:$0x1] =	stream.indirect.gather [hbm4b:s4+s10], $0x80, s13, s10, $0xb8;
	[tilespmem:$0x1B800] =	vst v63  }
0x94: {  	_ = 	snop  }
0x95: {  	[tilespmem:s16], [sflag:$0x1] =	stream.indirect.gather [hbm4b:s4+s10], $0x80, s15, s10, $0xb8;
	[tilespmem:$0x1B800] =	vst v63  }
0x96: {  	_ = 	snop  }
0x97: {  	[tilespmem:s18], [sflag:$0x1] =	stream.indirect.gather [hbm4b:s4+s10], $0x80, s17, s10, $0xb8;
	[tilespmem:$0x1B800] =	vst v63  }
0x98: {  	_ = 	snop  }
0x99: {  	[tilespmem:s20], [sflag:$0x1] =	stream.indirect.gather [hbm4b:s4+s10], $0x80, s19, s10, $0xb8;
	[tilespmem:$0x1B800] =	vst v63  }
0x9a: {  	_ = 	snop  }
0x9b: {  	[tilespmem:s23], [sflag:$0x1] =	stream.indirect.gather [hbm4b:s4+s21], $0x80, s22, s21, $0xb8;
	[tilespmem:$0x1B800] =	vst v63  }
0x9c: {  	_ =	swait.ge [sflag:s24], $0x4000  }
0x9d: {  	[sflag:s24] =	ssyncset.done $0x0  }
0x9e: {  	[sflag:s24] =	ssyncadd.s32 $0xFFFFC000  }
0x9f: {  	_ =	swait.ge [sflag:s24], $0x4000  }
0xa0: {  	[sflag:s24] =	ssyncset.done $0x0  }
0xa1: {  	[sflag:s24] =	ssyncadd.s32 $0xFFFFC000  }
0xa2: {  	_ =	swait.ge [sflag:s24], $0x4000  }
0xa3: {  	[sflag:s24] =	ssyncset.done $0x0  }
0xa4: {  	[sflag:s24] =	ssyncadd.s32 $0xFFFFC000  }
0xa5: {  	_ =	swait.ge [sflag:s24], $0x4000  }
0xa6: {  	[sflag:s24] =	ssyncset.done $0x0  }
0xa7: {  	[sflag:s24] =	ssyncadd.s32 $0xFFFFC000  }
0xa8: {  	_ =	swait.ge [sflag:s24], $0x4000  }
0xa9: {  	[sflag:s24] =	ssyncset.done $0x0  }
0xaa: {  	[sflag:s24] =	ssyncadd.s32 $0xFFFFC000  }
0xab: {  	_ =	swait.ge [sflag:s24], $0x4000  }
0xac: {  	[sflag:s24] =	ssyncset.done $0x0  }
0xad: {  	[sflag:s24] =	ssyncadd.s32 $0xFFFFC000  }
0xae: {  	s0 =	smul.u32 $0x3400, s29;
	_ =	swait.ge [sflag:s24], $0x2000  }
0xaf: {  	[sflag:s24] =	ssyncset.done $0x0  }
0xb0: {  	s1 =	sshra.s32 s0, $0x2;
	[sflag:s24] =	ssyncadd.s32 $0xFFFFE000  }
0xb1: {  	v0 =	vld [tilespmem:s1+$0x800]  }
0xb2: {  	v1 =	vld [tilespmem:s1+$0x880];
	_ =	sdelay $0x1  }
0xb3: {  	v2 =	vld [tilespmem:s1+$0x900];
	_ =	sdelay $0x1  }
0xb4: {  	v3 =	vld [tilespmem:s1+$0x980]  }
0xb5: {  	v0 =	vadd.f32 v1, v0  }
0xb6: {  	v1 =	vld [tilespmem:s1+$0xA00]  }
0xb7: {  	v0 =	vadd.f32 v2, v0  }
0xb8: {  	v2 =	vld [tilespmem:s1+$0xA80]  }
0xb9: {  	v0 =	vadd.f32 v3, v0  }
0xba: {  	v3 =	vld [tilespmem:s1+$0xB00]  }
0xbb: {  	v0 =	vadd.f32 v1, v0  }
0xbc: {  	v1 =	vld [tilespmem:s1+$0xB80]  }
0xbd: {  	v0 =	vadd.f32 v2, v0  }
0xbe: {  	v2 =	vld [tilespmem:s1+$0xC00]  }
0xbf: {  	v0 =	vadd.f32 v3, v0  }
0xc0: {  	v3 =	vld [tilespmem:s1+$0xC80]  }
0xc1: {  	v0 =	vadd.f32 v1, v0  }
0xc2: {  	v1 =	vld [tilespmem:s1+$0xD00]  }
0xc3: {  	v0 =	vadd.f32 v2, v0  }
0xc4: {  	v2 =	vld [tilespmem:s1+$0xD80]  }
0xc5: {  	v0 =	vadd.f32 v3, v0  }
0xc6: {  	v3 =	vld [tilespmem:s1+$0xE00]  }
0xc7: {  	v0 =	vadd.f32 v1, v0  }
0xc8: {  	v1 =	vld [tilespmem:s1+$0xEC0]  }
0xc9: {  	v0 =	vadd.f32 v2, v0  }
0xca: {  	v2 =	vld [tilespmem:s1+$0xF40]  }
0xcb: {  	v0 =	vadd.f32 v3, v0  }
0xcc: {  	v3 =	vld [tilespmem:s1+$0xFC0]  }
0xcd: {  	v0 =	vadd.f32 v1, v0  }
0xce: {  	v1 =	vld [tilespmem:s1+$0x1040]  }
0xcf: {  	v0 =	vadd.f32 v2, v0  }
0xd0: {  	v2 =	vld [tilespmem:s1+$0x10C0]  }
0xd1: {  	v0 =	vadd.f32 v3, v0  }
0xd2: {  	v3 =	vld [tilespmem:s1+$0x1140]  }
0xd3: {  	v0 =	vadd.f32 v1, v0  }
0xd4: {  	v1 =	vld [tilespmem:s1+$0x11C0]  }
0xd5: {  	v0 =	vadd.f32 v2, v0  }
0xd6: {  	v2 =	vld [tilespmem:s1+$0x1240]  }
0xd7: {  	v0 =	vadd.f32 v3, v0  }
0xd8: {  	v3 =	vld [tilespmem:s1+$0x12C0]  }
0xd9: {  	v0 =	vadd.f32 v1, v0  }
0xda: {  	v1 =	vld [tilespmem:s1+$0x1340]  }
0xdb: {  	v0 =	vadd.f32 v2, v0  }
0xdc: {  	v2 =	vld [tilespmem:s1+$0x13C0]  }
0xdd: {  	v0 =	vadd.f32 v3, v0  }
0xde: {  	v3 =	vld [tilespmem:s1+$0x1440]  }
0xdf: {  	v0 =	vadd.f32 v1, v0  }
0xe0: {  	v1 =	vld [tilespmem:s1+$0x14C0]  }
0xe1: {  	v0 =	vadd.f32 v2, v0;
	_ =	sdelay $0x1  }
0xe2: {  	v0 =	vadd.f32 v3, v0;
	_ =	sdelay $0x1  }
0xe3: {  	s30 =	simm.s32 $0x0;
	v0 =	vadd.f32 v1, v0  }
0xe4: {  	s30 =	sand.u32 $0x3FFFFF80, s30  }
0xe5: {  	[tilespmem:s30+$0x1A800] =	vst v0  }
0xe6: {  	v0 =	vld [tilespmem:s1+$0x810]  }
0xe7: {  	v1 =	vld [tilespmem:s1+$0x890];
	_ =	sdelay $0x1  }
0xe8: {  	v2 =	vld [tilespmem:s1+$0x910];
	_ =	sdelay $0x1  }
0xe9: {  	v3 =	vld [tilespmem:s1+$0x990]  }
0xea: {  	v0 =	vadd.f32 v1, v0  }
0xeb: {  	v1 =	vld [tilespmem:s1+$0xA10]  }
0xec: {  	v0 =	vadd.f32 v2, v0  }
0xed: {  	v2 =	vld [tilespmem:s1+$0xA90]  }
0xee: {  	v0 =	vadd.f32 v3, v0  }
0xef: {  	v3 =	vld [tilespmem:s1+$0xB10]  }
0xf0: {  	v0 =	vadd.f32 v1, v0  }
0xf1: {  	v1 =	vld [tilespmem:s1+$0xB90]  }
0xf2: {  	v0 =	vadd.f32 v2, v0  }
0xf3: {  	v2 =	vld [tilespmem:s1+$0xC10]  }
0xf4: {  	v0 =	vadd.f32 v3, v0  }
0xf5: {  	v3 =	vld [tilespmem:s1+$0xC90]  }
0xf6: {  	v0 =	vadd.f32 v1, v0  }
0xf7: {  	v1 =	vld [tilespmem:s1+$0xD10]  }
0xf8: {  	v0 =	vadd.f32 v2, v0  }
0xf9: {  	v2 =	vld [tilespmem:s1+$0xD90]  }
0xfa: {  	v0 =	vadd.f32 v3, v0  }
0xfb: {  	v3 =	vld [tilespmem:s1+$0xE10]  }
0xfc: {  	v0 =	vadd.f32 v1, v0  }
0xfd: {  	v1 =	vld [tilespmem:s1+$0xED0]  }
0xfe: {  	v0 =	vadd.f32 v2, v0  }
0xff: {  	v2 =	vld [tilespmem:s1+$0xF50]  }
0x100: {  	v0 =	vadd.f32 v3, v0  }
0x101: {  	v3 =	vld [tilespmem:s1+$0xFD0]  }
0x102: {  	v0 =	vadd.f32 v1, v0  }
0x103: {  	v1 =	vld [tilespmem:s1+$0x1050]  }
0x104: {  	v0 =	vadd.f32 v2, v0  }
0x105: {  	v2 =	vld [tilespmem:s1+$0x10D0]  }
0x106: {  	v0 =	vadd.f32 v3, v0  }
0x107: {  	v3 =	vld [tilespmem:s1+$0x1150]  }
0x108: {  	v0 =	vadd.f32 v1, v0  }
0x109: {  	v1 =	vld [tilespmem:s1+$0x11D0]  }
0x10a: {  	v0 =	vadd.f32 v2, v0  }
0x10b: {  	v2 =	vld [tilespmem:s1+$0x1250]  }
0x10c: {  	v0 =	vadd.f32 v3, v0  }
0x10d: {  	v3 =	vld [tilespmem:s1+$0x12D0]  }
0x10e: {  	v0 =	vadd.f32 v1, v0  }
0x10f: {  	v1 =	vld [tilespmem:s1+$0x1350]  }
0x110: {  	v0 =	vadd.f32 v2, v0  }
0x111: {  	v2 =	vld [tilespmem:s1+$0x13D0]  }
0x112: {  	v0 =	vadd.f32 v3, v0  }
0x113: {  	v3 =	vld [tilespmem:s1+$0x1450]  }
0x114: {  	v0 =	vadd.f32 v1, v0  }
0x115: {  	v1 =	vld [tilespmem:s1+$0x14D0]  }
0x116: {  	v0 =	vadd.f32 v2, v0;
	_ =	sdelay $0x1  }
0x117: {  	v0 =	vadd.f32 v3, v0;
	_ =	sdelay $0x1  }
0x118: {  	v0 =	vadd.f32 v1, v0;
	_ =	sdelay $0x1  }
0x119: {  	[tilespmem:s30+$0x1A810] =	vst v0  }
0x11a: {  	v0 =	vld [tilespmem:s1+$0x820]  }
0x11b: {  	v1 =	vld [tilespmem:s1+$0x8A0];
	_ =	sdelay $0x1  }
0x11c: {  	v2 =	vld [tilespmem:s1+$0x920];
	_ =	sdelay $0x1  }
0x11d: {  	v3 =	vld [tilespmem:s1+$0x9A0]  }
0x11e: {  	v0 =	vadd.f32 v1, v0  }
0x11f: {  	v1 =	vld [tilespmem:s1+$0xA20]  }
0x120: {  	v0 =	vadd.f32 v2, v0  }
0x121: {  	v2 =	vld [tilespmem:s1+$0xAA0]  }
0x122: {  	v0 =	vadd.f32 v3, v0  }
0x123: {  	v3 =	vld [tilespmem:s1+$0xB20]  }
0x124: {  	v0 =	vadd.f32 v1, v0  }
0x125: {  	v1 =	vld [tilespmem:s1+$0xBA0]  }
0x126: {  	v0 =	vadd.f32 v2, v0  }
0x127: {  	v2 =	vld [tilespmem:s1+$0xC20]  }
0x128: {  	v0 =	vadd.f32 v3, v0  }
0x129: {  	v3 =	vld [tilespmem:s1+$0xCA0]  }
0x12a: {  	v0 =	vadd.f32 v1, v0  }
0x12b: {  	v1 =	vld [tilespmem:s1+$0xD20]  }
0x12c: {  	v0 =	vadd.f32 v2, v0  }
0x12d: {  	v2 =	vld [tilespmem:s1+$0xDA0]  }
0x12e: {  	v0 =	vadd.f32 v3, v0  }
0x12f: {  	v3 =	vld [tilespmem:s1+$0xE20]  }
0x130: {  	v0 =	vadd.f32 v1, v0  }
0x131: {  	v1 =	vld [tilespmem:s1+$0xEE0]  }
0x132: {  	v0 =	vadd.f32 v2, v0  }
0x133: {  	v2 =	vld [tilespmem:s1+$0xF60]  }
0x134: {  	v0 =	vadd.f32 v3, v0  }
0x135: {  	v3 =	vld [tilespmem:s1+$0xFE0]  }
0x136: {  	v0 =	vadd.f32 v1, v0  }
0x137: {  	v1 =	vld [tilespmem:s1+$0x1060]  }
0x138: {  	v0 =	vadd.f32 v2, v0  }
0x139: {  	v2 =	vld [tilespmem:s1+$0x10E0]  }
0x13a: {  	v0 =	vadd.f32 v3, v0  }
0x13b: {  	v3 =	vld [tilespmem:s1+$0x1160]  }
0x13c: {  	v0 =	vadd.f32 v1, v0  }
0x13d: {  	v1 =	vld [tilespmem:s1+$0x11E0]  }
0x13e: {  	v0 =	vadd.f32 v2, v0  }
0x13f: {  	v2 =	vld [tilespmem:s1+$0x1260]  }
0x140: {  	v0 =	vadd.f32 v3, v0  }
0x141: {  	v3 =	vld [tilespmem:s1+$0x12E0]  }
0x142: {  	v0 =	vadd.f32 v1, v0  }
0x143: {  	v1 =	vld [tilespmem:s1+$0x1360]  }
0x144: {  	v0 =	vadd.f32 v2, v0  }
0x145: {  	v2 =	vld [tilespmem:s1+$0x13E0]  }
0x146: {  	v0 =	vadd.f32 v3, v0  }
0x147: {  	v3 =	vld [tilespmem:s1+$0x1460]  }
0x148: {  	v0 =	vadd.f32 v1, v0  }
0x149: {  	v1 =	vld [tilespmem:s1+$0x14E0]  }
0x14a: {  	v0 =	vadd.f32 v2, v0;
	_ =	sdelay $0x1  }
0x14b: {  	v0 =	vadd.f32 v3, v0;
	_ =	sdelay $0x1  }
0x14c: {  	v0 =	vadd.f32 v1, v0;
	_ =	sdelay $0x1  }
0x14d: {  	[tilespmem:s30+$0x1A820] =	vst v0  }
0x14e: {  	v0 =	vld [tilespmem:s1+$0x830]  }
0x14f: {  	v1 =	vld [tilespmem:s1+$0x8B0];
	_ =	sdelay $0x1  }
0x150: {  	v2 =	vld [tilespmem:s1+$0x930];
	_ =	sdelay $0x1  }
0x151: {  	v3 =	vld [tilespmem:s1+$0x9B0]  }
0x152: {  	v0 =	vadd.f32 v1, v0  }
0x153: {  	v1 =	vld [tilespmem:s1+$0xA30]  }
0x154: {  	v0 =	vadd.f32 v2, v0  }
0x155: {  	v2 =	vld [tilespmem:s1+$0xAB0]  }
0x156: {  	v0 =	vadd.f32 v3, v0  }
0x157: {  	v3 =	vld [tilespmem:s1+$0xB30]  }
0x158: {  	v0 =	vadd.f32 v1, v0  }
0x159: {  	v1 =	vld [tilespmem:s1+$0xBB0]  }
0x15a: {  	v0 =	vadd.f32 v2, v0  }
0x15b: {  	v2 =	vld [tilespmem:s1+$0xC30]  }
0x15c: {  	v0 =	vadd.f32 v3, v0  }
0x15d: {  	v3 =	vld [tilespmem:s1+$0xCB0]  }
0x15e: {  	v0 =	vadd.f32 v1, v0  }
0x15f: {  	v1 =	vld [tilespmem:s1+$0xD30]  }
0x160: {  	v0 =	vadd.f32 v2, v0  }
0x161: {  	v2 =	vld [tilespmem:s1+$0xDB0]  }
0x162: {  	v0 =	vadd.f32 v3, v0  }
0x163: {  	v3 =	vld [tilespmem:s1+$0xE30]  }
0x164: {  	v0 =	vadd.f32 v1, v0  }
0x165: {  	v1 =	vld [tilespmem:s1+$0xEF0]  }
0x166: {  	v0 =	vadd.f32 v2, v0  }
0x167: {  	v2 =	vld [tilespmem:s1+$0xF70]  }
0x168: {  	v0 =	vadd.f32 v3, v0  }
0x169: {  	v3 =	vld [tilespmem:s1+$0xFF0]  }
0x16a: {  	v0 =	vadd.f32 v1, v0  }
0x16b: {  	v1 =	vld [tilespmem:s1+$0x1070]  }
0x16c: {  	v0 =	vadd.f32 v2, v0  }
0x16d: {  	v2 =	vld [tilespmem:s1+$0x10F0]  }
0x16e: {  	v0 =	vadd.f32 v3, v0  }
0x16f: {  	v3 =	vld [tilespmem:s1+$0x1170]  }
0x170: {  	v0 =	vadd.f32 v1, v0  }
0x171: {  	v1 =	vld [tilespmem:s1+$0x11F0]  }
0x172: {  	v0 =	vadd.f32 v2, v0  }
0x173: {  	v2 =	vld [tilespmem:s1+$0x1270]  }
0x174: {  	v0 =	vadd.f32 v3, v0  }
0x175: {  	v3 =	vld [tilespmem:s1+$0x12F0]  }
0x176: {  	v0 =	vadd.f32 v1, v0  }
0x177: {  	v1 =	vld [tilespmem:s1+$0x1370]  }
0x178: {  	v0 =	vadd.f32 v2, v0  }
0x179: {  	v2 =	vld [tilespmem:s1+$0x13F0]  }
0x17a: {  	v0 =	vadd.f32 v3, v0  }
0x17b: {  	v3 =	vld [tilespmem:s1+$0x1470]  }
0x17c: {  	v0 =	vadd.f32 v1, v0  }
0x17d: {  	v1 =	vld [tilespmem:s1+$0x14F0]  }
0x17e: {  	v0 =	vadd.f32 v2, v0;
	_ =	sdelay $0x1  }
0x17f: {  	v0 =	vadd.f32 v3, v0  }
0x180: {  	s29 =	sor.u32 $0x1, s29  }
0x181: {  	s31 =	smul.u32 $0x3400, s29;
	v0 =	vadd.f32 v1, v0;
	_ =	sdelay $0x1  }
0x182: {  	s1 =	sshra.s32 s31, $0x2;
	[tilespmem:s30+$0x1A830] =	vst v0  }
0x183: {  	v0 =	vld [tilespmem:s1+$0x800]  }
0x184: {  	v1 =	vld [tilespmem:s1+$0x880];
	_ =	sdelay $0x1  }
0x185: {  	v2 =	vld [tilespmem:s1+$0x900];
	_ =	sdelay $0x1  }
0x186: {  	v3 =	vld [tilespmem:s1+$0x980]  }
0x187: {  	v0 =	vadd.f32 v1, v0  }
0x188: {  	v1 =	vld [tilespmem:s1+$0xA00]  }
0x189: {  	v0 =	vadd.f32 v2, v0  }
0x18a: {  	v2 =	vld [tilespmem:s1+$0xA80]  }
0x18b: {  	v0 =	vadd.f32 v3, v0  }
0x18c: {  	v3 =	vld [tilespmem:s1+$0xB00]  }
0x18d: {  	v0 =	vadd.f32 v1, v0  }
0x18e: {  	v1 =	vld [tilespmem:s1+$0xB80]  }
0x18f: {  	v0 =	vadd.f32 v2, v0  }
0x190: {  	v2 =	vld [tilespmem:s1+$0xC00]  }
0x191: {  	v0 =	vadd.f32 v3, v0  }
0x192: {  	v3 =	vld [tilespmem:s1+$0xC80]  }
0x193: {  	v0 =	vadd.f32 v1, v0  }
0x194: {  	v1 =	vld [tilespmem:s1+$0xD00]  }
0x195: {  	v0 =	vadd.f32 v2, v0  }
0x196: {  	v2 =	vld [tilespmem:s1+$0xD80]  }
0x197: {  	v0 =	vadd.f32 v3, v0  }
0x198: {  	v3 =	vld [tilespmem:s1+$0xE00]  }
0x199: {  	v0 =	vadd.f32 v1, v0  }
0x19a: {  	v1 =	vld [tilespmem:s1+$0xEC0]  }
0x19b: {  	v0 =	vadd.f32 v2, v0  }
0x19c: {  	v2 =	vld [tilespmem:s1+$0xF40]  }
0x19d: {  	v0 =	vadd.f32 v3, v0  }
0x19e: {  	v3 =	vld [tilespmem:s1+$0xFC0]  }
0x19f: {  	v0 =	vadd.f32 v1, v0  }
0x1a0: {  	v1 =	vld [tilespmem:s1+$0x1040]  }
0x1a1: {  	v0 =	vadd.f32 v2, v0  }
0x1a2: {  	v2 =	vld [tilespmem:s1+$0x10C0]  }
0x1a3: {  	v0 =	vadd.f32 v3, v0  }
0x1a4: {  	v3 =	vld [tilespmem:s1+$0x1140]  }
0x1a5: {  	v0 =	vadd.f32 v1, v0  }
0x1a6: {  	v1 =	vld [tilespmem:s1+$0x11C0]  }
0x1a7: {  	v0 =	vadd.f32 v2, v0  }
0x1a8: {  	v2 =	vld [tilespmem:s1+$0x1240]  }
0x1a9: {  	v0 =	vadd.f32 v3, v0  }
0x1aa: {  	v3 =	vld [tilespmem:s1+$0x12C0]  }
0x1ab: {  	v0 =	vadd.f32 v1, v0  }
0x1ac: {  	v1 =	vld [tilespmem:s1+$0x1340]  }
0x1ad: {  	v0 =	vadd.f32 v2, v0  }
0x1ae: {  	v2 =	vld [tilespmem:s1+$0x13C0]  }
0x1af: {  	v0 =	vadd.f32 v3, v0  }
0x1b0: {  	v3 =	vld [tilespmem:s1+$0x1440]  }
0x1b1: {  	v0 =	vadd.f32 v1, v0  }
0x1b2: {  	v1 =	vld [tilespmem:s1+$0x14C0]  }
0x1b3: {  	v0 =	vadd.f32 v2, v0;
	_ =	sdelay $0x1  }
0x1b4: {  	v0 =	vadd.f32 v3, v0;
	_ =	sdelay $0x1  }
0x1b5: {  	s29 =	sshll.u32 s29, $0x7;
	v0 =	vadd.f32 v1, v0  }
0x1b6: {  	s30 =	sand.u32 $0x3FFFFF80, s29  }
0x1b7: {  	[tilespmem:s30+$0x1A800] =	vst v0  }
0x1b8: {  	v0 =	vld [tilespmem:s1+$0x810]  }
0x1b9: {  	v1 =	vld [tilespmem:s1+$0x890];
	_ =	sdelay $0x1  }
0x1ba: {  	v2 =	vld [tilespmem:s1+$0x910];
	_ =	sdelay $0x1  }
0x1bb: {  	v3 =	vld [tilespmem:s1+$0x990]  }
0x1bc: {  	v0 =	vadd.f32 v1, v0  }
0x1bd: {  	v1 =	vld [tilespmem:s1+$0xA10]  }
0x1be: {  	v0 =	vadd.f32 v2, v0  }
0x1bf: {  	v2 =	vld [tilespmem:s1+$0xA90]  }
0x1c0: {  	v0 =	vadd.f32 v3, v0  }
0x1c1: {  	v3 =	vld [tilespmem:s1+$0xB10]  }
0x1c2: {  	v0 =	vadd.f32 v1, v0  }
0x1c3: {  	v1 =	vld [tilespmem:s1+$0xB90]  }
0x1c4: {  	v0 =	vadd.f32 v2, v0  }
0x1c5: {  	v2 =	vld [tilespmem:s1+$0xC10]  }
0x1c6: {  	v0 =	vadd.f32 v3, v0  }
0x1c7: {  	v3 =	vld [tilespmem:s1+$0xC90]  }
0x1c8: {  	v0 =	vadd.f32 v1, v0  }
0x1c9: {  	v1 =	vld [tilespmem:s1+$0xD10]  }
0x1ca: {  	v0 =	vadd.f32 v2, v0  }
0x1cb: {  	v2 =	vld [tilespmem:s1+$0xD90]  }
0x1cc: {  	v0 =	vadd.f32 v3, v0  }
0x1cd: {  	v3 =	vld [tilespmem:s1+$0xE10]  }
0x1ce: {  	v0 =	vadd.f32 v1, v0  }
0x1cf: {  	v1 =	vld [tilespmem:s1+$0xED0]  }
0x1d0: {  	v0 =	vadd.f32 v2, v0  }
0x1d1: {  	v2 =	vld [tilespmem:s1+$0xF50]  }
0x1d2: {  	v0 =	vadd.f32 v3, v0  }
0x1d3: {  	v3 =	vld [tilespmem:s1+$0xFD0]  }
0x1d4: {  	v0 =	vadd.f32 v1, v0  }
0x1d5: {  	v1 =	vld [tilespmem:s1+$0x1050]  }
0x1d6: {  	v0 =	vadd.f32 v2, v0  }
0x1d7: {  	v2 =	vld [tilespmem:s1+$0x10D0]  }
0x1d8: {  	v0 =	vadd.f32 v3, v0  }
0x1d9: {  	v3 =	vld [tilespmem:s1+$0x1150]  }
0x1da: {  	v0 =	vadd.f32 v1, v0  }
0x1db: {  	v1 =	vld [tilespmem:s1+$0x11D0]  }
0x1dc: {  	v0 =	vadd.f32 v2, v0  }
0x1dd: {  	v2 =	vld [tilespmem:s1+$0x1250]  }
0x1de: {  	v0 =	vadd.f32 v3, v0  }
0x1df: {  	v3 =	vld [tilespmem:s1+$0x12D0]  }
0x1e0: {  	v0 =	vadd.f32 v1, v0  }
0x1e1: {  	v1 =	vld [tilespmem:s1+$0x1350]  }
0x1e2: {  	v0 =	vadd.f32 v2, v0  }
0x1e3: {  	v2 =	vld [tilespmem:s1+$0x13D0]  }
0x1e4: {  	v0 =	vadd.f32 v3, v0  }
0x1e5: {  	v3 =	vld [tilespmem:s1+$0x1450]  }
0x1e6: {  	v0 =	vadd.f32 v1, v0  }
0x1e7: {  	v1 =	vld [tilespmem:s1+$0x14D0]  }
0x1e8: {  	v0 =	vadd.f32 v2, v0;
	_ =	sdelay $0x1  }
0x1e9: {  	v0 =	vadd.f32 v3, v0;
	_ =	sdelay $0x1  }
0x1ea: {  	v0 =	vadd.f32 v1, v0;
	_ =	sdelay $0x1  }
0x1eb: {  	[tilespmem:s30+$0x1A810] =	vst v0  }
0x1ec: {  	v0 =	vld [tilespmem:s1+$0x820]  }
0x1ed: {  	v1 =	vld [tilespmem:s1+$0x8A0];
	_ =	sdelay $0x1  }
0x1ee: {  	v2 =	vld [tilespmem:s1+$0x920];
	_ =	sdelay $0x1  }
0x1ef: {  	v3 =	vld [tilespmem:s1+$0x9A0]  }
0x1f0: {  	v0 =	vadd.f32 v1, v0  }
0x1f1: {  	v1 =	vld [tilespmem:s1+$0xA20]  }
0x1f2: {  	v0 =	vadd.f32 v2, v0  }
0x1f3: {  	v2 =	vld [tilespmem:s1+$0xAA0]  }
0x1f4: {  	v0 =	vadd.f32 v3, v0  }
0x1f5: {  	v3 =	vld [tilespmem:s1+$0xB20]  }
0x1f6: {  	v0 =	vadd.f32 v1, v0  }
0x1f7: {  	v1 =	vld [tilespmem:s1+$0xBA0]  }
0x1f8: {  	v0 =	vadd.f32 v2, v0  }
0x1f9: {  	v2 =	vld [tilespmem:s1+$0xC20]  }
0x1fa: {  	v0 =	vadd.f32 v3, v0  }
0x1fb: {  	v3 =	vld [tilespmem:s1+$0xCA0]  }
0x1fc: {  	v0 =	vadd.f32 v1, v0  }
0x1fd: {  	v1 =	vld [tilespmem:s1+$0xD20]  }
0x1fe: {  	v0 =	vadd.f32 v2, v0  }
0x1ff: {  	v2 =	vld [tilespmem:s1+$0xDA0]  }
0x200: {  	v0 =	vadd.f32 v3, v0  }
0x201: {  	v3 =	vld [tilespmem:s1+$0xE20]  }
0x202: {  	v0 =	vadd.f32 v1, v0  }
0x203: {  	v1 =	vld [tilespmem:s1+$0xEE0]  }
0x204: {  	v0 =	vadd.f32 v2, v0  }
0x205: {  	v2 =	vld [tilespmem:s1+$0xF60]  }
0x206: {  	v0 =	vadd.f32 v3, v0  }
0x207: {  	v3 =	vld [tilespmem:s1+$0xFE0]  }
0x208: {  	v0 =	vadd.f32 v1, v0  }
0x209: {  	v1 =	vld [tilespmem:s1+$0x1060]  }
0x20a: {  	v0 =	vadd.f32 v2, v0  }
0x20b: {  	v2 =	vld [tilespmem:s1+$0x10E0]  }
0x20c: {  	v0 =	vadd.f32 v3, v0  }
0x20d: {  	v3 =	vld [tilespmem:s1+$0x1160]  }
0x20e: {  	v0 =	vadd.f32 v1, v0  }
0x20f: {  	v1 =	vld [tilespmem:s1+$0x11E0]  }
0x210: {  	v0 =	vadd.f32 v2, v0  }
0x211: {  	v2 =	vld [tilespmem:s1+$0x1260]  }
0x212: {  	v0 =	vadd.f32 v3, v0  }
0x213: {  	v3 =	vld [tilespmem:s1+$0x12E0]  }
0x214: {  	v0 =	vadd.f32 v1, v0  }
0x215: {  	v1 =	vld [tilespmem:s1+$0x1360]  }
0x216: {  	v0 =	vadd.f32 v2, v0  }
0x217: {  	v2 =	vld [tilespmem:s1+$0x13E0]  }
0x218: {  	v0 =	vadd.f32 v3, v0  }
0x219: {  	v3 =	vld [tilespmem:s1+$0x1460]  }
0x21a: {  	v0 =	vadd.f32 v1, v0  }
0x21b: {  	v1 =	vld [tilespmem:s1+$0x14E0]  }
0x21c: {  	v0 =	vadd.f32 v2, v0;
	_ =	sdelay $0x1  }
0x21d: {  	v0 =	vadd.f32 v3, v0;
	_ =	sdelay $0x1  }
0x21e: {  	v0 =	vadd.f32 v1, v0;
	_ =	sdelay $0x1  }
0x21f: {  	[tilespmem:s30+$0x1A820] =	vst v0  }
0x220: {  	v0 =	vld [tilespmem:s1+$0x830]  }
0x221: {  	v1 =	vld [tilespmem:s1+$0x8B0];
	_ =	sdelay $0x1  }
0x222: {  	v2 =	vld [tilespmem:s1+$0x930];
	_ =	sdelay $0x1  }
0x223: {  	v3 =	vld [tilespmem:s1+$0x9B0]  }
0x224: {  	v0 =	vadd.f32 v1, v0  }
0x225: {  	v1 =	vld [tilespmem:s1+$0xA30]  }
0x226: {  	v0 =	vadd.f32 v2, v0  }
0x227: {  	v2 =	vld [tilespmem:s1+$0xAB0]  }
0x228: {  	v0 =	vadd.f32 v3, v0  }
0x229: {  	v3 =	vld [tilespmem:s1+$0xB30]  }
0x22a: {  	v0 =	vadd.f32 v1, v0  }
0x22b: {  	v1 =	vld [tilespmem:s1+$0xBB0]  }
0x22c: {  	v0 =	vadd.f32 v2, v0  }
0x22d: {  	v2 =	vld [tilespmem:s1+$0xC30]  }
0x22e: {  	v0 =	vadd.f32 v3, v0  }
0x22f: {  	v3 =	vld [tilespmem:s1+$0xCB0]  }
0x230: {  	v0 =	vadd.f32 v1, v0  }
0x231: {  	v1 =	vld [tilespmem:s1+$0xD30]  }
0x232: {  	v0 =	vadd.f32 v2, v0  }
0x233: {  	v2 =	vld [tilespmem:s1+$0xDB0]  }
0x234: {  	v0 =	vadd.f32 v3, v0  }
0x235: {  	v3 =	vld [tilespmem:s1+$0xE30]  }
0x236: {  	v0 =	vadd.f32 v1, v0  }
0x237: {  	v1 =	vld [tilespmem:s1+$0xEF0]  }
0x238: {  	v0 =	vadd.f32 v2, v0  }
0x239: {  	v2 =	vld [tilespmem:s1+$0xF70]  }
0x23a: {  	v0 =	vadd.f32 v3, v0  }
0x23b: {  	v3 =	vld [tilespmem:s1+$0xFF0]  }
0x23c: {  	v0 =	vadd.f32 v1, v0  }
0x23d: {  	v1 =	vld [tilespmem:s1+$0x1070]  }
0x23e: {  	v0 =	vadd.f32 v2, v0  }
0x23f: {  	v2 =	vld [tilespmem:s1+$0x10F0]  }
0x240: {  	v0 =	vadd.f32 v3, v0  }
0x241: {  	v3 =	vld [tilespmem:s1+$0x1170]  }
0x242: {  	v0 =	vadd.f32 v1, v0  }
0x243: {  	v1 =	vld [tilespmem:s1+$0x11F0]  }
0x244: {  	v0 =	vadd.f32 v2, v0  }
0x245: {  	v4 =	vld [tilespmem:s1+$0x1270]  }
0x246: {  	v0 =	vadd.f32 v3, v0  }
0x247: {  	v5 =	vld [tilespmem:s1+$0x12F0]  }
0x248: {  	v1 =	vadd.f32 v1, v0  }
0x249: {  	v2 =	vld [tilespmem:s1+$0x1370]  }
0x24a: {  	v3 =	vld [tilespmem:s1+$0x1470];
	v4 =	vadd.f32 v4, v1  }
0x24b: {  	v0 =	vld [tilespmem:s1+$0x13F0]  }
0x24c: {  	s29 =	simm.s32 $0x2;
	v1 =	vld [tilespmem:s1+$0x14F0];
	v4 =	vadd.f32 v5, v4  }
.LBB2_3:
0x24d: {  	p0 =	slt.u32 s29, $0x1E;
	s31 =	smov.u32 s29;
	s29 =	sadd.s32 $0x2, s29  }
0x24e: {  	v2 =	vadd.f32 v2, v4;
	_ =	sdelay $0x1  }
0x24f: {  	v0 =	vadd.f32 v0, v2;
	_ =	sdelay $0x1  }
0x250: {  	v0 =	vadd.f32 v3, v0  }
0x251: {  	s1 =	smul.u32 $0x3400, s31  }
0x252: {  	v0 =	vadd.f32 v1, v0  }
0x253: {  	s1 =	sshra.s32 s1, $0x2  }
0x254: {  	[tilespmem:s30+$0x1A830] =	vst v0  }
0x255: {  	v0 =	vld [tilespmem:s1+$0x800]  }
0x256: {  	v1 =	vld [tilespmem:s1+$0x880]  }
0x257: {  	v2 =	vld [tilespmem:s1+$0x900];
	_ =	sdelay $0x1  }
0x258: {  	v3 =	vld [tilespmem:s1+$0x980];
	_ =	sdelay $0x1  }
0x259: {  	v0 =	vadd.f32 v1, v0  }
0x25a: {  	v1 =	vld [tilespmem:s1+$0xA00]  }
0x25b: {  	v0 =	vadd.f32 v2, v0  }
0x25c: {  	v2 =	vld [tilespmem:s1+$0xA80]  }
0x25d: {  	v0 =	vadd.f32 v3, v0  }
0x25e: {  	v3 =	vld [tilespmem:s1+$0xB00]  }
0x25f: {  	v0 =	vadd.f32 v1, v0  }
0x260: {  	v1 =	vld [tilespmem:s1+$0xB80]  }
0x261: {  	v0 =	vadd.f32 v2, v0  }
0x262: {  	v2 =	vld [tilespmem:s1+$0xC00]  }
0x263: {  	v0 =	vadd.f32 v3, v0  }
0x264: {  	v3 =	vld [tilespmem:s1+$0xC80]  }
0x265: {  	v0 =	vadd.f32 v1, v0  }
0x266: {  	v1 =	vld [tilespmem:s1+$0xD00]  }
0x267: {  	v0 =	vadd.f32 v2, v0  }
0x268: {  	v2 =	vld [tilespmem:s1+$0xD80]  }
0x269: {  	v0 =	vadd.f32 v3, v0  }
0x26a: {  	v3 =	vld [tilespmem:s1+$0xE00]  }
0x26b: {  	v0 =	vadd.f32 v1, v0  }
0x26c: {  	v1 =	vld [tilespmem:s1+$0xEC0]  }
0x26d: {  	v0 =	vadd.f32 v2, v0  }
0x26e: {  	v2 =	vld [tilespmem:s1+$0xF40]  }
0x26f: {  	v0 =	vadd.f32 v3, v0  }
0x270: {  	v3 =	vld [tilespmem:s1+$0xFC0]  }
0x271: {  	v0 =	vadd.f32 v1, v0  }
0x272: {  	v1 =	vld [tilespmem:s1+$0x1040]  }
0x273: {  	v0 =	vadd.f32 v2, v0  }
0x274: {  	v2 =	vld [tilespmem:s1+$0x10C0]  }
0x275: {  	v0 =	vadd.f32 v3, v0  }
0x276: {  	v3 =	vld [tilespmem:s1+$0x1140]  }
0x277: {  	v0 =	vadd.f32 v1, v0  }
0x278: {  	v1 =	vld [tilespmem:s1+$0x11C0]  }
0x279: {  	v0 =	vadd.f32 v2, v0  }
0x27a: {  	v2 =	vld [tilespmem:s1+$0x1240]  }
0x27b: {  	v0 =	vadd.f32 v3, v0  }
0x27c: {  	v3 =	vld [tilespmem:s1+$0x12C0]  }
0x27d: {  	v0 =	vadd.f32 v1, v0  }
0x27e: {  	v1 =	vld [tilespmem:s1+$0x1340]  }
0x27f: {  	v0 =	vadd.f32 v2, v0  }
0x280: {  	v2 =	vld [tilespmem:s1+$0x13C0]  }
0x281: {  	v0 =	vadd.f32 v3, v0  }
0x282: {  	v3 =	vld [tilespmem:s1+$0x1440]  }
0x283: {  	v0 =	vadd.f32 v1, v0  }
0x284: {  	v1 =	vld [tilespmem:s1+$0x14C0]  }
0x285: {  	v0 =	vadd.f32 v2, v0;
	_ =	sdelay $0x1  }
0x286: {  	v0 =	vadd.f32 v3, v0;
	_ =	sdelay $0x1  }
0x287: {  	s30 =	sshll.u32 s31, $0x7;
	v0 =	vadd.f32 v1, v0  }
0x288: {  	s30 =	sand.u32 $0x3FFFFF80, s30  }
0x289: {  	[tilespmem:s30+$0x1A800] =	vst v0  }
0x28a: {  	v0 =	vld [tilespmem:s1+$0x810]  }
0x28b: {  	v1 =	vld [tilespmem:s1+$0x890];
	_ =	sdelay $0x1  }
0x28c: {  	v2 =	vld [tilespmem:s1+$0x910];
	_ =	sdelay $0x1  }
0x28d: {  	v3 =	vld [tilespmem:s1+$0x990]  }
0x28e: {  	v0 =	vadd.f32 v1, v0  }
0x28f: {  	v1 =	vld [tilespmem:s1+$0xA10]  }
0x290: {  	v0 =	vadd.f32 v2, v0  }
0x291: {  	v2 =	vld [tilespmem:s1+$0xA90]  }
0x292: {  	v0 =	vadd.f32 v3, v0  }
0x293: {  	v3 =	vld [tilespmem:s1+$0xB10]  }
0x294: {  	v0 =	vadd.f32 v1, v0  }
0x295: {  	v1 =	vld [tilespmem:s1+$0xB90]  }
0x296: {  	v0 =	vadd.f32 v2, v0  }
0x297: {  	v2 =	vld [tilespmem:s1+$0xC10]  }
0x298: {  	v0 =	vadd.f32 v3, v0  }
0x299: {  	v3 =	vld [tilespmem:s1+$0xC90]  }
0x29a: {  	v0 =	vadd.f32 v1, v0  }
0x29b: {  	v1 =	vld [tilespmem:s1+$0xD10]  }
0x29c: {  	v0 =	vadd.f32 v2, v0  }
0x29d: {  	v2 =	vld [tilespmem:s1+$0xD90]  }
0x29e: {  	v0 =	vadd.f32 v3, v0  }
0x29f: {  	v3 =	vld [tilespmem:s1+$0xE10]  }
0x2a0: {  	v0 =	vadd.f32 v1, v0  }
0x2a1: {  	v1 =	vld [tilespmem:s1+$0xED0]  }
0x2a2: {  	v0 =	vadd.f32 v2, v0  }
0x2a3: {  	v2 =	vld [tilespmem:s1+$0xF50]  }
0x2a4: {  	v0 =	vadd.f32 v3, v0  }
0x2a5: {  	v3 =	vld [tilespmem:s1+$0xFD0]  }
0x2a6: {  	v0 =	vadd.f32 v1, v0  }
0x2a7: {  	v1 =	vld [tilespmem:s1+$0x1050]  }
0x2a8: {  	v0 =	vadd.f32 v2, v0  }
0x2a9: {  	v2 =	vld [tilespmem:s1+$0x10D0]  }
0x2aa: {  	v0 =	vadd.f32 v3, v0  }
0x2ab: {  	v3 =	vld [tilespmem:s1+$0x1150]  }
0x2ac: {  	v0 =	vadd.f32 v1, v0  }
0x2ad: {  	v1 =	vld [tilespmem:s1+$0x11D0]  }
0x2ae: {  	v0 =	vadd.f32 v2, v0  }
0x2af: {  	v2 =	vld [tilespmem:s1+$0x1250]  }
0x2b0: {  	v0 =	vadd.f32 v3, v0  }
0x2b1: {  	v3 =	vld [tilespmem:s1+$0x12D0]  }
0x2b2: {  	v0 =	vadd.f32 v1, v0  }
0x2b3: {  	v1 =	vld [tilespmem:s1+$0x1350]  }
0x2b4: {  	v0 =	vadd.f32 v2, v0  }
0x2b5: {  	v2 =	vld [tilespmem:s1+$0x13D0]  }
0x2b6: {  	v0 =	vadd.f32 v3, v0  }
0x2b7: {  	v3 =	vld [tilespmem:s1+$0x1450]  }
0x2b8: {  	v0 =	vadd.f32 v1, v0  }
0x2b9: {  	v1 =	vld [tilespmem:s1+$0x14D0]  }
0x2ba: {  	v0 =	vadd.f32 v2, v0;
	_ =	sdelay $0x1  }
0x2bb: {  	v0 =	vadd.f32 v3, v0;
	_ =	sdelay $0x1  }
0x2bc: {  	v0 =	vadd.f32 v1, v0;
	_ =	sdelay $0x1  }
0x2bd: {  	[tilespmem:s30+$0x1A810] =	vst v0  }
0x2be: {  	v0 =	vld [tilespmem:s1+$0x820]  }
0x2bf: {  	v1 =	vld [tilespmem:s1+$0x8A0];
	_ =	sdelay $0x1  }
0x2c0: {  	v2 =	vld [tilespmem:s1+$0x920];
	_ =	sdelay $0x1  }
0x2c1: {  	v3 =	vld [tilespmem:s1+$0x9A0]  }
0x2c2: {  	v0 =	vadd.f32 v1, v0  }
0x2c3: {  	v1 =	vld [tilespmem:s1+$0xA20]  }
0x2c4: {  	v0 =	vadd.f32 v2, v0  }
0x2c5: {  	v2 =	vld [tilespmem:s1+$0xAA0]  }
0x2c6: {  	v0 =	vadd.f32 v3, v0  }
0x2c7: {  	v3 =	vld [tilespmem:s1+$0xB20]  }
0x2c8: {  	v0 =	vadd.f32 v1, v0  }
0x2c9: {  	v1 =	vld [tilespmem:s1+$0xBA0]  }
0x2ca: {  	v0 =	vadd.f32 v2, v0  }
0x2cb: {  	v2 =	vld [tilespmem:s1+$0xC20]  }
0x2cc: {  	v0 =	vadd.f32 v3, v0  }
0x2cd: {  	v3 =	vld [tilespmem:s1+$0xCA0]  }
0x2ce: {  	v0 =	vadd.f32 v1, v0  }
0x2cf: {  	v1 =	vld [tilespmem:s1+$0xD20]  }
0x2d0: {  	v0 =	vadd.f32 v2, v0  }
0x2d1: {  	v2 =	vld [tilespmem:s1+$0xDA0]  }
0x2d2: {  	v0 =	vadd.f32 v3, v0  }
0x2d3: {  	v3 =	vld [tilespmem:s1+$0xE20]  }
0x2d4: {  	v0 =	vadd.f32 v1, v0  }
0x2d5: {  	v1 =	vld [tilespmem:s1+$0xEE0]  }
0x2d6: {  	v0 =	vadd.f32 v2, v0  }
0x2d7: {  	v2 =	vld [tilespmem:s1+$0xF60]  }
0x2d8: {  	v0 =	vadd.f32 v3, v0  }
0x2d9: {  	v3 =	vld [tilespmem:s1+$0xFE0]  }
0x2da: {  	v0 =	vadd.f32 v1, v0  }
0x2db: {  	v1 =	vld [tilespmem:s1+$0x1060]  }
0x2dc: {  	v0 =	vadd.f32 v2, v0  }
0x2dd: {  	v2 =	vld [tilespmem:s1+$0x10E0]  }
0x2de: {  	v0 =	vadd.f32 v3, v0  }
0x2df: {  	v3 =	vld [tilespmem:s1+$0x1160]  }
0x2e0: {  	v0 =	vadd.f32 v1, v0  }
0x2e1: {  	v1 =	vld [tilespmem:s1+$0x11E0]  }
0x2e2: {  	v0 =	vadd.f32 v2, v0  }
0x2e3: {  	v2 =	vld [tilespmem:s1+$0x1260]  }
0x2e4: {  	v0 =	vadd.f32 v3, v0  }
0x2e5: {  	v3 =	vld [tilespmem:s1+$0x12E0]  }
0x2e6: {  	v0 =	vadd.f32 v1, v0  }
0x2e7: {  	v1 =	vld [tilespmem:s1+$0x1360]  }
0x2e8: {  	v0 =	vadd.f32 v2, v0  }
0x2e9: {  	v2 =	vld [tilespmem:s1+$0x13E0]  }
0x2ea: {  	v0 =	vadd.f32 v3, v0  }
0x2eb: {  	v3 =	vld [tilespmem:s1+$0x1460]  }
0x2ec: {  	v0 =	vadd.f32 v1, v0  }
0x2ed: {  	v1 =	vld [tilespmem:s1+$0x14E0]  }
0x2ee: {  	v0 =	vadd.f32 v2, v0;
	_ =	sdelay $0x1  }
0x2ef: {  	v0 =	vadd.f32 v3, v0;
	_ =	sdelay $0x1  }
0x2f0: {  	v0 =	vadd.f32 v1, v0;
	_ =	sdelay $0x1  }
0x2f1: {  	[tilespmem:s30+$0x1A820] =	vst v0  }
0x2f2: {  	v0 =	vld [tilespmem:s1+$0x830]  }
0x2f3: {  	v1 =	vld [tilespmem:s1+$0x8B0]  }
0x2f4: {  	v2 =	vld [tilespmem:s1+$0x930];
	_ =	sdelay $0x2  }
0x2f5: {  	v3 =	vld [tilespmem:s1+$0x9B0]  }
0x2f6: {  	v0 =	vadd.f32 v1, v0  }
0x2f7: {  	v1 =	vld [tilespmem:s1+$0xA30]  }
0x2f8: {  	v0 =	vadd.f32 v2, v0  }
0x2f9: {  	v2 =	vld [tilespmem:s1+$0xAB0]  }
0x2fa: {  	v0 =	vadd.f32 v3, v0  }
0x2fb: {  	v3 =	vld [tilespmem:s1+$0xB30]  }
0x2fc: {  	v0 =	vadd.f32 v1, v0  }
0x2fd: {  	v1 =	vld [tilespmem:s1+$0xBB0]  }
0x2fe: {  	v0 =	vadd.f32 v2, v0  }
0x2ff: {  	v2 =	vld [tilespmem:s1+$0xC30]  }
0x300: {  	v0 =	vadd.f32 v3, v0  }
0x301: {  	v3 =	vld [tilespmem:s1+$0xCB0]  }
0x302: {  	v0 =	vadd.f32 v1, v0  }
0x303: {  	v1 =	vld [tilespmem:s1+$0xD30]  }
0x304: {  	v0 =	vadd.f32 v2, v0  }
0x305: {  	v2 =	vld [tilespmem:s1+$0xDB0]  }
0x306: {  	v0 =	vadd.f32 v3, v0  }
0x307: {  	v3 =	vld [tilespmem:s1+$0xE30]  }
0x308: {  	v0 =	vadd.f32 v1, v0  }
0x309: {  	v1 =	vld [tilespmem:s1+$0xEF0]  }
0x30a: {  	v0 =	vadd.f32 v2, v0  }
0x30b: {  	v2 =	vld [tilespmem:s1+$0xF70]  }
0x30c: {  	v0 =	vadd.f32 v3, v0  }
0x30d: {  	v3 =	vld [tilespmem:s1+$0xFF0]  }
0x30e: {  	v0 =	vadd.f32 v1, v0  }
0x30f: {  	v1 =	vld [tilespmem:s1+$0x1070]  }
0x310: {  	v0 =	vadd.f32 v2, v0  }
0x311: {  	v2 =	vld [tilespmem:s1+$0x10F0]  }
0x312: {  	v0 =	vadd.f32 v3, v0  }
0x313: {  	v3 =	vld [tilespmem:s1+$0x1170]  }
0x314: {  	v0 =	vadd.f32 v1, v0  }
0x315: {  	v1 =	vld [tilespmem:s1+$0x11F0]  }
0x316: {  	v0 =	vadd.f32 v2, v0  }
0x317: {  	v2 =	vld [tilespmem:s1+$0x1270]  }
0x318: {  	v0 =	vadd.f32 v3, v0  }
0x319: {  	v3 =	vld [tilespmem:s1+$0x12F0]  }
0x31a: {  	v0 =	vadd.f32 v1, v0  }
0x31b: {  	v1 =	vld [tilespmem:s1+$0x1370]  }
0x31c: {  	v0 =	vadd.f32 v2, v0  }
0x31d: {  	v2 =	vld [tilespmem:s1+$0x13F0]  }
0x31e: {  	v0 =	vadd.f32 v3, v0  }
0x31f: {  	v3 =	vld [tilespmem:s1+$0x1470]  }
0x320: {  	v0 =	vadd.f32 v1, v0  }
0x321: {  	v1 =	vld [tilespmem:s1+$0x14F0]  }
0x322: {  	v0 =	vadd.f32 v2, v0;
	_ =	sdelay $0x1  }
0x323: {  	v0 =	vadd.f32 v3, v0  }
0x324: {  	s1 =	sor.u32 $0x1, s31  }
0x325: {  	s0 =	smul.u32 $0x3400, s1;
	s31 =	sshll.u32 s1, $0x7;
	v0 =	vadd.f32 v1, v0;
	_ =	sdelay $0x1  }
0x326: {  	s1 =	sshra.s32 s0, $0x2;
	[tilespmem:s30+$0x1A830] =	vst v0  }
0x327: {  	v0 =	vld [tilespmem:s1+$0x800]  }
0x328: {  	v1 =	vld [tilespmem:s1+$0x880];
	_ =	sdelay $0x1  }
0x329: {  	v2 =	vld [tilespmem:s1+$0x900];
	_ =	sdelay $0x1  }
0x32a: {  	v3 =	vld [tilespmem:s1+$0x980]  }
0x32b: {  	v0 =	vadd.f32 v1, v0  }
0x32c: {  	v1 =	vld [tilespmem:s1+$0xA00]  }
0x32d: {  	v0 =	vadd.f32 v2, v0  }
0x32e: {  	v2 =	vld [tilespmem:s1+$0xA80]  }
0x32f: {  	v0 =	vadd.f32 v3, v0  }
0x330: {  	v3 =	vld [tilespmem:s1+$0xB00]  }
0x331: {  	v0 =	vadd.f32 v1, v0  }
0x332: {  	v1 =	vld [tilespmem:s1+$0xB80]  }
0x333: {  	v0 =	vadd.f32 v2, v0  }
0x334: {  	v2 =	vld [tilespmem:s1+$0xC00]  }
0x335: {  	v0 =	vadd.f32 v3, v0  }
0x336: {  	v3 =	vld [tilespmem:s1+$0xC80]  }
0x337: {  	v0 =	vadd.f32 v1, v0  }
0x338: {  	v1 =	vld [tilespmem:s1+$0xD00]  }
0x339: {  	v0 =	vadd.f32 v2, v0  }
0x33a: {  	v2 =	vld [tilespmem:s1+$0xD80]  }
0x33b: {  	v0 =	vadd.f32 v3, v0  }
0x33c: {  	v3 =	vld [tilespmem:s1+$0xE00]  }
0x33d: {  	v0 =	vadd.f32 v1, v0  }
0x33e: {  	v1 =	vld [tilespmem:s1+$0xEC0]  }
0x33f: {  	v0 =	vadd.f32 v2, v0  }
0x340: {  	v2 =	vld [tilespmem:s1+$0xF40]  }
0x341: {  	v0 =	vadd.f32 v3, v0  }
0x342: {  	v3 =	vld [tilespmem:s1+$0xFC0]  }
0x343: {  	v0 =	vadd.f32 v1, v0  }
0x344: {  	v1 =	vld [tilespmem:s1+$0x1040]  }
0x345: {  	v0 =	vadd.f32 v2, v0  }
0x346: {  	v2 =	vld [tilespmem:s1+$0x10C0]  }
0x347: {  	v0 =	vadd.f32 v3, v0  }
0x348: {  	v3 =	vld [tilespmem:s1+$0x1140]  }
0x349: {  	v0 =	vadd.f32 v1, v0  }
0x34a: {  	v1 =	vld [tilespmem:s1+$0x11C0]  }
0x34b: {  	v0 =	vadd.f32 v2, v0  }
0x34c: {  	v2 =	vld [tilespmem:s1+$0x1240]  }
0x34d: {  	v0 =	vadd.f32 v3, v0  }
0x34e: {  	v3 =	vld [tilespmem:s1+$0x12C0]  }
0x34f: {  	v0 =	vadd.f32 v1, v0  }
0x350: {  	v1 =	vld [tilespmem:s1+$0x1340]  }
0x351: {  	v0 =	vadd.f32 v2, v0  }
0x352: {  	v2 =	vld [tilespmem:s1+$0x13C0]  }
0x353: {  	v0 =	vadd.f32 v3, v0  }
0x354: {  	v3 =	vld [tilespmem:s1+$0x1440]  }
0x355: {  	v0 =	vadd.f32 v1, v0  }
0x356: {  	v1 =	vld [tilespmem:s1+$0x14C0]  }
0x357: {  	v0 =	vadd.f32 v2, v0;
	_ =	sdelay $0x1  }
0x358: {  	v0 =	vadd.f32 v3, v0;
	_ =	sdelay $0x1  }
0x359: {  	v0 =	vadd.f32 v1, v0  }
0x35a: {  	s30 =	sand.u32 $0x3FFFFF80, s31  }
0x35b: {  	[tilespmem:s30+$0x1A800] =	vst v0  }
0x35c: {  	v0 =	vld [tilespmem:s1+$0x810]  }
0x35d: {  	v1 =	vld [tilespmem:s1+$0x890]  }
0x35e: {  	v2 =	vld [tilespmem:s1+$0x910]  }
0x35f: {  	v3 =	vld [tilespmem:s1+$0x990]  }
0x360: {  	v4 =	vld [tilespmem:s1+$0xA10]  }
0x361: {  	v5 =	vld [tilespmem:s1+$0xA90]  }
0x362: {  	v0 =	vadd.f32 v1, v0;
	v1 =	vld [tilespmem:s1+$0xB10]  }
0x363: {  	v6 =	vld [tilespmem:s1+$0xB90]  }
0x364: {  	v0 =	vadd.f32 v2, v0;
	v2 =	vld [tilespmem:s1+$0xC10]  }
0x365: {  	v7 =	vld [tilespmem:s1+$0xC90]  }
0x366: {  	v0 =	vadd.f32 v3, v0;
	v3 =	vld [tilespmem:s1+$0xD10]  }
0x367: {  	v8 =	vld [tilespmem:s1+$0xD90]  }
0x368: {  	v0 =	vadd.f32 v4, v0;
	v4 =	vld [tilespmem:s1+$0xE10]  }
0x369: {  	v9 =	vld [tilespmem:s1+$0xED0]  }
0x36a: {  	v0 =	vadd.f32 v5, v0;
	v5 =	vld [tilespmem:s1+$0xF50]  }
0x36b: {  	v10 =	vld [tilespmem:s1+$0xFD0]  }
0x36c: {  	v0 =	vadd.f32 v1, v0;
	v1 =	vld [tilespmem:s1+$0x1050]  }
0x36d: {  	v11 =	vld [tilespmem:s1+$0x10D0]  }
0x36e: {  	v0 =	vadd.f32 v6, v0;
	v6 =	vld [tilespmem:s1+$0x1150]  }
0x36f: {  	v12 =	vld [tilespmem:s1+$0x11D0]  }
0x370: {  	v0 =	vadd.f32 v2, v0;
	v2 =	vld [tilespmem:s1+$0x1250]  }
0x371: {  	v13 =	vld [tilespmem:s1+$0x12D0]  }
0x372: {  	v0 =	vadd.f32 v7, v0;
	v7 =	vld [tilespmem:s1+$0x1350]  }
0x373: {  	v14 =	vld [tilespmem:s1+$0x13D0]  }
0x374: {  	v0 =	vadd.f32 v3, v0;
	v3 =	vld [tilespmem:s1+$0x1450]  }
0x375: {  	v15 =	vld [tilespmem:s1+$0x14D0]  }
0x376: {  	v0 =	vadd.f32 v8, v0;
	_ =	sdelay $0x1  }
0x377: {  	v0 =	vadd.f32 v4, v0;
	_ =	sdelay $0x1  }
0x378: {  	v0 =	vadd.f32 v9, v0;
	_ =	sdelay $0x1  }
0x379: {  	v0 =	vadd.f32 v5, v0;
	_ =	sdelay $0x1  }
0x37a: {  	v0 =	vadd.f32 v10, v0;
	_ =	sdelay $0x1  }
0x37b: {  	v0 =	vadd.f32 v1, v0;
	_ =	sdelay $0x1  }
0x37c: {  	v0 =	vadd.f32 v11, v0;
	_ =	sdelay $0x1  }
0x37d: {  	v0 =	vadd.f32 v6, v0;
	_ =	sdelay $0x1  }
0x37e: {  	v0 =	vadd.f32 v12, v0;
	_ =	sdelay $0x1  }
0x37f: {  	v0 =	vadd.f32 v2, v0;
	_ =	sdelay $0x1  }
0x380: {  	v0 =	vadd.f32 v13, v0;
	_ =	sdelay $0x1  }
0x381: {  	v0 =	vadd.f32 v7, v0;
	_ =	sdelay $0x1  }
0x382: {  	v0 =	vadd.f32 v14, v0;
	_ =	sdelay $0x1  }
0x383: {  	v0 =	vadd.f32 v3, v0;
	_ =	sdelay $0x1  }
0x384: {  	v0 =	vadd.f32 v15, v0;
	_ =	sdelay $0x1  }
0x385: {  	[tilespmem:s30+$0x1A810] =	vst v0  }
0x386: {  	v0 =	vld [tilespmem:s1+$0x820]  }
0x387: {  	v1 =	vld [tilespmem:s1+$0x8A0]  }
0x388: {  	v2 =	vld [tilespmem:s1+$0x920]  }
0x389: {  	v3 =	vld [tilespmem:s1+$0x9A0]  }
0x38a: {  	v4 =	vld [tilespmem:s1+$0xA20]  }
0x38b: {  	v5 =	vld [tilespmem:s1+$0xAA0]  }
0x38c: {  	v0 =	vadd.f32 v1, v0;
	v1 =	vld [tilespmem:s1+$0xB20]  }
0x38d: {  	v6 =	vld [tilespmem:s1+$0xBA0]  }
0x38e: {  	v0 =	vadd.f32 v2, v0;
	v2 =	vld [tilespmem:s1+$0xC20]  }
0x38f: {  	v7 =	vld [tilespmem:s1+$0xCA0]  }
0x390: {  	v0 =	vadd.f32 v3, v0;
	v3 =	vld [tilespmem:s1+$0xD20]  }
0x391: {  	v8 =	vld [tilespmem:s1+$0xDA0]  }
0x392: {  	v0 =	vadd.f32 v4, v0;
	v4 =	vld [tilespmem:s1+$0xE20]  }
0x393: {  	v9 =	vld [tilespmem:s1+$0xEE0]  }
0x394: {  	v0 =	vadd.f32 v5, v0;
	v5 =	vld [tilespmem:s1+$0xF60]  }
0x395: {  	v10 =	vld [tilespmem:s1+$0xFE0]  }
0x396: {  	v0 =	vadd.f32 v1, v0;
	v1 =	vld [tilespmem:s1+$0x1060]  }
0x397: {  	v11 =	vld [tilespmem:s1+$0x10E0]  }
0x398: {  	v0 =	vadd.f32 v6, v0;
	v6 =	vld [tilespmem:s1+$0x1160]  }
0x399: {  	v12 =	vld [tilespmem:s1+$0x11E0]  }
0x39a: {  	v0 =	vadd.f32 v2, v0;
	v2 =	vld [tilespmem:s1+$0x1260]  }
0x39b: {  	v13 =	vld [tilespmem:s1+$0x12E0]  }
0x39c: {  	v0 =	vadd.f32 v7, v0;
	v7 =	vld [tilespmem:s1+$0x1360]  }
0x39d: {  	v14 =	vld [tilespmem:s1+$0x13E0]  }
0x39e: {  	v0 =	vadd.f32 v3, v0;
	v3 =	vld [tilespmem:s1+$0x1460]  }
0x39f: {  	v15 =	vld [tilespmem:s1+$0x14E0]  }
0x3a0: {  	v0 =	vadd.f32 v8, v0;
	_ =	sdelay $0x1  }
0x3a1: {  	v0 =	vadd.f32 v4, v0;
	_ =	sdelay $0x1  }
0x3a2: {  	v0 =	vadd.f32 v9, v0;
	_ =	sdelay $0x1  }
0x3a3: {  	v0 =	vadd.f32 v5, v0;
	_ =	sdelay $0x1  }
0x3a4: {  	v0 =	vadd.f32 v10, v0;
	_ =	sdelay $0x1  }
0x3a5: {  	v0 =	vadd.f32 v1, v0;
	_ =	sdelay $0x1  }
0x3a6: {  	v0 =	vadd.f32 v11, v0;
	_ =	sdelay $0x1  }
0x3a7: {  	v0 =	vadd.f32 v6, v0;
	_ =	sdelay $0x1  }
0x3a8: {  	v0 =	vadd.f32 v12, v0;
	_ =	sdelay $0x1  }
0x3a9: {  	v0 =	vadd.f32 v2, v0;
	_ =	sdelay $0x1  }
0x3aa: {  	v0 =	vadd.f32 v13, v0;
	_ =	sdelay $0x1  }
0x3ab: {  	v0 =	vadd.f32 v7, v0;
	_ =	sdelay $0x1  }
0x3ac: {  	v0 =	vadd.f32 v14, v0;
	_ =	sdelay $0x1  }
0x3ad: {  	v0 =	vadd.f32 v3, v0;
	_ =	sdelay $0x1  }
0x3ae: {  	v0 =	vadd.f32 v15, v0;
	_ =	sdelay $0x1  }
0x3af: {  	[tilespmem:s30+$0x1A820] =	vst v0  }
0x3b0: {  	v0 =	vld [tilespmem:s1+$0x830]  }
0x3b1: {  	v1 =	vld [tilespmem:s1+$0x8B0]  }
0x3b2: {  	v2 =	vld [tilespmem:s1+$0x930]  }
0x3b3: {  	v3 =	vld [tilespmem:s1+$0x9B0]  }
0x3b4: {  	v4 =	vld [tilespmem:s1+$0xA30]  }
0x3b5: {  	v5 =	vld [tilespmem:s1+$0xAB0]  }
0x3b6: {  	v0 =	vadd.f32 v1, v0;
	v1 =	vld [tilespmem:s1+$0xB30]  }
0x3b7: {  	v6 =	vld [tilespmem:s1+$0xBB0]  }
0x3b8: {  	v0 =	vadd.f32 v2, v0;
	v2 =	vld [tilespmem:s1+$0xC30]  }
0x3b9: {  	v7 =	vld [tilespmem:s1+$0xCB0]  }
0x3ba: {  	v0 =	vadd.f32 v3, v0;
	v8 =	vld [tilespmem:s1+$0xDB0]  }
0x3bb: {  	v3 =	vld [tilespmem:s1+$0xD30]  }
0x3bc: {  	v0 =	vadd.f32 v4, v0;
	v4 =	vld [tilespmem:s1+$0xE30]  }
0x3bd: {  	v9 =	vld [tilespmem:s1+$0xEF0]  }
0x3be: {  	v0 =	vadd.f32 v5, v0;
	v5 =	vld [tilespmem:s1+$0xF70]  }
0x3bf: {  	v10 =	vld [tilespmem:s1+$0xFF0]  }
0x3c0: {  	v0 =	vadd.f32 v1, v0;
	v11 =	vld [tilespmem:s1+$0x1070]  }
0x3c1: {  	v12 =	vld [tilespmem:s1+$0x10F0]  }
0x3c2: {  	v0 =	vadd.f32 v6, v0;
	v6 =	vld [tilespmem:s1+$0x1170]  }
0x3c3: {  	v13 =	vld [tilespmem:s1+$0x11F0]  }
0x3c4: {  	v0 =	vadd.f32 v2, v0;
	v14 =	vld [tilespmem:s1+$0x1270]  }
0x3c5: {  	v15 =	vld [tilespmem:s1+$0x12F0]  }
0x3c6: {  	v1 =	vadd.f32 v7, v0;
	v2 =	vld [tilespmem:s1+$0x1370]  }
0x3c7: {  	v0 =	vld [tilespmem:s1+$0x13F0]  }
0x3c8: {  	v7 =	vadd.f32 v3, v1;
	v3 =	vld [tilespmem:s1+$0x1470]  }
0x3c9: {  	v1 =	vld [tilespmem:s1+$0x14F0]  }
0x3ca: {  	v7 =	vadd.f32 v8, v7;
	_ =	sdelay $0x1  }
0x3cb: {  	v4 =	vadd.f32 v4, v7;
	_ =	sdelay $0x1  }
0x3cc: {  	v4 =	vadd.f32 v9, v4;
	_ =	sdelay $0x1  }
0x3cd: {  	v4 =	vadd.f32 v5, v4;
	_ =	sdelay $0x1  }
0x3ce: {  	v4 =	vadd.f32 v10, v4;
	_ =	sdelay $0x1  }
0x3cf: {  	v4 =	vadd.f32 v11, v4;
	_ =	sdelay $0x1  }
0x3d0: {  	v4 =	vadd.f32 v12, v4;
	_ =	sdelay $0x1  }
0x3d1: {  	v4 =	vadd.f32 v6, v4;
	_ =	sdelay $0x1  }
.Ltmp0:
0x3d2: {  	v4 =	vadd.f32 v13, v4;
	(pc) =	sbr.rel @p0 .LBB2_3-.Ltmp0, $3  }
0x3d3: {  	_ = 	snop  }
0x3d4: {  	v4 =	vadd.f32 v14, v4;
	_ =	sdelay $0x1  }
0x3d5: {  	v4 =	vadd.f32 v15, v4  }
0x3d6: {  	_ = 	snop  }
0x3d7: {  	v2 =	vadd.f32 v2, v4;
	_ =	sdelay $0x1  }
0x3d8: {  	v0 =	vadd.f32 v0, v2;
	_ =	sdelay $0x1  }
0x3d9: {  	v0 =	vadd.f32 v3, v0;
	_ =	sdelay $0x1  }
0x3da: {  	s0 =	sshll.u32 s28, $0x9;
	s28 =	sadd.s32 $0x1, s28;
	v0 =	vadd.f32 v1, v0  }
0x3db: {  	p0 =	sne.s32 s28, $0x10  }
.Ltmp1:
0x3dc: {  	s0 =	sadd.s32 s0, s6;
	[tilespmem:s30+$0x1A830] =	vst v0;
	(pc) =	sbr.rel @p0 .LBB2_2-.Ltmp1, $4  }
0x3dd: {  	[hbm4b:s0+s3] =	stream.linear.scatter [tilespmem:s25], [sflag:$0x2], $0x1000, $0x38;
	[tilespmem:$0x1B800] =	vst v63  }
0x3de: {  	_ =	swait.ge [sflag:s9], $0x1000  }
0x3df: {  	[sflag:s9] =	ssyncset.done $0x0  }
0x3e0: {  	[sflag:s9] =	ssyncadd.s32 $0xFFFFF000  }
0x3e1: {  	s26 =	sadd.s32 $0x1, s26  }
0x3e2: {  	p0 =	sne.s32 s26, s7  }
.Ltmp2:
0x3e3: {  	_ = 	snop;
	(pc) =	sbr.rel @p0 .LBB2_1-.Ltmp2, $1  }
0x3e4: {  	_ =	sdelay $0x3  }
0x3e5: {  	_ =	sfence.sel $0x180000  }
0x3e6: {  	[bflag:$0x0] =	sbarrier.arrive $0xFFFF  }
0x3e7: {  	_ =	strace $0x90000047  }
0x3e8: {  	s0 =	stileid.u32;
	[bflag:$0x2] =	sbarrier.arrive $0xFFFF  }
0x3e9: {  	p0 =	sne.s32 s0, $0x0;
	s0 =	rddreg [dreg:$0x2]  }
0x3ea: {  	s0 =	sadd.s32 @!p0 $0x100000, s0  }
0x3eb: {  	[sflag:s0] =	ssyncadd.tile.s32 @!p0 $0x1;
	_ =	shalt  }
.Lfunc_end2:
_tile_overlayer_lowered:
.L_overlay_start_2:
0x3ec: {  	(tag) =	ssettag $0x2  }
0x3ed: {  	s0 =	rddreg [dreg:$0x0];
	s2 =	stileid.u32  }
0x3ee: {  	s1 =	rddreg [dreg:$0x1];
	p0 =	sne.s32 s2, $0x0  }
0x3ef: {  	s3 =	rddreg [dreg:$0x2];
	[bflag:$0x3] =	sbarrier.arrive $0xFFFF;
	s2 =	simm.s32 @!p0 $0x1C02  }
0x3f0: {  	[timem:s3], [sflag:s2] =	dma.local @!p0 [hbm:s0], s1  }
0x3f1: {  	s0 =	simm.s32 @!p0 $0x2  }
0x3f2: {  	_ =	swait.ge @!p0 [sflag:s0], s1  }
0x3f3: {  	s1 =	ssub.s32 @!p0 $0x0, s1;
	[sflag:s0] =	ssyncset.done @!p0 $0x0  }
0x3f4: {  	[sflag:s0] =	ssyncadd.s32 @!p0 s1  }
0x3f5: {  	[bflag:$0x3] =	sbarrier.arrive $0xFFFF  }
0x3f6: {  	_ =	shalt  }

</sc_bundles>
